<compile_context>
chip_gen: v7x
topology: tpu7x:2x2x1
jax: 0.10.2.dev20260603
libtpu: 0.0.44.dev20260713+nightly
codegen_flags: <defaults>
</compile_context>

<pallas_src>
import functools

import jax
import jax.numpy as jnp
from jax import lax
from jax.experimental import pallas as pl
from jax.experimental.pallas import tpu as pltpu
from jax.experimental.pallas import tpu_sc as plsc

VOCAB = 1000000
EMBED_DIM = 64
BATCH = 16384

_INFO = plsc.get_sparse_core_info()
_NC = _INFO.num_cores
_NS = _INFO.num_subcores
_NW = _NC * _NS
_L = 128
_VFULL = (VOCAB // _L) * _L
_NTAIL = VOCAB - _VFULL
_CW = 256
_RPW = 31232
_NCH = _RPW // _CW
_NCH31 = (_VFULL - 31 * _RPW) // _CW
_NBKT = _NCH31 + 1
_D = 32
_NRING = 5
_TAILBASE = _NRING * _CW
_NSCAN = BATCH // 16

_mesh = plsc.VectorSubcoreMesh(core_axis_name="c", subcore_axis_name="s")


@functools.partial(
    pl.kernel,
    mesh=_mesh,
    out_type=jax.ShapeDtypeStruct((BATCH, EMBED_DIM), jnp.float32),
    scratch_types=[
        pltpu.VMEM((BATCH + 16,), jnp.int32),
        pltpu.VMEM((BATCH + 16,), jnp.int32),
        pltpu.VMEM((EMBED_DIM, _NRING * _CW + _NTAIL), jnp.float32),
        pltpu.VMEM((_NBKT * _D + 16,), jnp.int32),
        pltpu.VMEM((_NBKT + 16,), jnp.int32),
        pltpu.VMEM((_NBKT + 16,), jnp.int32),
        pltpu.VMEM((16, EMBED_DIM), jnp.float32),
        pltpu.SemaphoreType.DMA,
        pltpu.SemaphoreType.DMA,
    ],
    compiler_params=pltpu.CompilerParams(needs_layout_passes=False),
)
def _sc_gather(idx_hbm, table_hbm, tail_hbm, out_hbm, idx_v, own_v, ring_v,
               bkt_v, cnt_v, cnt2_v, row_v, csem, wsem):
    wid = lax.axis_index("s") * _NC + lax.axis_index("c")
    base = wid * _RPW
    is31 = wid == _NW - 1
    nch = jnp.where(is31, _NCH31, _NCH)
    bound = jnp.where(is31, VOCAB, base + _RPW)

    row_iota = lax.iota(jnp.int32, 16)
    lane0 = row_iota == 0

    def sload(ref, p):
        return ref[pl.ds(p, 16)][0]

    def fire_chunk(c):
        pltpu.async_copy(
            table_hbm.at[:, pl.ds(pl.multiple_of(base + c * _CW, _L), _CW)],
            ring_v.at[:, pl.ds(pl.multiple_of((c % _NRING) * _CW, _L), _CW)],
            csem,
        )

    def drain_chunk():
        pltpu.make_async_copy(
            table_hbm.at[:, pl.ds(0, _CW)],
            ring_v.at[:, pl.ds(0, _CW)],
            csem,
        ).wait()

    def drain_row():
        pltpu.make_async_copy(
            out_hbm.at[pl.ds(0, 1)],
            row_v.at[pl.ds(0, 1)],
            wsem,
        ).wait()

    def extract(b, i, off, wq):
        s = wq & 15

        @pl.when(wq >= 16)
        def _():
            drain_row()

        for k in range(EMBED_DIM // 16):
            rows = row_iota + (16 * k)
            vals = plsc.load_gather(ring_v, [rows, jnp.full((16,), off, jnp.int32)])
            plsc.store_scatter(row_v, [jnp.full((16,), s, jnp.int32), rows], vals)
        pltpu.async_copy(row_v.at[pl.ds(s, 1)], out_hbm.at[pl.ds(b, 1)], wsem)
        return wq + 1

    pltpu.sync_copy(idx_hbm, idx_v.at[pl.ds(0, BATCH)])
    pltpu.sync_copy(tail_hbm, ring_v.at[:, pl.ds(_TAILBASE, _NTAIL)])
    for c0 in range(_NRING - 1):
        fire_chunk(c0)

    zeros = jnp.zeros((16,), jnp.int32)
    for k in range((_NBKT + 15) // 16):
        cnt_v[pl.ds(16 * k, 16)] = zeros
        cnt2_v[pl.ds(16 * k, 16)] = zeros

    def scan_body(v, on):
        ivec = idx_v[pl.ds(v * 16, 16)]
        mine = (ivec >= base) & (ivec < bound)
        plsc.store_compressed(own_v.at[pl.ds(on, 16)], row_iota + v * 16, mask=mine)
        return on + plsc.all_reduce_population_count(mine)[0]

    on = lax.fori_loop(0, _NSCAN, scan_body, jnp.int32(0), unroll=16)

    def bkt_body(p, carry):
        b = sload(own_v, p)
        i = sload(idx_v, b)
        c = (i - base) >> 8
        cnt = sload(cnt_v, c)
        plsc.store_scatter(cnt_v, [jnp.full((16,), c, jnp.int32)],
                           jnp.full((16,), cnt + 1, jnp.int32), mask=lane0)
        slot = c * _D + jnp.minimum(cnt, _D - 1)
        plsc.store_scatter(bkt_v, [jnp.full((16,), slot, jnp.int32)],
                           jnp.full((16,), b, jnp.int32),
                           mask=lane0 & (cnt < _D))
        return carry | (cnt >= _D - 1).astype(jnp.int32)

    ovf_any = lax.fori_loop(0, on, bkt_body, jnp.int32(0))

    def chunk_body(c, wq):
        @pl.when(c + _NRING - 1 < nch)
        def _():
            fire_chunk(c + _NRING - 1)

        drain_chunk()
        slotbase = (c % _NRING) * _CW

        def ex_body(q, wq):
            b = sload(bkt_v, c * _D + q)
            i = sload(idx_v, b)
            return extract(b, i, slotbase + (i - base - c * _CW), wq)

        return lax.fori_loop(0, jnp.minimum(sload(cnt_v, c), _D), ex_body, wq)

    wq = lax.fori_loop(0, nch, chunk_body, jnp.int32(0))

    def tail_body(q, wq):
        b = sload(bkt_v, _NCH31 * _D + q)
        i = sload(idx_v, b)
        return extract(b, i, _TAILBASE + (i - _VFULL), wq)

    wq = lax.fori_loop(0, jnp.minimum(sload(cnt_v, _NCH31), _D), tail_body, wq)

    lax.fori_loop(0, jnp.minimum(wq, 16), lambda d, z: (drain_row(), z)[1], 0)

    def ovf_body(p, carry):
        b = sload(own_v, p)
        i = sload(idx_v, b)
        c = (i - base) >> 8
        cnt = sload(cnt2_v, c)
        plsc.store_scatter(cnt2_v, [jnp.full((16,), c, jnp.int32)],
                           jnp.full((16,), cnt + 1, jnp.int32), mask=lane0)

        @pl.when(cnt >= _D)
        def _():
            j = jnp.minimum(i >> 7, _VFULL // _L - 1)
            pltpu.sync_copy(
                table_hbm.at[:, pl.ds(pl.multiple_of(j * _L, _L), _L)],
                ring_v.at[:, pl.ds(0, _L)],
            )
            in_tail = i >= _VFULL
            off = jnp.where(in_tail, _TAILBASE + (i - _VFULL), i & (_L - 1))
            for k in range(EMBED_DIM // 16):
                rows = row_iota + (16 * k)
                vals = plsc.load_gather(ring_v, [rows, jnp.full((16,), off, jnp.int32)])
                plsc.store_scatter(row_v, [jnp.full((16,), 0, jnp.int32), rows], vals)
            pltpu.sync_copy(row_v.at[pl.ds(0, 1)], out_hbm.at[pl.ds(b, 1)])

        return carry

    @pl.when(ovf_any > 0)
    def _():
        lax.fori_loop(0, on, ovf_body, 0)


def kernel(product_ids, table):
    idx = product_ids.astype(jnp.int32)
    tail_t = table[_VFULL:, :].T
    return _sc_gather(idx, table.T, tail_t)

# --- scband reference (transcript-rebuilt; emitter-appended) ---
"""Pipeline reference for scband-product-tower-65790309040727 (READ-ONLY COPY).

The authoritative reference and input builder live on the scoring server;
editing this copy changes nothing except your own understanding.
"""

import jax, jax.numpy as jnp
import numpy as np

VOCAB = 1000000
EMBED_DIM = 64
BATCH = 16384

def setup_inputs(seed: int = 0) -> dict:
    key = jax.random.key(seed)
    k_idx, k_tab = jax.random.split(key)
    product_ids = jax.random.randint(k_idx, (BATCH,), 0, VOCAB, dtype=jnp.int64 if jax.config.jax_enable_x64 else jnp.int32)
    table = jax.random.normal(k_tab, (VOCAB, EMBED_DIM), dtype=jnp.float32)
    return {"product_ids": product_ids, "table": table}

def reference(product_ids, table):
    # nn.Embedding forward == row gather from the embedding table
    return jnp.take(table, product_ids, axis=0)

if __name__ == "__main__":
    import jax
    _d = setup_inputs()
    print(jax.jit(kernel)(*tuple(_d.values())))

</pallas_src>

<mosaic_0001>
#map = affine_map<(d0, d1) -> (0)>
#map1 = affine_map<(d0, d1) -> (0, 0)>
module attributes {stable_mosaic.version = 14 : i64} {
  func.func @_sc_gather(%arg0: i32, %arg1: i32, %arg2: memref<16384xi32, #tpu.memory_space<hbm>>, %arg3: memref<64x1000000xf32, #tpu.memory_space<hbm>>, %arg4: memref<64x64xf32, #tpu.memory_space<hbm>>, %arg5: memref<16384x64xf32, #tpu.memory_space<hbm>>, %arg6: memref<16400xi32, #tpu.memory_space<vmem>>, %arg7: memref<16400xi32, #tpu.memory_space<vmem>>, %arg8: memref<64x1344xf32, #tpu.memory_space<vmem>>, %arg9: memref<4016xi32, #tpu.memory_space<vmem>>, %arg10: memref<141xi32, #tpu.memory_space<vmem>>, %arg11: memref<141xi32, #tpu.memory_space<vmem>>, %arg12: memref<16x64xf32, #tpu.memory_space<vmem>>, %arg13: memref<!tpu.dma_semaphore, #tpu.memory_space<semaphore_mem>>, %arg14: memref<!tpu.dma_semaphore, #tpu.memory_space<semaphore_mem>>) attributes {dimension_semantics = [#tpu.dimension_semantics<core_parallel>, #tpu.dimension_semantics<subcore_parallel>], iteration_bounds = array<i64: 2, 16>, scalar_prefetch = 0 : i64, scratch_operands = 9 : i64, tpu.core_type = #tpu.core_type<sc_vector_subcore>, window_params = [{transform_indices = #map}, {transform_indices = #map1}, {transform_indices = #map1}, {transform_indices = #map1}]} {
    %mul3A = arith.constant 2 : i32
    %mul3A_0 = arith.muli %arg1, %mul3A : i32
    %add3A = arith.addi %mul3A_0, %arg0 : i32
    %mul3A_1 = arith.constant 31232 : i32
    %mul3A_2 = arith.muli %add3A, %mul3A_1 : i32
    %eq3A = arith.constant 31 : i32
    %eq3A_3 = arith.cmpi eq, %add3A, %eq3A : i32
    %jit3A = arith.constant 124 : i32
    %jit3A_4 = arith.constant 122 : i32
    %select_n3A = arith.select %eq3A_3, %jit3A, %jit3A_4 : i32
    %add3A_5 = arith.constant 31232 : i32
    %add3A_6 = arith.addi %mul3A_2, %add3A_5 : i32
    %jit3A_7 = arith.constant 1000000 : i32
    %select_n3A_8 = arith.select %eq3A_3, %jit3A_7, %add3A_6 : i32
    %iota3A = tpu.iota {dimensions = array<i32: 0>} : vector<16xi32>
    %eq3A_9 = arith.constant 0 : i32
    %eq3A_10 = vector.broadcast %eq3A_9 : i32 to vector<16xi32>
    %eq3A_11 = arith.cmpi eq, %iota3A, %eq3A_10 : vector<16xi32>
    "tpu.region"() ({
      %run_scoped3A = tpu.sem_alloc : memref<!tpu.dma_semaphore, #tpu.memory_space<semaphore_mem>>
      %dma_start3A_150 = arith.constant 0 : i32
      %dma_start3A_151 = tpu.memref_slice %arg6[%dma_start3A_150] : memref<16400xi32, #tpu.memory_space<vmem>> -> memref<16384xi32, #tpu.memory_space<vmem>>
      %dma_start3A_152 = arith.constant 0 : i32
      %dma_start3A_153 = tpu.memref_slice %arg6[%dma_start3A_152] : memref<16400xi32, #tpu.memory_space<vmem>> -> memref<16384xi32, #tpu.memory_space<vmem>>
      tpu.enqueue_dma source(%arg2 : memref<16384xi32, #tpu.memory_space<hbm>>) target(%dma_start3A_153 : memref<16384xi32, #tpu.memory_space<vmem>>) target_semaphore(%run_scoped3A : memref<!tpu.dma_semaphore, #tpu.memory_space<semaphore_mem>>)
      %dma_wait3A = arith.constant 0 : i32
      %dma_wait3A_154 = tpu.memref_slice %arg6[%dma_wait3A] : memref<16400xi32, #tpu.memory_space<vmem>> -> memref<16384xi32, #tpu.memory_space<vmem>>
      %dma_wait3A_155 = arith.constant 0 : i32
      %dma_wait3A_156 = tpu.memref_slice %arg6[%dma_wait3A_155] : memref<16400xi32, #tpu.memory_space<vmem>> -> memref<16384xi32, #tpu.memory_space<vmem>>
      tpu.wait_dma2 semaphore(%run_scoped3A : memref<!tpu.dma_semaphore, #tpu.memory_space<semaphore_mem>>) src(%arg2 : memref<16384xi32, #tpu.memory_space<hbm>>) dst(%dma_wait3A_156 : memref<16384xi32, #tpu.memory_space<vmem>>)
      tpu.yield
    }) : () -> ()
    "tpu.region"() ({
      %run_scoped3A = tpu.sem_alloc : memref<!tpu.dma_semaphore, #tpu.memory_space<semaphore_mem>>
      %dma_start3A_150 = arith.constant 0 : i32
      %dma_start3A_151 = arith.constant 1280 : i32
      %dma_start3A_152 = tpu.memref_slice %arg8[%dma_start3A_150, %dma_start3A_151] : memref<64x1344xf32, #tpu.memory_space<vmem>> -> memref<64x64xf32, #tpu.memory_space<vmem>>
      %dma_start3A_153 = arith.constant 0 : i32
      %dma_start3A_154 = arith.constant 1280 : i32
      %dma_start3A_155 = tpu.memref_slice %arg8[%dma_start3A_153, %dma_start3A_154] : memref<64x1344xf32, #tpu.memory_space<vmem>> -> memref<64x64xf32, #tpu.memory_space<vmem>>
      tpu.enqueue_dma source(%arg4 : memref<64x64xf32, #tpu.memory_space<hbm>>) target(%dma_start3A_155 : memref<64x64xf32, #tpu.memory_space<vmem>>) target_semaphore(%run_scoped3A : memref<!tpu.dma_semaphore, #tpu.memory_space<semaphore_mem>>)
      %dma_wait3A = arith.constant 0 : i32
      %dma_wait3A_156 = arith.constant 1280 : i32
      %dma_wait3A_157 = tpu.memref_slice %arg8[%dma_wait3A, %dma_wait3A_156] : memref<64x1344xf32, #tpu.memory_space<vmem>> -> memref<64x64xf32, #tpu.memory_space<vmem>>
      %dma_wait3A_158 = arith.constant 0 : i32
      %dma_wait3A_159 = arith.constant 1280 : i32
      %dma_wait3A_160 = tpu.memref_slice %arg8[%dma_wait3A_158, %dma_wait3A_159] : memref<64x1344xf32, #tpu.memory_space<vmem>> -> memref<64x64xf32, #tpu.memory_space<vmem>>
      tpu.wait_dma2 semaphore(%run_scoped3A : memref<!tpu.dma_semaphore, #tpu.memory_space<semaphore_mem>>) src(%arg4 : memref<64x64xf32, #tpu.memory_space<hbm>>) dst(%dma_wait3A_160 : memref<64x64xf32, #tpu.memory_space<vmem>>)
      tpu.yield
    }) : () -> ()
    %add3A_12 = arith.constant 0 : i32
    %add3A_13 = arith.addi %mul3A_2, %add3A_12 : i32
    %multiple_of3A = tpu.assume_multiple %add3A_13, 128 : i32
    %multiple_of3A_14 = arith.constant 0 : i32
    %multiple_of3A_15 = tpu.assume_multiple %multiple_of3A_14, 128 : i32
    %dma_start3A = arith.constant 0 : i32
    %dma_start3A_16 = tpu.memref_slice %arg8[%dma_start3A, %multiple_of3A_15] : memref<64x1344xf32, #tpu.memory_space<vmem>> -> memref<64x256xf32, #tpu.memory_space<vmem>>
    %dma_start3A_17 = arith.constant 0 : i32
    %dma_start3A_18 = tpu.memref_slice %arg3[%dma_start3A_17, %multiple_of3A] : memref<64x1000000xf32, #tpu.memory_space<hbm>> -> memref<64x256xf32, #tpu.memory_space<hbm>>
    %dma_start3A_19 = arith.constant 0 : i32
    %dma_start3A_20 = tpu.memref_slice %arg8[%dma_start3A_19, %multiple_of3A_15] : memref<64x1344xf32, #tpu.memory_space<vmem>> -> memref<64x256xf32, #tpu.memory_space<vmem>>
    %dma_start3A_21 = arith.constant 0 : i32
    %dma_start3A_22 = tpu.memref_slice %arg3[%dma_start3A_21, %multiple_of3A] : memref<64x1000000xf32, #tpu.memory_space<hbm>> -> memref<64x256xf32, #tpu.memory_space<hbm>>
    tpu.enqueue_dma source(%dma_start3A_22 : memref<64x256xf32, #tpu.memory_space<hbm>>) target(%dma_start3A_20 : memref<64x256xf32, #tpu.memory_space<vmem>>) target_semaphore(%arg13 : memref<!tpu.dma_semaphore, #tpu.memory_space<semaphore_mem>>)
    %add3A_23 = arith.constant 256 : i32
    %add3A_24 = arith.addi %mul3A_2, %add3A_23 : i32
    %multiple_of3A_25 = tpu.assume_multiple %add3A_24, 128 : i32
    %multiple_of3A_26 = arith.constant 256 : i32
    %multiple_of3A_27 = tpu.assume_multiple %multiple_of3A_26, 128 : i32
    %dma_start3A_28 = arith.constant 0 : i32
    %dma_start3A_29 = tpu.memref_slice %arg8[%dma_start3A_28, %multiple_of3A_27] : memref<64x1344xf32, #tpu.memory_space<vmem>> -> memref<64x256xf32, #tpu.memory_space<vmem>>
    %dma_start3A_30 = arith.constant 0 : i32
    %dma_start3A_31 = tpu.memref_slice %arg3[%dma_start3A_30, %multiple_of3A_25] : memref<64x1000000xf32, #tpu.memory_space<hbm>> -> memref<64x256xf32, #tpu.memory_space<hbm>>
    %dma_start3A_32 = arith.constant 0 : i32
    %dma_start3A_33 = tpu.memref_slice %arg8[%dma_start3A_32, %multiple_of3A_27] : memref<64x1344xf32, #tpu.memory_space<vmem>> -> memref<64x256xf32, #tpu.memory_space<vmem>>
    %dma_start3A_34 = arith.constant 0 : i32
    %dma_start3A_35 = tpu.memref_slice %arg3[%dma_start3A_34, %multiple_of3A_25] : memref<64x1000000xf32, #tpu.memory_space<hbm>> -> memref<64x256xf32, #tpu.memory_space<hbm>>
    tpu.enqueue_dma source(%dma_start3A_35 : memref<64x256xf32, #tpu.memory_space<hbm>>) target(%dma_start3A_33 : memref<64x256xf32, #tpu.memory_space<vmem>>) target_semaphore(%arg13 : memref<!tpu.dma_semaphore, #tpu.memory_space<semaphore_mem>>)
    %add3A_36 = arith.constant 512 : i32
    %add3A_37 = arith.addi %mul3A_2, %add3A_36 : i32
    %multiple_of3A_38 = tpu.assume_multiple %add3A_37, 128 : i32
    %multiple_of3A_39 = arith.constant 512 : i32
    %multiple_of3A_40 = tpu.assume_multiple %multiple_of3A_39, 128 : i32
    %dma_start3A_41 = arith.constant 0 : i32
    %dma_start3A_42 = tpu.memref_slice %arg8[%dma_start3A_41, %multiple_of3A_40] : memref<64x1344xf32, #tpu.memory_space<vmem>> -> memref<64x256xf32, #tpu.memory_space<vmem>>
    %dma_start3A_43 = arith.constant 0 : i32
    %dma_start3A_44 = tpu.memref_slice %arg3[%dma_start3A_43, %multiple_of3A_38] : memref<64x1000000xf32, #tpu.memory_space<hbm>> -> memref<64x256xf32, #tpu.memory_space<hbm>>
    %dma_start3A_45 = arith.constant 0 : i32
    %dma_start3A_46 = tpu.memref_slice %arg8[%dma_start3A_45, %multiple_of3A_40] : memref<64x1344xf32, #tpu.memory_space<vmem>> -> memref<64x256xf32, #tpu.memory_space<vmem>>
    %dma_start3A_47 = arith.constant 0 : i32
    %dma_start3A_48 = tpu.memref_slice %arg3[%dma_start3A_47, %multiple_of3A_38] : memref<64x1000000xf32, #tpu.memory_space<hbm>> -> memref<64x256xf32, #tpu.memory_space<hbm>>
    tpu.enqueue_dma source(%dma_start3A_48 : memref<64x256xf32, #tpu.memory_space<hbm>>) target(%dma_start3A_46 : memref<64x256xf32, #tpu.memory_space<vmem>>) target_semaphore(%arg13 : memref<!tpu.dma_semaphore, #tpu.memory_space<semaphore_mem>>)
    %add3A_49 = arith.constant 768 : i32
    %add3A_50 = arith.addi %mul3A_2, %add3A_49 : i32
    %multiple_of3A_51 = tpu.assume_multiple %add3A_50, 128 : i32
    %multiple_of3A_52 = arith.constant 768 : i32
    %multiple_of3A_53 = tpu.assume_multiple %multiple_of3A_52, 128 : i32
    %dma_start3A_54 = arith.constant 0 : i32
    %dma_start3A_55 = tpu.memref_slice %arg8[%dma_start3A_54, %multiple_of3A_53] : memref<64x1344xf32, #tpu.memory_space<vmem>> -> memref<64x256xf32, #tpu.memory_space<vmem>>
    %dma_start3A_56 = arith.constant 0 : i32
    %dma_start3A_57 = tpu.memref_slice %arg3[%dma_start3A_56, %multiple_of3A_51] : memref<64x1000000xf32, #tpu.memory_space<hbm>> -> memref<64x256xf32, #tpu.memory_space<hbm>>
    %dma_start3A_58 = arith.constant 0 : i32
    %dma_start3A_59 = tpu.memref_slice %arg8[%dma_start3A_58, %multiple_of3A_53] : memref<64x1344xf32, #tpu.memory_space<vmem>> -> memref<64x256xf32, #tpu.memory_space<vmem>>
    %dma_start3A_60 = arith.constant 0 : i32
    %dma_start3A_61 = tpu.memref_slice %arg3[%dma_start3A_60, %multiple_of3A_51] : memref<64x1000000xf32, #tpu.memory_space<hbm>> -> memref<64x256xf32, #tpu.memory_space<hbm>>
    tpu.enqueue_dma source(%dma_start3A_61 : memref<64x256xf32, #tpu.memory_space<hbm>>) target(%dma_start3A_59 : memref<64x256xf32, #tpu.memory_space<vmem>>) target_semaphore(%arg13 : memref<!tpu.dma_semaphore, #tpu.memory_space<semaphore_mem>>)
    %broadcast_in_dim3A = arith.constant 0 : i32
    %broadcast_in_dim3A_62 = vector.broadcast %broadcast_in_dim3A : i32 to vector<16xi32>
    %swap3A = arith.constant 0 : index
    %swap3A_63 = tpu.vector_load %arg10[%swap3A] {strides = array<i32>} : memref<141xi32, #tpu.memory_space<vmem>>, vector<16xi32>,
    tpu.vector_store %arg10[%swap3A], %broadcast_in_dim3A_62 {strides = array<i32>} : memref<141xi32, #tpu.memory_space<vmem>>, vector<16xi32>,
    %swap3A_64 = arith.constant 0 : index
    %swap3A_65 = tpu.vector_load %arg11[%swap3A_64] {strides = array<i32>} : memref<141xi32, #tpu.memory_space<vmem>>, vector<16xi32>,
    tpu.vector_store %arg11[%swap3A_64], %broadcast_in_dim3A_62 {strides = array<i32>} : memref<141xi32, #tpu.memory_space<vmem>>, vector<16xi32>,
    %swap3A_66 = arith.constant 16 : index
    %swap3A_67 = tpu.vector_load %arg10[%swap3A_66] {strides = array<i32>} : memref<141xi32, #tpu.memory_space<vmem>>, vector<16xi32>,
    tpu.vector_store %arg10[%swap3A_66], %broadcast_in_dim3A_62 {strides = array<i32>} : memref<141xi32, #tpu.memory_space<vmem>>, vector<16xi32>,
    %swap3A_68 = arith.constant 16 : index
    %swap3A_69 = tpu.vector_load %arg11[%swap3A_68] {strides = array<i32>} : memref<141xi32, #tpu.memory_space<vmem>>, vector<16xi32>,
    tpu.vector_store %arg11[%swap3A_68], %broadcast_in_dim3A_62 {strides = array<i32>} : memref<141xi32, #tpu.memory_space<vmem>>, vector<16xi32>,
    %swap3A_70 = arith.constant 32 : index
    %swap3A_71 = tpu.vector_load %arg10[%swap3A_70] {strides = array<i32>} : memref<141xi32, #tpu.memory_space<vmem>>, vector<16xi32>,
    tpu.vector_store %arg10[%swap3A_70], %broadcast_in_dim3A_62 {strides = array<i32>} : memref<141xi32, #tpu.memory_space<vmem>>, vector<16xi32>,
    %swap3A_72 = arith.constant 32 : index
    %swap3A_73 = tpu.vector_load %arg11[%swap3A_72] {strides = array<i32>} : memref<141xi32, #tpu.memory_space<vmem>>, vector<16xi32>,
    tpu.vector_store %arg11[%swap3A_72], %broadcast_in_dim3A_62 {strides = array<i32>} : memref<141xi32, #tpu.memory_space<vmem>>, vector<16xi32>,
    %swap3A_74 = arith.constant 48 : index
    %swap3A_75 = tpu.vector_load %arg10[%swap3A_74] {strides = array<i32>} : memref<141xi32, #tpu.memory_space<vmem>>, vector<16xi32>,
    tpu.vector_store %arg10[%swap3A_74], %broadcast_in_dim3A_62 {strides = array<i32>} : memref<141xi32, #tpu.memory_space<vmem>>, vector<16xi32>,
    %swap3A_76 = arith.constant 48 : index
    %swap3A_77 = tpu.vector_load %arg11[%swap3A_76] {strides = array<i32>} : memref<141xi32, #tpu.memory_space<vmem>>, vector<16xi32>,
    tpu.vector_store %arg11[%swap3A_76], %broadcast_in_dim3A_62 {strides = array<i32>} : memref<141xi32, #tpu.memory_space<vmem>>, vector<16xi32>,
    %swap3A_78 = arith.constant 64 : index
    %swap3A_79 = tpu.vector_load %arg10[%swap3A_78] {strides = array<i32>} : memref<141xi32, #tpu.memory_space<vmem>>, vector<16xi32>,
    tpu.vector_store %arg10[%swap3A_78], %broadcast_in_dim3A_62 {strides = array<i32>} : memref<141xi32, #tpu.memory_space<vmem>>, vector<16xi32>,
    %swap3A_80 = arith.constant 64 : index
    %swap3A_81 = tpu.vector_load %arg11[%swap3A_80] {strides = array<i32>} : memref<141xi32, #tpu.memory_space<vmem>>, vector<16xi32>,
    tpu.vector_store %arg11[%swap3A_80], %broadcast_in_dim3A_62 {strides = array<i32>} : memref<141xi32, #tpu.memory_space<vmem>>, vector<16xi32>,
    %swap3A_82 = arith.constant 80 : index
    %swap3A_83 = tpu.vector_load %arg10[%swap3A_82] {strides = array<i32>} : memref<141xi32, #tpu.memory_space<vmem>>, vector<16xi32>,
    tpu.vector_store %arg10[%swap3A_82], %broadcast_in_dim3A_62 {strides = array<i32>} : memref<141xi32, #tpu.memory_space<vmem>>, vector<16xi32>,
    %swap3A_84 = arith.constant 80 : index
    %swap3A_85 = tpu.vector_load %arg11[%swap3A_84] {strides = array<i32>} : memref<141xi32, #tpu.memory_space<vmem>>, vector<16xi32>,
    tpu.vector_store %arg11[%swap3A_84], %broadcast_in_dim3A_62 {strides = array<i32>} : memref<141xi32, #tpu.memory_space<vmem>>, vector<16xi32>,
    %swap3A_86 = arith.constant 96 : index
    %swap3A_87 = tpu.vector_load %arg10[%swap3A_86] {strides = array<i32>} : memref<141xi32, #tpu.memory_space<vmem>>, vector<16xi32>,
    tpu.vector_store %arg10[%swap3A_86], %broadcast_in_dim3A_62 {strides = array<i32>} : memref<141xi32, #tpu.memory_space<vmem>>, vector<16xi32>,
    %swap3A_88 = arith.constant 96 : index
    %swap3A_89 = tpu.vector_load %arg11[%swap3A_88] {strides = array<i32>} : memref<141xi32, #tpu.memory_space<vmem>>, vector<16xi32>,
    tpu.vector_store %arg11[%swap3A_88], %broadcast_in_dim3A_62 {strides = array<i32>} : memref<141xi32, #tpu.memory_space<vmem>>, vector<16xi32>,
    %swap3A_90 = arith.constant 112 : index
    %swap3A_91 = tpu.vector_load %arg10[%swap3A_90] {strides = array<i32>} : memref<141xi32, #tpu.memory_space<vmem>>, vector<16xi32>,
    tpu.vector_store %arg10[%swap3A_90], %broadcast_in_dim3A_62 {strides = array<i32>} : memref<141xi32, #tpu.memory_space<vmem>>, vector<16xi32>,
    %swap3A_92 = arith.constant 112 : index
    %swap3A_93 = tpu.vector_load %arg11[%swap3A_92] {strides = array<i32>} : memref<141xi32, #tpu.memory_space<vmem>>, vector<16xi32>,
    tpu.vector_store %arg11[%swap3A_92], %broadcast_in_dim3A_62 {strides = array<i32>} : memref<141xi32, #tpu.memory_space<vmem>>, vector<16xi32>,
    %scan3A = arith.constant 0 : i32
    %scan3A_94 = arith.constant 0 : i32
    %scan3A_95 = arith.constant 1024 : i32
    %scan3A_96 = arith.addi %scan3A_94, %scan3A_95 : i32
    %scan3A_97 = arith.constant 16 : i32
    %scan3A_98 = scf.for %scan3A_150 = %scan3A_94 to %scan3A_96 step %scan3A_97 iter_args(%scan3A_151 = %scan3A) -> (i32)  : i32 {
      %mul3A_152 = arith.constant 16 : i32
      %mul3A_153 = arith.muli %scan3A_150, %mul3A_152 : i32
      %get3A_154 = arith.index_cast %mul3A_153 : i32 to index
      %get3A_155 = tpu.vector_load %arg6[%get3A_154] {strides = array<i32>} : memref<16400xi32, #tpu.memory_space<vmem>>, vector<16xi32>,
      %ge3A = vector.broadcast %mul3A_2 : i32 to vector<16xi32>
      %ge3A_156 = arith.cmpi sge, %get3A_155, %ge3A : vector<16xi32>
      %lt3A = vector.broadcast %select_n3A_8 : i32 to vector<16xi32>
      %lt3A_157 = arith.cmpi slt, %get3A_155, %lt3A : vector<16xi32>
      %and3A = arith.andi %ge3A_156, %lt3A_157 : vector<16xi1>
      %mul3A_158 = arith.constant 16 : i32
      %mul3A_159 = arith.muli %scan3A_150, %mul3A_158 : i32
      %add3A_160 = vector.broadcast %mul3A_159 : i32 to vector<16xi32>
      %add3A_161 = arith.addi %iota3A, %add3A_160 : vector<16xi32>
      %swap3A_162 = arith.index_cast %scan3A_151 : i32 to index
      %swap3A_163 = tpu.vector_load %arg7[%swap3A_162] masked %and3A {strides = array<i32>} : memref<16400xi32, #tpu.memory_space<vmem>>, vector<16xi32>, vector<16xi1>
      tpu.vector_store %arg7[%swap3A_162], %add3A_161 masked %and3A {strides = array<i32>} : memref<16400xi32, #tpu.memory_space<vmem>>, vector<16xi32>, vector<16xi1>
      %all_reduce_population_count3A = tpu.all_reduce %and3A {dim = 0 : i64, kind = #tpu.reduction_kind<sum>} : vector<16xi1> -> vector<16xi32>
      %slice3A_164 = vector.extract_strided_slice %all_reduce_population_count3A {offsets = [0], sizes = [1], strides = [1]} : vector<16xi32> to vector<1xi32>
      %squeeze3A_165 = vector.extract %slice3A_164[0] : i32 from vector<1xi32>
      %add3A_166 = arith.addi %scan3A_151, %squeeze3A_165 : i32
      %scan3A_167 = arith.constant 1 : i32
      %scan3A_168 = arith.addi %scan3A_150, %scan3A_167 : i32
      %mul3A_169 = arith.constant 16 : i32
      %mul3A_170 = arith.muli %scan3A_168, %mul3A_169 : i32
      %get3A_171 = arith.index_cast %mul3A_170 : i32 to index
      %get3A_172 = tpu.vector_load %arg6[%get3A_171] {strides = array<i32>} : memref<16400xi32, #tpu.memory_space<vmem>>, vector<16xi32>,
      %ge3A_173 = vector.broadcast %mul3A_2 : i32 to vector<16xi32>
      %ge3A_174 = arith.cmpi sge, %get3A_172, %ge3A_173 : vector<16xi32>
      %lt3A_175 = vector.broadcast %select_n3A_8 : i32 to vector<16xi32>
      %lt3A_176 = arith.cmpi slt, %get3A_172, %lt3A_175 : vector<16xi32>
      %and3A_177 = arith.andi %ge3A_174, %lt3A_176 : vector<16xi1>
      %mul3A_178 = arith.constant 16 : i32
      %mul3A_179 = arith.muli %scan3A_168, %mul3A_178 : i32
      %add3A_180 = vector.broadcast %mul3A_179 : i32 to vector<16xi32>
      %add3A_181 = arith.addi %iota3A, %add3A_180 : vector<16xi32>
      %swap3A_182 = arith.index_cast %add3A_166 : i32 to index
      %swap3A_183 = tpu.vector_load %arg7[%swap3A_182] masked %and3A_177 {strides = array<i32>} : memref<16400xi32, #tpu.memory_space<vmem>>, vector<16xi32>, vector<16xi1>
      tpu.vector_store %arg7[%swap3A_182], %add3A_181 masked %and3A_177 {strides = array<i32>} : memref<16400xi32, #tpu.memory_space<vmem>>, vector<16xi32>, vector<16xi1>
      %all_reduce_population_count3A_184 = tpu.all_reduce %and3A_177 {dim = 0 : i64, kind = #tpu.reduction_kind<sum>} : vector<16xi1> -> vector<16xi32>
      %slice3A_185 = vector.extract_strided_slice %all_reduce_population_count3A_184 {offsets = [0], sizes = [1], strides = [1]} : vector<16xi32> to vector<1xi32>
      %squeeze3A_186 = vector.extract %slice3A_185[0] : i32 from vector<1xi32>
      %add3A_187 = arith.addi %add3A_166, %squeeze3A_186 : i32
      %scan3A_188 = arith.constant 2 : i32
      %scan3A_189 = arith.addi %scan3A_150, %scan3A_188 : i32
      %mul3A_190 = arith.constant 16 : i32
      %mul3A_191 = arith.muli %scan3A_189, %mul3A_190 : i32
      %get3A_192 = arith.index_cast %mul3A_191 : i32 to index
      %get3A_193 = tpu.vector_load %arg6[%get3A_192] {strides = array<i32>} : memref<16400xi32, #tpu.memory_space<vmem>>, vector<16xi32>,
      %ge3A_194 = vector.broadcast %mul3A_2 : i32 to vector<16xi32>
      %ge3A_195 = arith.cmpi sge, %get3A_193, %ge3A_194 : vector<16xi32>
      %lt3A_196 = vector.broadcast %select_n3A_8 : i32 to vector<16xi32>
      %lt3A_197 = arith.cmpi slt, %get3A_193, %lt3A_196 : vector<16xi32>
      %and3A_198 = arith.andi %ge3A_195, %lt3A_197 : vector<16xi1>
      %mul3A_199 = arith.constant 16 : i32
      %mul3A_200 = arith.muli %scan3A_189, %mul3A_199 : i32
      %add3A_201 = vector.broadcast %mul3A_200 : i32 to vector<16xi32>
      %add3A_202 = arith.addi %iota3A, %add3A_201 : vector<16xi32>
      %swap3A_203 = arith.index_cast %add3A_187 : i32 to index
      %swap3A_204 = tpu.vector_load %arg7[%swap3A_203] masked %and3A_198 {strides = array<i32>} : memref<16400xi32, #tpu.memory_space<vmem>>, vector<16xi32>, vector<16xi1>
      tpu.vector_store %arg7[%swap3A_203], %add3A_202 masked %and3A_198 {strides = array<i32>} : memref<16400xi32, #tpu.memory_space<vmem>>, vector<16xi32>, vector<16xi1>
      %all_reduce_population_count3A_205 = tpu.all_reduce %and3A_198 {dim = 0 : i64, kind = #tpu.reduction_kind<sum>} : vector<16xi1> -> vector<16xi32>
      %slice3A_206 = vector.extract_strided_slice %all_reduce_population_count3A_205 {offsets = [0], sizes = [1], strides = [1]} : vector<16xi32> to vector<1xi32>
      %squeeze3A_207 = vector.extract %slice3A_206[0] : i32 from vector<1xi32>
      %add3A_208 = arith.addi %add3A_187, %squeeze3A_207 : i32
      %scan3A_209 = arith.constant 3 : i32
      %scan3A_210 = arith.addi %scan3A_150, %scan3A_209 : i32
      %mul3A_211 = arith.constant 16 : i32
      %mul3A_212 = arith.muli %scan3A_210, %mul3A_211 : i32
      %get3A_213 = arith.index_cast %mul3A_212 : i32 to index
      %get3A_214 = tpu.vector_load %arg6[%get3A_213] {strides = array<i32>} : memref<16400xi32, #tpu.memory_space<vmem>>, vector<16xi32>,
      %ge3A_215 = vector.broadcast %mul3A_2 : i32 to vector<16xi32>
      %ge3A_216 = arith.cmpi sge, %get3A_214, %ge3A_215 : vector<16xi32>
      %lt3A_217 = vector.broadcast %select_n3A_8 : i32 to vector<16xi32>
      %lt3A_218 = arith.cmpi slt, %get3A_214, %lt3A_217 : vector<16xi32>
      %and3A_219 = arith.andi %ge3A_216, %lt3A_218 : vector<16xi1>
      %mul3A_220 = arith.constant 16 : i32
      %mul3A_221 = arith.muli %scan3A_210, %mul3A_220 : i32
      %add3A_222 = vector.broadcast %mul3A_221 : i32 to vector<16xi32>
      %add3A_223 = arith.addi %iota3A, %add3A_222 : vector<16xi32>
      %swap3A_224 = arith.index_cast %add3A_208 : i32 to index
      %swap3A_225 = tpu.vector_load %arg7[%swap3A_224] masked %and3A_219 {strides = array<i32>} : memref<16400xi32, #tpu.memory_space<vmem>>, vector<16xi32>, vector<16xi1>
      tpu.vector_store %arg7[%swap3A_224], %add3A_223 masked %and3A_219 {strides = array<i32>} : memref<16400xi32, #tpu.memory_space<vmem>>, vector<16xi32>, vector<16xi1>
      %all_reduce_population_count3A_226 = tpu.all_reduce %and3A_219 {dim = 0 : i64, kind = #tpu.reduction_kind<sum>} : vector<16xi1> -> vector<16xi32>
      %slice3A_227 = vector.extract_strided_slice %all_reduce_population_count3A_226 {offsets = [0], sizes = [1], strides = [1]} : vector<16xi32> to vector<1xi32>
      %squeeze3A_228 = vector.extract %slice3A_227[0] : i32 from vector<1xi32>
      %add3A_229 = arith.addi %add3A_208, %squeeze3A_228 : i32
      %scan3A_230 = arith.constant 4 : i32
      %scan3A_231 = arith.addi %scan3A_150, %scan3A_230 : i32
      %mul3A_232 = arith.constant 16 : i32
      %mul3A_233 = arith.muli %scan3A_231, %mul3A_232 : i32
      %get3A_234 = arith.index_cast %mul3A_233 : i32 to index
      %get3A_235 = tpu.vector_load %arg6[%get3A_234] {strides = array<i32>} : memref<16400xi32, #tpu.memory_space<vmem>>, vector<16xi32>,
      %ge3A_236 = vector.broadcast %mul3A_2 : i32 to vector<16xi32>
      %ge3A_237 = arith.cmpi sge, %get3A_235, %ge3A_236 : vector<16xi32>
      %lt3A_238 = vector.broadcast %select_n3A_8 : i32 to vector<16xi32>
      %lt3A_239 = arith.cmpi slt, %get3A_235, %lt3A_238 : vector<16xi32>
      %and3A_240 = arith.andi %ge3A_237, %lt3A_239 : vector<16xi1>
      %mul3A_241 = arith.constant 16 : i32
      %mul3A_242 = arith.muli %scan3A_231, %mul3A_241 : i32
      %add3A_243 = vector.broadcast %mul3A_242 : i32 to vector<16xi32>
      %add3A_244 = arith.addi %iota3A, %add3A_243 : vector<16xi32>
      %swap3A_245 = arith.index_cast %add3A_229 : i32 to index
      %swap3A_246 = tpu.vector_load %arg7[%swap3A_245] masked %and3A_240 {strides = array<i32>} : memref<16400xi32, #tpu.memory_space<vmem>>, vector<16xi32>, vector<16xi1>
      tpu.vector_store %arg7[%swap3A_245], %add3A_244 masked %and3A_240 {strides = array<i32>} : memref<16400xi32, #tpu.memory_space<vmem>>, vector<16xi32>, vector<16xi1>
      %all_reduce_population_count3A_247 = tpu.all_reduce %and3A_240 {dim = 0 : i64, kind = #tpu.reduction_kind<sum>} : vector<16xi1> -> vector<16xi32>
      %slice3A_248 = vector.extract_strided_slice %all_reduce_population_count3A_247 {offsets = [0], sizes = [1], strides = [1]} : vector<16xi32> to vector<1xi32>
      %squeeze3A_249 = vector.extract %slice3A_248[0] : i32 from vector<1xi32>
      %add3A_250 = arith.addi %add3A_229, %squeeze3A_249 : i32
      %scan3A_251 = arith.constant 5 : i32
      %scan3A_252 = arith.addi %scan3A_150, %scan3A_251 : i32
      %mul3A_253 = arith.constant 16 : i32
      %mul3A_254 = arith.muli %scan3A_252, %mul3A_253 : i32
      %get3A_255 = arith.index_cast %mul3A_254 : i32 to index
      %get3A_256 = tpu.vector_load %arg6[%get3A_255] {strides = array<i32>} : memref<16400xi32, #tpu.memory_space<vmem>>, vector<16xi32>,
      %ge3A_257 = vector.broadcast %mul3A_2 : i32 to vector<16xi32>
      %ge3A_258 = arith.cmpi sge, %get3A_256, %ge3A_257 : vector<16xi32>
      %lt3A_259 = vector.broadcast %select_n3A_8 : i32 to vector<16xi32>
      %lt3A_260 = arith.cmpi slt, %get3A_256, %lt3A_259 : vector<16xi32>
      %and3A_261 = arith.andi %ge3A_258, %lt3A_260 : vector<16xi1>
      %mul3A_262 = arith.constant 16 : i32
      %mul3A_263 = arith.muli %scan3A_252, %mul3A_262 : i32
      %add3A_264 = vector.broadcast %mul3A_263 : i32 to vector<16xi32>
      %add3A_265 = arith.addi %iota3A, %add3A_264 : vector<16xi32>
      %swap3A_266 = arith.index_cast %add3A_250 : i32 to index
      %swap3A_267 = tpu.vector_load %arg7[%swap3A_266] masked %and3A_261 {strides = array<i32>} : memref<16400xi32, #tpu.memory_space<vmem>>, vector<16xi32>, vector<16xi1>
      tpu.vector_store %arg7[%swap3A_266], %add3A_265 masked %and3A_261 {strides = array<i32>} : memref<16400xi32, #tpu.memory_space<vmem>>, vector<16xi32>, vector<16xi1>
      %all_reduce_population_count3A_268 = tpu.all_reduce %and3A_261 {dim = 0 : i64, kind = #tpu.reduction_kind<sum>} : vector<16xi1> -> vector<16xi32>
      %slice3A_269 = vector.extract_strided_slice %all_reduce_population_count3A_268 {offsets = [0], sizes = [1], strides = [1]} : vector<16xi32> to vector<1xi32>
      %squeeze3A_270 = vector.extract %slice3A_269[0] : i32 from vector<1xi32>
      %add3A_271 = arith.addi %add3A_250, %squeeze3A_270 : i32
      %scan3A_272 = arith.constant 6 : i32
      %scan3A_273 = arith.addi %scan3A_150, %scan3A_272 : i32
      %mul3A_274 = arith.constant 16 : i32
      %mul3A_275 = arith.muli %scan3A_273, %mul3A_274 : i32
      %get3A_276 = arith.index_cast %mul3A_275 : i32 to index
      %get3A_277 = tpu.vector_load %arg6[%get3A_276] {strides = array<i32>} : memref<16400xi32, #tpu.memory_space<vmem>>, vector<16xi32>,
      %ge3A_278 = vector.broadcast %mul3A_2 : i32 to vector<16xi32>
      %ge3A_279 = arith.cmpi sge, %get3A_277, %ge3A_278 : vector<16xi32>
      %lt3A_280 = vector.broadcast %select_n3A_8 : i32 to vector<16xi32>
      %lt3A_281 = arith.cmpi slt, %get3A_277, %lt3A_280 : vector<16xi32>
      %and3A_282 = arith.andi %ge3A_279, %lt3A_281 : vector<16xi1>
      %mul3A_283 = arith.constant 16 : i32
      %mul3A_284 = arith.muli %scan3A_273, %mul3A_283 : i32
      %add3A_285 = vector.broadcast %mul3A_284 : i32 to vector<16xi32>
      %add3A_286 = arith.addi %iota3A, %add3A_285 : vector<16xi32>
      %swap3A_287 = arith.index_cast %add3A_271 : i32 to index
      %swap3A_288 = tpu.vector_load %arg7[%swap3A_287] masked %and3A_282 {strides = array<i32>} : memref<16400xi32, #tpu.memory_space<vmem>>, vector<16xi32>, vector<16xi1>
      tpu.vector_store %arg7[%swap3A_287], %add3A_286 masked %and3A_282 {strides = array<i32>} : memref<16400xi32, #tpu.memory_space<vmem>>, vector<16xi32>, vector<16xi1>
      %all_reduce_population_count3A_289 = tpu.all_reduce %and3A_282 {dim = 0 : i64, kind = #tpu.reduction_kind<sum>} : vector<16xi1> -> vector<16xi32>
      %slice3A_290 = vector.extract_strided_slice %all_reduce_population_count3A_289 {offsets = [0], sizes = [1], strides = [1]} : vector<16xi32> to vector<1xi32>
      %squeeze3A_291 = vector.extract %slice3A_290[0] : i32 from vector<1xi32>
      %add3A_292 = arith.addi %add3A_271, %squeeze3A_291 : i32
      %scan3A_293 = arith.constant 7 : i32
      %scan3A_294 = arith.addi %scan3A_150, %scan3A_293 : i32
      %mul3A_295 = arith.constant 16 : i32
      %mul3A_296 = arith.muli %scan3A_294, %mul3A_295 : i32
      %get3A_297 = arith.index_cast %mul3A_296 : i32 to index
      %get3A_298 = tpu.vector_load %arg6[%get3A_297] {strides = array<i32>} : memref<16400xi32, #tpu.memory_space<vmem>>, vector<16xi32>,
      %ge3A_299 = vector.broadcast %mul3A_2 : i32 to vector<16xi32>
      %ge3A_300 = arith.cmpi sge, %get3A_298, %ge3A_299 : vector<16xi32>
      %lt3A_301 = vector.broadcast %select_n3A_8 : i32 to vector<16xi32>
      %lt3A_302 = arith.cmpi slt, %get3A_298, %lt3A_301 : vector<16xi32>
      %and3A_303 = arith.andi %ge3A_300, %lt3A_302 : vector<16xi1>
      %mul3A_304 = arith.constant 16 : i32
      %mul3A_305 = arith.muli %scan3A_294, %mul3A_304 : i32
      %add3A_306 = vector.broadcast %mul3A_305 : i32 to vector<16xi32>
      %add3A_307 = arith.addi %iota3A, %add3A_306 : vector<16xi32>
      %swap3A_308 = arith.index_cast %add3A_292 : i32 to index
      %swap3A_309 = tpu.vector_load %arg7[%swap3A_308] masked %and3A_303 {strides = array<i32>} : memref<16400xi32, #tpu.memory_space<vmem>>, vector<16xi32>, vector<16xi1>
      tpu.vector_store %arg7[%swap3A_308], %add3A_307 masked %and3A_303 {strides = array<i32>} : memref<16400xi32, #tpu.memory_space<vmem>>, vector<16xi32>, vector<16xi1>
      %all_reduce_population_count3A_310 = tpu.all_reduce %and3A_303 {dim = 0 : i64, kind = #tpu.reduction_kind<sum>} : vector<16xi1> -> vector<16xi32>
      %slice3A_311 = vector.extract_strided_slice %all_reduce_population_count3A_310 {offsets = [0], sizes = [1], strides = [1]} : vector<16xi32> to vector<1xi32>
      %squeeze3A_312 = vector.extract %slice3A_311[0] : i32 from vector<1xi32>
      %add3A_313 = arith.addi %add3A_292, %squeeze3A_312 : i32
      %scan3A_314 = arith.constant 8 : i32
      %scan3A_315 = arith.addi %scan3A_150, %scan3A_314 : i32
      %mul3A_316 = arith.constant 16 : i32
      %mul3A_317 = arith.muli %scan3A_315, %mul3A_316 : i32
      %get3A_318 = arith.index_cast %mul3A_317 : i32 to index
      %get3A_319 = tpu.vector_load %arg6[%get3A_318] {strides = array<i32>} : memref<16400xi32, #tpu.memory_space<vmem>>, vector<16xi32>,
      %ge3A_320 = vector.broadcast %mul3A_2 : i32 to vector<16xi32>
      %ge3A_321 = arith.cmpi sge, %get3A_319, %ge3A_320 : vector<16xi32>
      %lt3A_322 = vector.broadcast %select_n3A_8 : i32 to vector<16xi32>
      %lt3A_323 = arith.cmpi slt, %get3A_319, %lt3A_322 : vector<16xi32>
      %and3A_324 = arith.andi %ge3A_321, %lt3A_323 : vector<16xi1>
      %mul3A_325 = arith.constant 16 : i32
      %mul3A_326 = arith.muli %scan3A_315, %mul3A_325 : i32
      %add3A_327 = vector.broadcast %mul3A_326 : i32 to vector<16xi32>
      %add3A_328 = arith.addi %iota3A, %add3A_327 : vector<16xi32>
      %swap3A_329 = arith.index_cast %add3A_313 : i32 to index
      %swap3A_330 = tpu.vector_load %arg7[%swap3A_329] masked %and3A_324 {strides = array<i32>} : memref<16400xi32, #tpu.memory_space<vmem>>, vector<16xi32>, vector<16xi1>
      tpu.vector_store %arg7[%swap3A_329], %add3A_328 masked %and3A_324 {strides = array<i32>} : memref<16400xi32, #tpu.memory_space<vmem>>, vector<16xi32>, vector<16xi1>
      %all_reduce_population_count3A_331 = tpu.all_reduce %and3A_324 {dim = 0 : i64, kind = #tpu.reduction_kind<sum>} : vector<16xi1> -> vector<16xi32>
      %slice3A_332 = vector.extract_strided_slice %all_reduce_population_count3A_331 {offsets = [0], sizes = [1], strides = [1]} : vector<16xi32> to vector<1xi32>
      %squeeze3A_333 = vector.extract %slice3A_332[0] : i32 from vector<1xi32>
      %add3A_334 = arith.addi %add3A_313, %squeeze3A_333 : i32
      %scan3A_335 = arith.constant 9 : i32
      %scan3A_336 = arith.addi %scan3A_150, %scan3A_335 : i32
      %mul3A_337 = arith.constant 16 : i32
      %mul3A_338 = arith.muli %scan3A_336, %mul3A_337 : i32
      %get3A_339 = arith.index_cast %mul3A_338 : i32 to index
      %get3A_340 = tpu.vector_load %arg6[%get3A_339] {strides = array<i32>} : memref<16400xi32, #tpu.memory_space<vmem>>, vector<16xi32>,
      %ge3A_341 = vector.broadcast %mul3A_2 : i32 to vector<16xi32>
      %ge3A_342 = arith.cmpi sge, %get3A_340, %ge3A_341 : vector<16xi32>
      %lt3A_343 = vector.broadcast %select_n3A_8 : i32 to vector<16xi32>
      %lt3A_344 = arith.cmpi slt, %get3A_340, %lt3A_343 : vector<16xi32>
      %and3A_345 = arith.andi %ge3A_342, %lt3A_344 : vector<16xi1>
      %mul3A_346 = arith.constant 16 : i32
      %mul3A_347 = arith.muli %scan3A_336, %mul3A_346 : i32
      %add3A_348 = vector.broadcast %mul3A_347 : i32 to vector<16xi32>
      %add3A_349 = arith.addi %iota3A, %add3A_348 : vector<16xi32>
      %swap3A_350 = arith.index_cast %add3A_334 : i32 to index
      %swap3A_351 = tpu.vector_load %arg7[%swap3A_350] masked %and3A_345 {strides = array<i32>} : memref<16400xi32, #tpu.memory_space<vmem>>, vector<16xi32>, vector<16xi1>
      tpu.vector_store %arg7[%swap3A_350], %add3A_349 masked %and3A_345 {strides = array<i32>} : memref<16400xi32, #tpu.memory_space<vmem>>, vector<16xi32>, vector<16xi1>
      %all_reduce_population_count3A_352 = tpu.all_reduce %and3A_345 {dim = 0 : i64, kind = #tpu.reduction_kind<sum>} : vector<16xi1> -> vector<16xi32>
      %slice3A_353 = vector.extract_strided_slice %all_reduce_population_count3A_352 {offsets = [0], sizes = [1], strides = [1]} : vector<16xi32> to vector<1xi32>
      %squeeze3A_354 = vector.extract %slice3A_353[0] : i32 from vector<1xi32>
      %add3A_355 = arith.addi %add3A_334, %squeeze3A_354 : i32
      %scan3A_356 = arith.constant 10 : i32
      %scan3A_357 = arith.addi %scan3A_150, %scan3A_356 : i32
      %mul3A_358 = arith.constant 16 : i32
      %mul3A_359 = arith.muli %scan3A_357, %mul3A_358 : i32
      %get3A_360 = arith.index_cast %mul3A_359 : i32 to index
      %get3A_361 = tpu.vector_load %arg6[%get3A_360] {strides = array<i32>} : memref<16400xi32, #tpu.memory_space<vmem>>, vector<16xi32>,
      %ge3A_362 = vector.broadcast %mul3A_2 : i32 to vector<16xi32>
      %ge3A_363 = arith.cmpi sge, %get3A_361, %ge3A_362 : vector<16xi32>
      %lt3A_364 = vector.broadcast %select_n3A_8 : i32 to vector<16xi32>
      %lt3A_365 = arith.cmpi slt, %get3A_361, %lt3A_364 : vector<16xi32>
      %and3A_366 = arith.andi %ge3A_363, %lt3A_365 : vector<16xi1>
      %mul3A_367 = arith.constant 16 : i32
      %mul3A_368 = arith.muli %scan3A_357, %mul3A_367 : i32
      %add3A_369 = vector.broadcast %mul3A_368 : i32 to vector<16xi32>
      %add3A_370 = arith.addi %iota3A, %add3A_369 : vector<16xi32>
      %swap3A_371 = arith.index_cast %add3A_355 : i32 to index
      %swap3A_372 = tpu.vector_load %arg7[%swap3A_371] masked %and3A_366 {strides = array<i32>} : memref<16400xi32, #tpu.memory_space<vmem>>, vector<16xi32>, vector<16xi1>
      tpu.vector_store %arg7[%swap3A_371], %add3A_370 masked %and3A_366 {strides = array<i32>} : memref<16400xi32, #tpu.memory_space<vmem>>, vector<16xi32>, vector<16xi1>
      %all_reduce_population_count3A_373 = tpu.all_reduce %and3A_366 {dim = 0 : i64, kind = #tpu.reduction_kind<sum>} : vector<16xi1> -> vector<16xi32>
      %slice3A_374 = vector.extract_strided_slice %all_reduce_population_count3A_373 {offsets = [0], sizes = [1], strides = [1]} : vector<16xi32> to vector<1xi32>
      %squeeze3A_375 = vector.extract %slice3A_374[0] : i32 from vector<1xi32>
      %add3A_376 = arith.addi %add3A_355, %squeeze3A_375 : i32
      %scan3A_377 = arith.constant 11 : i32
      %scan3A_378 = arith.addi %scan3A_150, %scan3A_377 : i32
      %mul3A_379 = arith.constant 16 : i32
      %mul3A_380 = arith.muli %scan3A_378, %mul3A_379 : i32
      %get3A_381 = arith.index_cast %mul3A_380 : i32 to index
      %get3A_382 = tpu.vector_load %arg6[%get3A_381] {strides = array<i32>} : memref<16400xi32, #tpu.memory_space<vmem>>, vector<16xi32>,
      %ge3A_383 = vector.broadcast %mul3A_2 : i32 to vector<16xi32>
      %ge3A_384 = arith.cmpi sge, %get3A_382, %ge3A_383 : vector<16xi32>
      %lt3A_385 = vector.broadcast %select_n3A_8 : i32 to vector<16xi32>
      %lt3A_386 = arith.cmpi slt, %get3A_382, %lt3A_385 : vector<16xi32>
      %and3A_387 = arith.andi %ge3A_384, %lt3A_386 : vector<16xi1>
      %mul3A_388 = arith.constant 16 : i32
      %mul3A_389 = arith.muli %scan3A_378, %mul3A_388 : i32
      %add3A_390 = vector.broadcast %mul3A_389 : i32 to vector<16xi32>
      %add3A_391 = arith.addi %iota3A, %add3A_390 : vector<16xi32>
      %swap3A_392 = arith.index_cast %add3A_376 : i32 to index
      %swap3A_393 = tpu.vector_load %arg7[%swap3A_392] masked %and3A_387 {strides = array<i32>} : memref<16400xi32, #tpu.memory_space<vmem>>, vector<16xi32>, vector<16xi1>
      tpu.vector_store %arg7[%swap3A_392], %add3A_391 masked %and3A_387 {strides = array<i32>} : memref<16400xi32, #tpu.memory_space<vmem>>, vector<16xi32>, vector<16xi1>
      %all_reduce_population_count3A_394 = tpu.all_reduce %and3A_387 {dim = 0 : i64, kind = #tpu.reduction_kind<sum>} : vector<16xi1> -> vector<16xi32>
      %slice3A_395 = vector.extract_strided_slice %all_reduce_population_count3A_394 {offsets = [0], sizes = [1], strides = [1]} : vector<16xi32> to vector<1xi32>
      %squeeze3A_396 = vector.extract %slice3A_395[0] : i32 from vector<1xi32>
      %add3A_397 = arith.addi %add3A_376, %squeeze3A_396 : i32
      %scan3A_398 = arith.constant 12 : i32
      %scan3A_399 = arith.addi %scan3A_150, %scan3A_398 : i32
      %mul3A_400 = arith.constant 16 : i32
      %mul3A_401 = arith.muli %scan3A_399, %mul3A_400 : i32
      %get3A_402 = arith.index_cast %mul3A_401 : i32 to index
      %get3A_403 = tpu.vector_load %arg6[%get3A_402] {strides = array<i32>} : memref<16400xi32, #tpu.memory_space<vmem>>, vector<16xi32>,
      %ge3A_404 = vector.broadcast %mul3A_2 : i32 to vector<16xi32>
      %ge3A_405 = arith.cmpi sge, %get3A_403, %ge3A_404 : vector<16xi32>
      %lt3A_406 = vector.broadcast %select_n3A_8 : i32 to vector<16xi32>
      %lt3A_407 = arith.cmpi slt, %get3A_403, %lt3A_406 : vector<16xi32>
      %and3A_408 = arith.andi %ge3A_405, %lt3A_407 : vector<16xi1>
      %mul3A_409 = arith.constant 16 : i32
      %mul3A_410 = arith.muli %scan3A_399, %mul3A_409 : i32
      %add3A_411 = vector.broadcast %mul3A_410 : i32 to vector<16xi32>
      %add3A_412 = arith.addi %iota3A, %add3A_411 : vector<16xi32>
      %swap3A_413 = arith.index_cast %add3A_397 : i32 to index
      %swap3A_414 = tpu.vector_load %arg7[%swap3A_413] masked %and3A_408 {strides = array<i32>} : memref<16400xi32, #tpu.memory_space<vmem>>, vector<16xi32>, vector<16xi1>
      tpu.vector_store %arg7[%swap3A_413], %add3A_412 masked %and3A_408 {strides = array<i32>} : memref<16400xi32, #tpu.memory_space<vmem>>, vector<16xi32>, vector<16xi1>
      %all_reduce_population_count3A_415 = tpu.all_reduce %and3A_408 {dim = 0 : i64, kind = #tpu.reduction_kind<sum>} : vector<16xi1> -> vector<16xi32>
      %slice3A_416 = vector.extract_strided_slice %all_reduce_population_count3A_415 {offsets = [0], sizes = [1], strides = [1]} : vector<16xi32> to vector<1xi32>
      %squeeze3A_417 = vector.extract %slice3A_416[0] : i32 from vector<1xi32>
      %add3A_418 = arith.addi %add3A_397, %squeeze3A_417 : i32
      %scan3A_419 = arith.constant 13 : i32
      %scan3A_420 = arith.addi %scan3A_150, %scan3A_419 : i32
      %mul3A_421 = arith.constant 16 : i32
      %mul3A_422 = arith.muli %scan3A_420, %mul3A_421 : i32
      %get3A_423 = arith.index_cast %mul3A_422 : i32 to index
      %get3A_424 = tpu.vector_load %arg6[%get3A_423] {strides = array<i32>} : memref<16400xi32, #tpu.memory_space<vmem>>, vector<16xi32>,
      %ge3A_425 = vector.broadcast %mul3A_2 : i32 to vector<16xi32>
      %ge3A_426 = arith.cmpi sge, %get3A_424, %ge3A_425 : vector<16xi32>
      %lt3A_427 = vector.broadcast %select_n3A_8 : i32 to vector<16xi32>
      %lt3A_428 = arith.cmpi slt, %get3A_424, %lt3A_427 : vector<16xi32>
      %and3A_429 = arith.andi %ge3A_426, %lt3A_428 : vector<16xi1>
      %mul3A_430 = arith.constant 16 : i32
      %mul3A_431 = arith.muli %scan3A_420, %mul3A_430 : i32
      %add3A_432 = vector.broadcast %mul3A_431 : i32 to vector<16xi32>
      %add3A_433 = arith.addi %iota3A, %add3A_432 : vector<16xi32>
      %swap3A_434 = arith.index_cast %add3A_418 : i32 to index
      %swap3A_435 = tpu.vector_load %arg7[%swap3A_434] masked %and3A_429 {strides = array<i32>} : memref<16400xi32, #tpu.memory_space<vmem>>, vector<16xi32>, vector<16xi1>
      tpu.vector_store %arg7[%swap3A_434], %add3A_433 masked %and3A_429 {strides = array<i32>} : memref<16400xi32, #tpu.memory_space<vmem>>, vector<16xi32>, vector<16xi1>
      %all_reduce_population_count3A_436 = tpu.all_reduce %and3A_429 {dim = 0 : i64, kind = #tpu.reduction_kind<sum>} : vector<16xi1> -> vector<16xi32>
      %slice3A_437 = vector.extract_strided_slice %all_reduce_population_count3A_436 {offsets = [0], sizes = [1], strides = [1]} : vector<16xi32> to vector<1xi32>
      %squeeze3A_438 = vector.extract %slice3A_437[0] : i32 from vector<1xi32>
      %add3A_439 = arith.addi %add3A_418, %squeeze3A_438 : i32
      %scan3A_440 = arith.constant 14 : i32
      %scan3A_441 = arith.addi %scan3A_150, %scan3A_440 : i32
      %mul3A_442 = arith.constant 16 : i32
      %mul3A_443 = arith.muli %scan3A_441, %mul3A_442 : i32
      %get3A_444 = arith.index_cast %mul3A_443 : i32 to index
      %get3A_445 = tpu.vector_load %arg6[%get3A_444] {strides = array<i32>} : memref<16400xi32, #tpu.memory_space<vmem>>, vector<16xi32>,
      %ge3A_446 = vector.broadcast %mul3A_2 : i32 to vector<16xi32>
      %ge3A_447 = arith.cmpi sge, %get3A_445, %ge3A_446 : vector<16xi32>
      %lt3A_448 = vector.broadcast %select_n3A_8 : i32 to vector<16xi32>
      %lt3A_449 = arith.cmpi slt, %get3A_445, %lt3A_448 : vector<16xi32>
      %and3A_450 = arith.andi %ge3A_447, %lt3A_449 : vector<16xi1>
      %mul3A_451 = arith.constant 16 : i32
      %mul3A_452 = arith.muli %scan3A_441, %mul3A_451 : i32
      %add3A_453 = vector.broadcast %mul3A_452 : i32 to vector<16xi32>
      %add3A_454 = arith.addi %iota3A, %add3A_453 : vector<16xi32>
      %swap3A_455 = arith.index_cast %add3A_439 : i32 to index
      %swap3A_456 = tpu.vector_load %arg7[%swap3A_455] masked %and3A_450 {strides = array<i32>} : memref<16400xi32, #tpu.memory_space<vmem>>, vector<16xi32>, vector<16xi1>
      tpu.vector_store %arg7[%swap3A_455], %add3A_454 masked %and3A_450 {strides = array<i32>} : memref<16400xi32, #tpu.memory_space<vmem>>, vector<16xi32>, vector<16xi1>
      %all_reduce_population_count3A_457 = tpu.all_reduce %and3A_450 {dim = 0 : i64, kind = #tpu.reduction_kind<sum>} : vector<16xi1> -> vector<16xi32>
      %slice3A_458 = vector.extract_strided_slice %all_reduce_population_count3A_457 {offsets = [0], sizes = [1], strides = [1]} : vector<16xi32> to vector<1xi32>
      %squeeze3A_459 = vector.extract %slice3A_458[0] : i32 from vector<1xi32>
      %add3A_460 = arith.addi %add3A_439, %squeeze3A_459 : i32
      %scan3A_461 = arith.constant 15 : i32
      %scan3A_462 = arith.addi %scan3A_150, %scan3A_461 : i32
      %mul3A_463 = arith.constant 16 : i32
      %mul3A_464 = arith.muli %scan3A_462, %mul3A_463 : i32
      %get3A_465 = arith.index_cast %mul3A_464 : i32 to index
      %get3A_466 = tpu.vector_load %arg6[%get3A_465] {strides = array<i32>} : memref<16400xi32, #tpu.memory_space<vmem>>, vector<16xi32>,
      %ge3A_467 = vector.broadcast %mul3A_2 : i32 to vector<16xi32>
      %ge3A_468 = arith.cmpi sge, %get3A_466, %ge3A_467 : vector<16xi32>
      %lt3A_469 = vector.broadcast %select_n3A_8 : i32 to vector<16xi32>
      %lt3A_470 = arith.cmpi slt, %get3A_466, %lt3A_469 : vector<16xi32>
      %and3A_471 = arith.andi %ge3A_468, %lt3A_470 : vector<16xi1>
      %mul3A_472 = arith.constant 16 : i32
      %mul3A_473 = arith.muli %scan3A_462, %mul3A_472 : i32
      %add3A_474 = vector.broadcast %mul3A_473 : i32 to vector<16xi32>
      %add3A_475 = arith.addi %iota3A, %add3A_474 : vector<16xi32>
      %swap3A_476 = arith.index_cast %add3A_460 : i32 to index
      %swap3A_477 = tpu.vector_load %arg7[%swap3A_476] masked %and3A_471 {strides = array<i32>} : memref<16400xi32, #tpu.memory_space<vmem>>, vector<16xi32>, vector<16xi1>
      tpu.vector_store %arg7[%swap3A_476], %add3A_475 masked %and3A_471 {strides = array<i32>} : memref<16400xi32, #tpu.memory_space<vmem>>, vector<16xi32>, vector<16xi1>
      %all_reduce_population_count3A_478 = tpu.all_reduce %and3A_471 {dim = 0 : i64, kind = #tpu.reduction_kind<sum>} : vector<16xi1> -> vector<16xi32>
      %slice3A_479 = vector.extract_strided_slice %all_reduce_population_count3A_478 {offsets = [0], sizes = [1], strides = [1]} : vector<16xi32> to vector<1xi32>
      %squeeze3A_480 = vector.extract %slice3A_479[0] : i32 from vector<1xi32>
      %add3A_481 = arith.addi %add3A_460, %squeeze3A_480 : i32
      scf.yield %add3A_481 : i32
    }
    %scan3A_99 = arith.constant 1024 : i32
    %while3A = arith.constant 0 : i32
    %while3A_100 = arith.constant 0 : i32
    %while3A_101 = arith.subi %scan3A_98, %while3A : i32
    %while3A_102 = arith.addi %while3A, %while3A_101 : i32
    %while3A_103 = arith.constant 1 : i32
    %while3A_104 = arith.divsi %while3A_101, %while3A_103 : i32
    %while3A_105 = arith.muli %while3A_104, %while3A_103 : i32
    %while3A_106 = arith.addi %while3A, %while3A_105 : i32
    %while3A_107 = arith.constant 1 : i32
    %while3A_108 = scf.for %while3A_150 = %while3A to %while3A_106 step %while3A_107 iter_args(%while3A_151 = %while3A_100) -> (i32)  : i32 {
      %get3A_152 = arith.index_cast %while3A_150 : i32 to index
      %get3A_153 = tpu.vector_load %arg7[%get3A_152] {strides = array<i32>} : memref<16400xi32, #tpu.memory_space<vmem>>, vector<16xi32>,
      %slice3A_154 = vector.extract_strided_slice %get3A_153 {offsets = [0], sizes = [1], strides = [1]} : vector<16xi32> to vector<1xi32>
      %squeeze3A_155 = vector.extract %slice3A_154[0] : i32 from vector<1xi32>
      %get3A_156 = arith.index_cast %squeeze3A_155 : i32 to index
      %get3A_157 = tpu.vector_load %arg6[%get3A_156] {strides = array<i32>} : memref<16400xi32, #tpu.memory_space<vmem>>, vector<16xi32>,
      %slice3A_158 = vector.extract_strided_slice %get3A_157 {offsets = [0], sizes = [1], strides = [1]} : vector<16xi32> to vector<1xi32>
      %squeeze3A_159 = vector.extract %slice3A_158[0] : i32 from vector<1xi32>
      %sub3A = arith.subi %squeeze3A_159, %mul3A_2 : i32
      %shift_right_arithmetic3A = arith.constant 8 : i32
      %shift_right_arithmetic3A_160 = arith.shrsi %sub3A, %shift_right_arithmetic3A : i32
      %get3A_161 = arith.index_cast %shift_right_arithmetic3A_160 : i32 to index
      %get3A_162 = tpu.vector_load %arg10[%get3A_161] {strides = array<i32>} : memref<141xi32, #tpu.memory_space<vmem>>, vector<16xi32>,
      %slice3A_163 = vector.extract_strided_slice %get3A_162 {offsets = [0], sizes = [1], strides = [1]} : vector<16xi32> to vector<1xi32>
      %squeeze3A_164 = vector.extract %slice3A_163[0] : i32 from vector<1xi32>
      %broadcast_in_dim3A_165 = vector.broadcast %shift_right_arithmetic3A_160 : i32 to vector<16xi32>
      %add3A_166 = arith.constant 1 : i32
      %add3A_167 = arith.addi %squeeze3A_164, %add3A_166 : i32
      %broadcast_in_dim3A_168 = vector.broadcast %add3A_167 : i32 to vector<16xi32>
      tpu.vector_store_idx %arg10[%broadcast_in_dim3A_165], %broadcast_in_dim3A_168 masked %eq3A_11 : memref<141xi32, #tpu.memory_space<vmem>>[vector<16xi32>], vector<16xi32>, vector<16xi1>
      %mul3A_169 = arith.constant 32 : i32
      %mul3A_170 = arith.muli %shift_right_arithmetic3A_160, %mul3A_169 : i32
      %min3A_171 = arith.constant 31 : i32
      %min3A_172 = arith.minsi %squeeze3A_164, %min3A_171 : i32
      %add3A_173 = arith.addi %mul3A_170, %min3A_172 : i32
      %broadcast_in_dim3A_174 = vector.broadcast %add3A_173 : i32 to vector<16xi32>
      %broadcast_in_dim3A_175 = vector.broadcast %squeeze3A_155 : i32 to vector<16xi32>
      %lt3A = arith.constant 32 : i32
      %lt3A_176 = arith.cmpi slt, %squeeze3A_164, %lt3A : i32
      %and3A = vector.broadcast %lt3A_176 : i1 to vector<16xi1>
      %and3A_177 = arith.andi %eq3A_11, %and3A : vector<16xi1>
      tpu.vector_store_idx %arg9[%broadcast_in_dim3A_174], %broadcast_in_dim3A_175 masked %and3A_177 : memref<4016xi32, #tpu.memory_space<vmem>>[vector<16xi32>], vector<16xi32>, vector<16xi1>
      %ge3A = arith.constant 31 : i32
      %ge3A_178 = arith.cmpi sge, %squeeze3A_164, %ge3A : i32
      %convert_element_type3A_179 = arith.extui %ge3A_178 : i1 to i32
      %or3A = arith.ori %while3A_151, %convert_element_type3A_179 : i32
      scf.yield %or3A : i32
    }
    %while3A_109 = arith.constant 1 : i32
    %while3A_110 = scf.for %while3A_150 = %while3A_106 to %while3A_102 step %while3A_109 iter_args(%while3A_151 = %while3A_108) -> (i32)  : i32 {
      %get3A_152 = arith.index_cast %while3A_150 : i32 to index
      %get3A_153 = tpu.vector_load %arg7[%get3A_152] {strides = array<i32>} : memref<16400xi32, #tpu.memory_space<vmem>>, vector<16xi32>,
      %slice3A_154 = vector.extract_strided_slice %get3A_153 {offsets = [0], sizes = [1], strides = [1]} : vector<16xi32> to vector<1xi32>
      %squeeze3A_155 = vector.extract %slice3A_154[0] : i32 from vector<1xi32>
      %get3A_156 = arith.index_cast %squeeze3A_155 : i32 to index
      %get3A_157 = tpu.vector_load %arg6[%get3A_156] {strides = array<i32>} : memref<16400xi32, #tpu.memory_space<vmem>>, vector<16xi32>,
      %slice3A_158 = vector.extract_strided_slice %get3A_157 {offsets = [0], sizes = [1], strides = [1]} : vector<16xi32> to vector<1xi32>
      %squeeze3A_159 = vector.extract %slice3A_158[0] : i32 from vector<1xi32>
      %sub3A = arith.subi %squeeze3A_159, %mul3A_2 : i32
      %shift_right_arithmetic3A = arith.constant 8 : i32
      %shift_right_arithmetic3A_160 = arith.shrsi %sub3A, %shift_right_arithmetic3A : i32
      %get3A_161 = arith.index_cast %shift_right_arithmetic3A_160 : i32 to index
      %get3A_162 = tpu.vector_load %arg10[%get3A_161] {strides = array<i32>} : memref<141xi32, #tpu.memory_space<vmem>>, vector<16xi32>,
      %slice3A_163 = vector.extract_strided_slice %get3A_162 {offsets = [0], sizes = [1], strides = [1]} : vector<16xi32> to vector<1xi32>
      %squeeze3A_164 = vector.extract %slice3A_163[0] : i32 from vector<1xi32>
      %broadcast_in_dim3A_165 = vector.broadcast %shift_right_arithmetic3A_160 : i32 to vector<16xi32>
      %add3A_166 = arith.constant 1 : i32
      %add3A_167 = arith.addi %squeeze3A_164, %add3A_166 : i32
      %broadcast_in_dim3A_168 = vector.broadcast %add3A_167 : i32 to vector<16xi32>
      tpu.vector_store_idx %arg10[%broadcast_in_dim3A_165], %broadcast_in_dim3A_168 masked %eq3A_11 : memref<141xi32, #tpu.memory_space<vmem>>[vector<16xi32>], vector<16xi32>, vector<16xi1>
      %mul3A_169 = arith.constant 32 : i32
      %mul3A_170 = arith.muli %shift_right_arithmetic3A_160, %mul3A_169 : i32
      %min3A_171 = arith.constant 31 : i32
      %min3A_172 = arith.minsi %squeeze3A_164, %min3A_171 : i32
      %add3A_173 = arith.addi %mul3A_170, %min3A_172 : i32
      %broadcast_in_dim3A_174 = vector.broadcast %add3A_173 : i32 to vector<16xi32>
      %broadcast_in_dim3A_175 = vector.broadcast %squeeze3A_155 : i32 to vector<16xi32>
      %lt3A = arith.constant 32 : i32
      %lt3A_176 = arith.cmpi slt, %squeeze3A_164, %lt3A : i32
      %and3A = vector.broadcast %lt3A_176 : i1 to vector<16xi1>
      %and3A_177 = arith.andi %eq3A_11, %and3A : vector<16xi1>
      tpu.vector_store_idx %arg9[%broadcast_in_dim3A_174], %broadcast_in_dim3A_175 masked %and3A_177 : memref<4016xi32, #tpu.memory_space<vmem>>[vector<16xi32>], vector<16xi32>, vector<16xi1>
      %ge3A = arith.constant 31 : i32
      %ge3A_178 = arith.cmpi sge, %squeeze3A_164, %ge3A : i32
      %convert_element_type3A_179 = arith.extui %ge3A_178 : i1 to i32
      %or3A = arith.ori %while3A_151, %convert_element_type3A_179 : i32
      scf.yield %or3A : i32
    }
    %while3A_111 = arith.constant 0 : i32
    %while3A_112 = arith.constant 0 : i32
    %while3A_113 = arith.subi %select_n3A, %while3A_111 : i32
    %while3A_114 = arith.addi %while3A_111, %while3A_113 : i32
    %while3A_115 = arith.constant 1 : i32
    %while3A_116 = arith.divsi %while3A_113, %while3A_115 : i32
    %while3A_117 = arith.muli %while3A_116, %while3A_115 : i32
    %while3A_118 = arith.addi %while3A_111, %while3A_117 : i32
    %while3A_119 = arith.constant 1 : i32
    %while3A_120 = scf.for %while3A_150 = %while3A_111 to %while3A_118 step %while3A_119 iter_args(%while3A_151 = %while3A_112) -> (i32)  : i32 {
      %add3A_152 = arith.constant 5 : i32
      %add3A_153 = arith.addi %while3A_150, %add3A_152 : i32
      %sub3A = arith.constant 1 : i32
      %sub3A_154 = arith.subi %add3A_153, %sub3A : i32
      %lt3A = arith.cmpi slt, %sub3A_154, %select_n3A : i32
      %convert_element_type3A_155 = arith.extui %lt3A : i1 to i32
      %cond3A_156 = arith.constant 0 : i32
      %cond3A_157 = arith.cmpi ne, %convert_element_type3A_155, %cond3A_156 : i32
      scf.if %cond3A_157 {
        %add3A_201 = arith.constant 5 : i32
        %add3A_202 = arith.addi %while3A_150, %add3A_201 : i32
        %sub3A_203 = arith.constant 1 : i32
        %sub3A_204 = arith.subi %add3A_202, %sub3A_203 : i32
        %mul3A_205 = arith.constant 256 : i32
        %mul3A_206 = arith.muli %sub3A_204, %mul3A_205 : i32
        %add3A_207 = arith.addi %mul3A_2, %mul3A_206 : i32
        %multiple_of3A_208 = tpu.assume_multiple %add3A_207, 128 : i32
        %jit3A_209 = arith.constant 5 : i32
        %eq3A_210 = arith.constant 0 : i32
        %eq3A_211 = arith.cmpi eq, %jit3A_209, %eq3A_210 : i32
        %jit3A_212 = arith.constant 1 : i32
        %select_n3A_213 = arith.select %eq3A_211, %jit3A_212, %jit3A_209 : i32
        %rem3A_214 = arith.remsi %sub3A_204, %select_n3A_213 : i32
        %ne3A_215 = arith.constant 0 : i32
        %ne3A_216 = arith.cmpi ne, %rem3A_214, %ne3A_215 : i32
        %lt3A_217 = arith.constant 0 : i32
        %lt3A_218 = arith.cmpi slt, %rem3A_214, %lt3A_217 : i32
        %lt3A_219 = arith.constant 0 : i32
        %lt3A_220 = arith.cmpi slt, %select_n3A_213, %lt3A_219 : i32
        %ne3A_221 = arith.xori %lt3A_218, %lt3A_220 : i1
        %and3A_222 = arith.andi %ne3A_221, %ne3A_216 : i1
        %add3A_223 = arith.addi %rem3A_214, %select_n3A_213 : i32
        %select_n3A_224 = arith.select %and3A_222, %add3A_223, %rem3A_214 : i32
        %mul3A_225 = arith.constant 256 : i32
        %mul3A_226 = arith.muli %select_n3A_224, %mul3A_225 : i32
        %multiple_of3A_227 = tpu.assume_multiple %mul3A_226, 128 : i32
        %dma_start3A_228 = arith.constant 0 : i32
        %dma_start3A_229 = tpu.memref_slice %arg8[%dma_start3A_228, %multiple_of3A_227] : memref<64x1344xf32, #tpu.memory_space<vmem>> -> memref<64x256xf32, #tpu.memory_space<vmem>>
        %dma_start3A_230 = arith.constant 0 : i32
        %dma_start3A_231 = tpu.memref_slice %arg3[%dma_start3A_230, %multiple_of3A_208] : memref<64x1000000xf32, #tpu.memory_space<hbm>> -> memref<64x256xf32, #tpu.memory_space<hbm>>
        %dma_start3A_232 = arith.constant 0 : i32
        %dma_start3A_233 = tpu.memref_slice %arg8[%dma_start3A_232, %multiple_of3A_227] : memref<64x1344xf32, #tpu.memory_space<vmem>> -> memref<64x256xf32, #tpu.memory_space<vmem>>
        %dma_start3A_234 = arith.constant 0 : i32
        %dma_start3A_235 = tpu.memref_slice %arg3[%dma_start3A_234, %multiple_of3A_208] : memref<64x1000000xf32, #tpu.memory_space<hbm>> -> memref<64x256xf32, #tpu.memory_space<hbm>>
        tpu.enqueue_dma source(%dma_start3A_235 : memref<64x256xf32, #tpu.memory_space<hbm>>) target(%dma_start3A_233 : memref<64x256xf32, #tpu.memory_space<vmem>>) target_semaphore(%arg13 : memref<!tpu.dma_semaphore, #tpu.memory_space<semaphore_mem>>)
      } else {
      }
      %dma_wait3A = arith.constant 0 : i32
      %dma_wait3A_158 = arith.constant 0 : i32
      %dma_wait3A_159 = tpu.memref_slice %arg8[%dma_wait3A, %dma_wait3A_158] : memref<64x1344xf32, #tpu.memory_space<vmem>> -> memref<64x256xf32, #tpu.memory_space<vmem>>
      %dma_wait3A_160 = arith.constant 0 : i32
      %dma_wait3A_161 = arith.constant 0 : i32
      %dma_wait3A_162 = tpu.memref_slice %arg3[%dma_wait3A_160, %dma_wait3A_161] : memref<64x1000000xf32, #tpu.memory_space<hbm>> -> memref<64x256xf32, #tpu.memory_space<hbm>>
      %dma_wait3A_163 = arith.constant 0 : i32
      %dma_wait3A_164 = arith.constant 0 : i32
      %dma_wait3A_165 = tpu.memref_slice %arg8[%dma_wait3A_163, %dma_wait3A_164] : memref<64x1344xf32, #tpu.memory_space<vmem>> -> memref<64x256xf32, #tpu.memory_space<vmem>>
      %dma_wait3A_166 = arith.constant 0 : i32
      %dma_wait3A_167 = arith.constant 0 : i32
      %dma_wait3A_168 = tpu.memref_slice %arg3[%dma_wait3A_166, %dma_wait3A_167] : memref<64x1000000xf32, #tpu.memory_space<hbm>> -> memref<64x256xf32, #tpu.memory_space<hbm>>
      tpu.wait_dma2 semaphore(%arg13 : memref<!tpu.dma_semaphore, #tpu.memory_space<semaphore_mem>>) src(%dma_wait3A_168 : memref<64x256xf32, #tpu.memory_space<hbm>>) dst(%dma_wait3A_165 : memref<64x256xf32, #tpu.memory_space<vmem>>)
      %jit3A_169 = arith.constant 5 : i32
      %eq3A_170 = arith.constant 0 : i32
      %eq3A_171 = arith.cmpi eq, %jit3A_169, %eq3A_170 : i32
      %jit3A_172 = arith.constant 1 : i32
      %select_n3A_173 = arith.select %eq3A_171, %jit3A_172, %jit3A_169 : i32
      %rem3A = arith.remsi %while3A_150, %select_n3A_173 : i32
      %ne3A = arith.constant 0 : i32
      %ne3A_174 = arith.cmpi ne, %rem3A, %ne3A : i32
      %lt3A_175 = arith.constant 0 : i32
      %lt3A_176 = arith.cmpi slt, %rem3A, %lt3A_175 : i32
      %lt3A_177 = arith.constant 0 : i32
      %lt3A_178 = arith.cmpi slt, %select_n3A_173, %lt3A_177 : i32
      %ne3A_179 = arith.xori %lt3A_176, %lt3A_178 : i1
      %and3A = arith.andi %ne3A_179, %ne3A_174 : i1
      %add3A_180 = arith.addi %rem3A, %select_n3A_173 : i32
      %select_n3A_181 = arith.select %and3A, %add3A_180, %rem3A : i32
      %mul3A_182 = arith.constant 256 : i32
      %mul3A_183 = arith.muli %select_n3A_181, %mul3A_182 : i32
      %get3A_184 = arith.index_cast %while3A_150 : i32 to index
      %get3A_185 = tpu.vector_load %arg10[%get3A_184] {strides = array<i32>} : memref<141xi32, #tpu.memory_space<vmem>>, vector<16xi32>,
      %slice3A_186 = vector.extract_strided_slice %get3A_185 {offsets = [0], sizes = [1], strides = [1]} : vector<16xi32> to vector<1xi32>
      %squeeze3A_187 = vector.extract %slice3A_186[0] : i32 from vector<1xi32>
      %min3A_188 = arith.constant 32 : i32
      %min3A_189 = arith.minsi %squeeze3A_187, %min3A_188 : i32
      %while3A_190 = arith.constant 0 : i32
      %while3A_191 = arith.subi %min3A_189, %while3A_190 : i32
      %while3A_192 = arith.addi %while3A_190, %while3A_191 : i32
      %while3A_193 = arith.constant 1 : i32
      %while3A_194 = arith.divsi %while3A_191, %while3A_193 : i32
      %while3A_195 = arith.muli %while3A_194, %while3A_193 : i32
      %while3A_196 = arith.addi %while3A_190, %while3A_195 : i32
      %while3A_197 = arith.constant 1 : i32
      %while3A_198 = scf.for %while3A_201 = %while3A_190 to %while3A_196 step %while3A_197 iter_args(%while3A_202 = %while3A_151) -> (i32)  : i32 {
        %mul3A_203 = arith.constant 32 : i32
        %mul3A_204 = arith.muli %while3A_150, %mul3A_203 : i32
        %add3A_205 = arith.addi %mul3A_204, %while3A_201 : i32
        %get3A_206 = arith.index_cast %add3A_205 : i32 to index
        %get3A_207 = tpu.vector_load %arg9[%get3A_206] {strides = array<i32>} : memref<4016xi32, #tpu.memory_space<vmem>>, vector<16xi32>,
        %slice3A_208 = vector.extract_strided_slice %get3A_207 {offsets = [0], sizes = [1], strides = [1]} : vector<16xi32> to vector<1xi32>
        %squeeze3A_209 = vector.extract %slice3A_208[0] : i32 from vector<1xi32>
        %get3A_210 = arith.index_cast %squeeze3A_209 : i32 to index
        %get3A_211 = tpu.vector_load %arg6[%get3A_210] {strides = array<i32>} : memref<16400xi32, #tpu.memory_space<vmem>>, vector<16xi32>,
        %slice3A_212 = vector.extract_strided_slice %get3A_211 {offsets = [0], sizes = [1], strides = [1]} : vector<16xi32> to vector<1xi32>
        %squeeze3A_213 = vector.extract %slice3A_212[0] : i32 from vector<1xi32>
        %sub3A_214 = arith.subi %squeeze3A_213, %mul3A_2 : i32
        %mul3A_215 = arith.constant 256 : i32
        %mul3A_216 = arith.muli %while3A_150, %mul3A_215 : i32
        %sub3A_217 = arith.subi %sub3A_214, %mul3A_216 : i32
        %add3A_218 = arith.addi %mul3A_183, %sub3A_217 : i32
        %and3A_219 = arith.constant 15 : i32
        %and3A_220 = arith.andi %while3A_202, %and3A_219 : i32
        %ge3A = arith.constant 16 : i32
        %ge3A_221 = arith.cmpi sge, %while3A_202, %ge3A : i32
        %convert_element_type3A_222 = arith.extui %ge3A_221 : i1 to i32
        %cond3A_223 = arith.constant 0 : i32
        %cond3A_224 = arith.cmpi ne, %convert_element_type3A_222, %cond3A_223 : i32
        scf.if %cond3A_224 {
          %dma_wait3A_258 = arith.constant 0 : i32
          %dma_wait3A_259 = arith.constant 0 : i32
          %dma_wait3A_260 = tpu.memref_slice %arg12[%dma_wait3A_258, %dma_wait3A_259] : memref<16x64xf32, #tpu.memory_space<vmem>> -> memref<1x64xf32, #tpu.memory_space<vmem>>
          %dma_wait3A_261 = arith.constant 0 : i32
          %dma_wait3A_262 = arith.constant 0 : i32
          %dma_wait3A_263 = tpu.memref_slice %arg5[%dma_wait3A_261, %dma_wait3A_262] : memref<16384x64xf32, #tpu.memory_space<hbm>> -> memref<1x64xf32, #tpu.memory_space<hbm>>
          %dma_wait3A_264 = arith.constant 0 : i32
          %dma_wait3A_265 = arith.constant 0 : i32
          %dma_wait3A_266 = tpu.memref_slice %arg12[%dma_wait3A_264, %dma_wait3A_265] : memref<16x64xf32, #tpu.memory_space<vmem>> -> memref<1x64xf32, #tpu.memory_space<vmem>>
          %dma_wait3A_267 = arith.constant 0 : i32
          %dma_wait3A_268 = arith.constant 0 : i32
          %dma_wait3A_269 = tpu.memref_slice %arg5[%dma_wait3A_267, %dma_wait3A_268] : memref<16384x64xf32, #tpu.memory_space<hbm>> -> memref<1x64xf32, #tpu.memory_space<hbm>>
          tpu.wait_dma2 semaphore(%arg14 : memref<!tpu.dma_semaphore, #tpu.memory_space<semaphore_mem>>) src(%dma_wait3A_269 : memref<1x64xf32, #tpu.memory_space<hbm>>) dst(%dma_wait3A_266 : memref<1x64xf32, #tpu.memory_space<vmem>>)
        } else {
        }
        %add3A_225 = arith.constant 0 : i32
        %add3A_226 = vector.broadcast %add3A_225 : i32 to vector<16xi32>
        %add3A_227 = arith.addi %iota3A, %add3A_226 : vector<16xi32>
        %broadcast_in_dim3A_228 = vector.broadcast %add3A_218 : i32 to vector<16xi32>
        %gather3A = tpu.vector_load_idx %arg8[%add3A_227, %broadcast_in_dim3A_228] : memref<64x1344xf32, #tpu.memory_space<vmem>>[vector<16xi32>, vector<16xi32>], vector<16xf32>,
        %broadcast_in_dim3A_229 = vector.broadcast %and3A_220 : i32 to vector<16xi32>
        tpu.vector_store_idx %arg12[%broadcast_in_dim3A_229, %add3A_227], %gather3A : memref<16x64xf32, #tpu.memory_space<vmem>>[vector<16xi32>, vector<16xi32>], vector<16xf32>,
        %add3A_230 = arith.constant 16 : i32
        %add3A_231 = vector.broadcast %add3A_230 : i32 to vector<16xi32>
        %add3A_232 = arith.addi %iota3A, %add3A_231 : vector<16xi32>
        %broadcast_in_dim3A_233 = vector.broadcast %add3A_218 : i32 to vector<16xi32>
        %gather3A_234 = tpu.vector_load_idx %arg8[%add3A_232, %broadcast_in_dim3A_233] : memref<64x1344xf32, #tpu.memory_space<vmem>>[vector<16xi32>, vector<16xi32>], vector<16xf32>,
        %broadcast_in_dim3A_235 = vector.broadcast %and3A_220 : i32 to vector<16xi32>
        tpu.vector_store_idx %arg12[%broadcast_in_dim3A_235, %add3A_232], %gather3A_234 : memref<16x64xf32, #tpu.memory_space<vmem>>[vector<16xi32>, vector<16xi32>], vector<16xf32>,
        %add3A_236 = arith.constant 32 : i32
        %add3A_237 = vector.broadcast %add3A_236 : i32 to vector<16xi32>
        %add3A_238 = arith.addi %iota3A, %add3A_237 : vector<16xi32>
        %broadcast_in_dim3A_239 = vector.broadcast %add3A_218 : i32 to vector<16xi32>
        %gather3A_240 = tpu.vector_load_idx %arg8[%add3A_238, %broadcast_in_dim3A_239] : memref<64x1344xf32, #tpu.memory_space<vmem>>[vector<16xi32>, vector<16xi32>], vector<16xf32>,
        %broadcast_in_dim3A_241 = vector.broadcast %and3A_220 : i32 to vector<16xi32>
        tpu.vector_store_idx %arg12[%broadcast_in_dim3A_241, %add3A_238], %gather3A_240 : memref<16x64xf32, #tpu.memory_space<vmem>>[vector<16xi32>, vector<16xi32>], vector<16xf32>,
        %add3A_242 = arith.constant 48 : i32
        %add3A_243 = vector.broadcast %add3A_242 : i32 to vector<16xi32>
        %add3A_244 = arith.addi %iota3A, %add3A_243 : vector<16xi32>
        %broadcast_in_dim3A_245 = vector.broadcast %add3A_218 : i32 to vector<16xi32>
        %gather3A_246 = tpu.vector_load_idx %arg8[%add3A_244, %broadcast_in_dim3A_245] : memref<64x1344xf32, #tpu.memory_space<vmem>>[vector<16xi32>, vector<16xi32>], vector<16xf32>,
        %broadcast_in_dim3A_247 = vector.broadcast %and3A_220 : i32 to vector<16xi32>
        tpu.vector_store_idx %arg12[%broadcast_in_dim3A_247, %add3A_244], %gather3A_246 : memref<16x64xf32, #tpu.memory_space<vmem>>[vector<16xi32>, vector<16xi32>], vector<16xf32>,
        %dma_start3A_248 = arith.constant 0 : i32
        %dma_start3A_249 = tpu.memref_slice %arg12[%and3A_220, %dma_start3A_248] : memref<16x64xf32, #tpu.memory_space<vmem>> -> memref<1x64xf32, #tpu.memory_space<vmem>>
        %dma_start3A_250 = arith.constant 0 : i32
        %dma_start3A_251 = tpu.memref_slice %arg5[%squeeze3A_209, %dma_start3A_250] : memref<16384x64xf32, #tpu.memory_space<hbm>> -> memref<1x64xf32, #tpu.memory_space<hbm>>
        %dma_start3A_252 = arith.constant 0 : i32
        %dma_start3A_253 = tpu.memref_slice %arg5[%squeeze3A_209, %dma_start3A_252] : memref<16384x64xf32, #tpu.memory_space<hbm>> -> memref<1x64xf32, #tpu.memory_space<hbm>>
        %dma_start3A_254 = arith.constant 0 : i32
        %dma_start3A_255 = tpu.memref_slice %arg12[%and3A_220, %dma_start3A_254] : memref<16x64xf32, #tpu.memory_space<vmem>> -> memref<1x64xf32, #tpu.memory_space<vmem>>
        tpu.enqueue_dma source(%dma_start3A_255 : memref<1x64xf32, #tpu.memory_space<vmem>>) target(%dma_start3A_253 : memref<1x64xf32, #tpu.memory_space<hbm>>) target_semaphore(%arg14 : memref<!tpu.dma_semaphore, #tpu.memory_space<semaphore_mem>>)
        %add3A_256 = arith.constant 1 : i32
        %add3A_257 = arith.addi %while3A_202, %add3A_256 : i32
        scf.yield %add3A_257 : i32
      }
      %while3A_199 = arith.constant 1 : i32
      %while3A_200 = scf.for %while3A_201 = %while3A_196 to %while3A_192 step %while3A_199 iter_args(%while3A_202 = %while3A_198) -> (i32)  : i32 {
        %mul3A_203 = arith.constant 32 : i32
        %mul3A_204 = arith.muli %while3A_150, %mul3A_203 : i32
        %add3A_205 = arith.addi %mul3A_204, %while3A_201 : i32
        %get3A_206 = arith.index_cast %add3A_205 : i32 to index
        %get3A_207 = tpu.vector_load %arg9[%get3A_206] {strides = array<i32>} : memref<4016xi32, #tpu.memory_space<vmem>>, vector<16xi32>,
        %slice3A_208 = vector.extract_strided_slice %get3A_207 {offsets = [0], sizes = [1], strides = [1]} : vector<16xi32> to vector<1xi32>
        %squeeze3A_209 = vector.extract %slice3A_208[0] : i32 from vector<1xi32>
        %get3A_210 = arith.index_cast %squeeze3A_209 : i32 to index
        %get3A_211 = tpu.vector_load %arg6[%get3A_210] {strides = array<i32>} : memref<16400xi32, #tpu.memory_space<vmem>>, vector<16xi32>,
        %slice3A_212 = vector.extract_strided_slice %get3A_211 {offsets = [0], sizes = [1], strides = [1]} : vector<16xi32> to vector<1xi32>
        %squeeze3A_213 = vector.extract %slice3A_212[0] : i32 from vector<1xi32>
        %sub3A_214 = arith.subi %squeeze3A_213, %mul3A_2 : i32
        %mul3A_215 = arith.constant 256 : i32
        %mul3A_216 = arith.muli %while3A_150, %mul3A_215 : i32
        %sub3A_217 = arith.subi %sub3A_214, %mul3A_216 : i32
        %add3A_218 = arith.addi %mul3A_183, %sub3A_217 : i32
        %and3A_219 = arith.constant 15 : i32
        %and3A_220 = arith.andi %while3A_202, %and3A_219 : i32
        %ge3A = arith.constant 16 : i32
        %ge3A_221 = arith.cmpi sge, %while3A_202, %ge3A : i32
        %convert_element_type3A_222 = arith.extui %ge3A_221 : i1 to i32
        %cond3A_223 = arith.constant 0 : i32
        %cond3A_224 = arith.cmpi ne, %convert_element_type3A_222, %cond3A_223 : i32
        scf.if %cond3A_224 {
          %dma_wait3A_258 = arith.constant 0 : i32
          %dma_wait3A_259 = arith.constant 0 : i32
          %dma_wait3A_260 = tpu.memref_slice %arg12[%dma_wait3A_258, %dma_wait3A_259] : memref<16x64xf32, #tpu.memory_space<vmem>> -> memref<1x64xf32, #tpu.memory_space<vmem>>
          %dma_wait3A_261 = arith.constant 0 : i32
          %dma_wait3A_262 = arith.constant 0 : i32
          %dma_wait3A_263 = tpu.memref_slice %arg5[%dma_wait3A_261, %dma_wait3A_262] : memref<16384x64xf32, #tpu.memory_space<hbm>> -> memref<1x64xf32, #tpu.memory_space<hbm>>
          %dma_wait3A_264 = arith.constant 0 : i32
          %dma_wait3A_265 = arith.constant 0 : i32
          %dma_wait3A_266 = tpu.memref_slice %arg12[%dma_wait3A_264, %dma_wait3A_265] : memref<16x64xf32, #tpu.memory_space<vmem>> -> memref<1x64xf32, #tpu.memory_space<vmem>>
          %dma_wait3A_267 = arith.constant 0 : i32
          %dma_wait3A_268 = arith.constant 0 : i32
          %dma_wait3A_269 = tpu.memref_slice %arg5[%dma_wait3A_267, %dma_wait3A_268] : memref<16384x64xf32, #tpu.memory_space<hbm>> -> memref<1x64xf32, #tpu.memory_space<hbm>>
          tpu.wait_dma2 semaphore(%arg14 : memref<!tpu.dma_semaphore, #tpu.memory_space<semaphore_mem>>) src(%dma_wait3A_269 : memref<1x64xf32, #tpu.memory_space<hbm>>) dst(%dma_wait3A_266 : memref<1x64xf32, #tpu.memory_space<vmem>>)
        } else {
        }
        %add3A_225 = arith.constant 0 : i32
        %add3A_226 = vector.broadcast %add3A_225 : i32 to vector<16xi32>
        %add3A_227 = arith.addi %iota3A, %add3A_226 : vector<16xi32>
        %broadcast_in_dim3A_228 = vector.broadcast %add3A_218 : i32 to vector<16xi32>
        %gather3A = tpu.vector_load_idx %arg8[%add3A_227, %broadcast_in_dim3A_228] : memref<64x1344xf32, #tpu.memory_space<vmem>>[vector<16xi32>, vector<16xi32>], vector<16xf32>,
        %broadcast_in_dim3A_229 = vector.broadcast %and3A_220 : i32 to vector<16xi32>
        tpu.vector_store_idx %arg12[%broadcast_in_dim3A_229, %add3A_227], %gather3A : memref<16x64xf32, #tpu.memory_space<vmem>>[vector<16xi32>, vector<16xi32>], vector<16xf32>,
        %add3A_230 = arith.constant 16 : i32
        %add3A_231 = vector.broadcast %add3A_230 : i32 to vector<16xi32>
        %add3A_232 = arith.addi %iota3A, %add3A_231 : vector<16xi32>
        %broadcast_in_dim3A_233 = vector.broadcast %add3A_218 : i32 to vector<16xi32>
        %gather3A_234 = tpu.vector_load_idx %arg8[%add3A_232, %broadcast_in_dim3A_233] : memref<64x1344xf32, #tpu.memory_space<vmem>>[vector<16xi32>, vector<16xi32>], vector<16xf32>,
        %broadcast_in_dim3A_235 = vector.broadcast %and3A_220 : i32 to vector<16xi32>
        tpu.vector_store_idx %arg12[%broadcast_in_dim3A_235, %add3A_232], %gather3A_234 : memref<16x64xf32, #tpu.memory_space<vmem>>[vector<16xi32>, vector<16xi32>], vector<16xf32>,
        %add3A_236 = arith.constant 32 : i32
        %add3A_237 = vector.broadcast %add3A_236 : i32 to vector<16xi32>
        %add3A_238 = arith.addi %iota3A, %add3A_237 : vector<16xi32>
        %broadcast_in_dim3A_239 = vector.broadcast %add3A_218 : i32 to vector<16xi32>
        %gather3A_240 = tpu.vector_load_idx %arg8[%add3A_238, %broadcast_in_dim3A_239] : memref<64x1344xf32, #tpu.memory_space<vmem>>[vector<16xi32>, vector<16xi32>], vector<16xf32>,
        %broadcast_in_dim3A_241 = vector.broadcast %and3A_220 : i32 to vector<16xi32>
        tpu.vector_store_idx %arg12[%broadcast_in_dim3A_241, %add3A_238], %gather3A_240 : memref<16x64xf32, #tpu.memory_space<vmem>>[vector<16xi32>, vector<16xi32>], vector<16xf32>,
        %add3A_242 = arith.constant 48 : i32
        %add3A_243 = vector.broadcast %add3A_242 : i32 to vector<16xi32>
        %add3A_244 = arith.addi %iota3A, %add3A_243 : vector<16xi32>
        %broadcast_in_dim3A_245 = vector.broadcast %add3A_218 : i32 to vector<16xi32>
        %gather3A_246 = tpu.vector_load_idx %arg8[%add3A_244, %broadcast_in_dim3A_245] : memref<64x1344xf32, #tpu.memory_space<vmem>>[vector<16xi32>, vector<16xi32>], vector<16xf32>,
        %broadcast_in_dim3A_247 = vector.broadcast %and3A_220 : i32 to vector<16xi32>
        tpu.vector_store_idx %arg12[%broadcast_in_dim3A_247, %add3A_244], %gather3A_246 : memref<16x64xf32, #tpu.memory_space<vmem>>[vector<16xi32>, vector<16xi32>], vector<16xf32>,
        %dma_start3A_248 = arith.constant 0 : i32
        %dma_start3A_249 = tpu.memref_slice %arg12[%and3A_220, %dma_start3A_248] : memref<16x64xf32, #tpu.memory_space<vmem>> -> memref<1x64xf32, #tpu.memory_space<vmem>>
        %dma_start3A_250 = arith.constant 0 : i32
        %dma_start3A_251 = tpu.memref_slice %arg5[%squeeze3A_209, %dma_start3A_250] : memref<16384x64xf32, #tpu.memory_space<hbm>> -> memref<1x64xf32, #tpu.memory_space<hbm>>
        %dma_start3A_252 = arith.constant 0 : i32
        %dma_start3A_253 = tpu.memref_slice %arg5[%squeeze3A_209, %dma_start3A_252] : memref<16384x64xf32, #tpu.memory_space<hbm>> -> memref<1x64xf32, #tpu.memory_space<hbm>>
        %dma_start3A_254 = arith.constant 0 : i32
        %dma_start3A_255 = tpu.memref_slice %arg12[%and3A_220, %dma_start3A_254] : memref<16x64xf32, #tpu.memory_space<vmem>> -> memref<1x64xf32, #tpu.memory_space<vmem>>
        tpu.enqueue_dma source(%dma_start3A_255 : memref<1x64xf32, #tpu.memory_space<vmem>>) target(%dma_start3A_253 : memref<1x64xf32, #tpu.memory_space<hbm>>) target_semaphore(%arg14 : memref<!tpu.dma_semaphore, #tpu.memory_space<semaphore_mem>>)
        %add3A_256 = arith.constant 1 : i32
        %add3A_257 = arith.addi %while3A_202, %add3A_256 : i32
        scf.yield %add3A_257 : i32
      }
      scf.yield %while3A_200 : i32
    }
    %while3A_121 = arith.constant 1 : i32
    %while3A_122 = scf.for %while3A_150 = %while3A_118 to %while3A_114 step %while3A_121 iter_args(%while3A_151 = %while3A_120) -> (i32)  : i32 {
      %add3A_152 = arith.constant 5 : i32
      %add3A_153 = arith.addi %while3A_150, %add3A_152 : i32
      %sub3A = arith.constant 1 : i32
      %sub3A_154 = arith.subi %add3A_153, %sub3A : i32
      %lt3A = arith.cmpi slt, %sub3A_154, %select_n3A : i32
      %convert_element_type3A_155 = arith.extui %lt3A : i1 to i32
      %cond3A_156 = arith.constant 0 : i32
      %cond3A_157 = arith.cmpi ne, %convert_element_type3A_155, %cond3A_156 : i32
      scf.if %cond3A_157 {
        %add3A_201 = arith.constant 5 : i32
        %add3A_202 = arith.addi %while3A_150, %add3A_201 : i32
        %sub3A_203 = arith.constant 1 : i32
        %sub3A_204 = arith.subi %add3A_202, %sub3A_203 : i32
        %mul3A_205 = arith.constant 256 : i32
        %mul3A_206 = arith.muli %sub3A_204, %mul3A_205 : i32
        %add3A_207 = arith.addi %mul3A_2, %mul3A_206 : i32
        %multiple_of3A_208 = tpu.assume_multiple %add3A_207, 128 : i32
        %jit3A_209 = arith.constant 5 : i32
        %eq3A_210 = arith.constant 0 : i32
        %eq3A_211 = arith.cmpi eq, %jit3A_209, %eq3A_210 : i32
        %jit3A_212 = arith.constant 1 : i32
        %select_n3A_213 = arith.select %eq3A_211, %jit3A_212, %jit3A_209 : i32
        %rem3A_214 = arith.remsi %sub3A_204, %select_n3A_213 : i32
        %ne3A_215 = arith.constant 0 : i32
        %ne3A_216 = arith.cmpi ne, %rem3A_214, %ne3A_215 : i32
        %lt3A_217 = arith.constant 0 : i32
        %lt3A_218 = arith.cmpi slt, %rem3A_214, %lt3A_217 : i32
        %lt3A_219 = arith.constant 0 : i32
        %lt3A_220 = arith.cmpi slt, %select_n3A_213, %lt3A_219 : i32
        %ne3A_221 = arith.xori %lt3A_218, %lt3A_220 : i1
        %and3A_222 = arith.andi %ne3A_221, %ne3A_216 : i1
        %add3A_223 = arith.addi %rem3A_214, %select_n3A_213 : i32
        %select_n3A_224 = arith.select %and3A_222, %add3A_223, %rem3A_214 : i32
        %mul3A_225 = arith.constant 256 : i32
        %mul3A_226 = arith.muli %select_n3A_224, %mul3A_225 : i32
        %multiple_of3A_227 = tpu.assume_multiple %mul3A_226, 128 : i32
        %dma_start3A_228 = arith.constant 0 : i32
        %dma_start3A_229 = tpu.memref_slice %arg8[%dma_start3A_228, %multiple_of3A_227] : memref<64x1344xf32, #tpu.memory_space<vmem>> -> memref<64x256xf32, #tpu.memory_space<vmem>>
        %dma_start3A_230 = arith.constant 0 : i32
        %dma_start3A_231 = tpu.memref_slice %arg3[%dma_start3A_230, %multiple_of3A_208] : memref<64x1000000xf32, #tpu.memory_space<hbm>> -> memref<64x256xf32, #tpu.memory_space<hbm>>
        %dma_start3A_232 = arith.constant 0 : i32
        %dma_start3A_233 = tpu.memref_slice %arg8[%dma_start3A_232, %multiple_of3A_227] : memref<64x1344xf32, #tpu.memory_space<vmem>> -> memref<64x256xf32, #tpu.memory_space<vmem>>
        %dma_start3A_234 = arith.constant 0 : i32
        %dma_start3A_235 = tpu.memref_slice %arg3[%dma_start3A_234, %multiple_of3A_208] : memref<64x1000000xf32, #tpu.memory_space<hbm>> -> memref<64x256xf32, #tpu.memory_space<hbm>>
        tpu.enqueue_dma source(%dma_start3A_235 : memref<64x256xf32, #tpu.memory_space<hbm>>) target(%dma_start3A_233 : memref<64x256xf32, #tpu.memory_space<vmem>>) target_semaphore(%arg13 : memref<!tpu.dma_semaphore, #tpu.memory_space<semaphore_mem>>)
      } else {
      }
      %dma_wait3A = arith.constant 0 : i32
      %dma_wait3A_158 = arith.constant 0 : i32
      %dma_wait3A_159 = tpu.memref_slice %arg8[%dma_wait3A, %dma_wait3A_158] : memref<64x1344xf32, #tpu.memory_space<vmem>> -> memref<64x256xf32, #tpu.memory_space<vmem>>
      %dma_wait3A_160 = arith.constant 0 : i32
      %dma_wait3A_161 = arith.constant 0 : i32
      %dma_wait3A_162 = tpu.memref_slice %arg3[%dma_wait3A_160, %dma_wait3A_161] : memref<64x1000000xf32, #tpu.memory_space<hbm>> -> memref<64x256xf32, #tpu.memory_space<hbm>>
      %dma_wait3A_163 = arith.constant 0 : i32
      %dma_wait3A_164 = arith.constant 0 : i32
      %dma_wait3A_165 = tpu.memref_slice %arg8[%dma_wait3A_163, %dma_wait3A_164] : memref<64x1344xf32, #tpu.memory_space<vmem>> -> memref<64x256xf32, #tpu.memory_space<vmem>>
      %dma_wait3A_166 = arith.constant 0 : i32
      %dma_wait3A_167 = arith.constant 0 : i32
      %dma_wait3A_168 = tpu.memref_slice %arg3[%dma_wait3A_166, %dma_wait3A_167] : memref<64x1000000xf32, #tpu.memory_space<hbm>> -> memref<64x256xf32, #tpu.memory_space<hbm>>
      tpu.wait_dma2 semaphore(%arg13 : memref<!tpu.dma_semaphore, #tpu.memory_space<semaphore_mem>>) src(%dma_wait3A_168 : memref<64x256xf32, #tpu.memory_space<hbm>>) dst(%dma_wait3A_165 : memref<64x256xf32, #tpu.memory_space<vmem>>)
      %jit3A_169 = arith.constant 5 : i32
      %eq3A_170 = arith.constant 0 : i32
      %eq3A_171 = arith.cmpi eq, %jit3A_169, %eq3A_170 : i32
      %jit3A_172 = arith.constant 1 : i32
      %select_n3A_173 = arith.select %eq3A_171, %jit3A_172, %jit3A_169 : i32
      %rem3A = arith.remsi %while3A_150, %select_n3A_173 : i32
      %ne3A = arith.constant 0 : i32
      %ne3A_174 = arith.cmpi ne, %rem3A, %ne3A : i32
      %lt3A_175 = arith.constant 0 : i32
      %lt3A_176 = arith.cmpi slt, %rem3A, %lt3A_175 : i32
      %lt3A_177 = arith.constant 0 : i32
      %lt3A_178 = arith.cmpi slt, %select_n3A_173, %lt3A_177 : i32
      %ne3A_179 = arith.xori %lt3A_176, %lt3A_178 : i1
      %and3A = arith.andi %ne3A_179, %ne3A_174 : i1
      %add3A_180 = arith.addi %rem3A, %select_n3A_173 : i32
      %select_n3A_181 = arith.select %and3A, %add3A_180, %rem3A : i32
      %mul3A_182 = arith.constant 256 : i32
      %mul3A_183 = arith.muli %select_n3A_181, %mul3A_182 : i32
      %get3A_184 = arith.index_cast %while3A_150 : i32 to index
      %get3A_185 = tpu.vector_load %arg10[%get3A_184] {strides = array<i32>} : memref<141xi32, #tpu.memory_space<vmem>>, vector<16xi32>,
      %slice3A_186 = vector.extract_strided_slice %get3A_185 {offsets = [0], sizes = [1], strides = [1]} : vector<16xi32> to vector<1xi32>
      %squeeze3A_187 = vector.extract %slice3A_186[0] : i32 from vector<1xi32>
      %min3A_188 = arith.constant 32 : i32
      %min3A_189 = arith.minsi %squeeze3A_187, %min3A_188 : i32
      %while3A_190 = arith.constant 0 : i32
      %while3A_191 = arith.subi %min3A_189, %while3A_190 : i32
      %while3A_192 = arith.addi %while3A_190, %while3A_191 : i32
      %while3A_193 = arith.constant 1 : i32
      %while3A_194 = arith.divsi %while3A_191, %while3A_193 : i32
      %while3A_195 = arith.muli %while3A_194, %while3A_193 : i32
      %while3A_196 = arith.addi %while3A_190, %while3A_195 : i32
      %while3A_197 = arith.constant 1 : i32
      %while3A_198 = scf.for %while3A_201 = %while3A_190 to %while3A_196 step %while3A_197 iter_args(%while3A_202 = %while3A_151) -> (i32)  : i32 {
        %mul3A_203 = arith.constant 32 : i32
        %mul3A_204 = arith.muli %while3A_150, %mul3A_203 : i32
        %add3A_205 = arith.addi %mul3A_204, %while3A_201 : i32
        %get3A_206 = arith.index_cast %add3A_205 : i32 to index
        %get3A_207 = tpu.vector_load %arg9[%get3A_206] {strides = array<i32>} : memref<4016xi32, #tpu.memory_space<vmem>>, vector<16xi32>,
        %slice3A_208 = vector.extract_strided_slice %get3A_207 {offsets = [0], sizes = [1], strides = [1]} : vector<16xi32> to vector<1xi32>
        %squeeze3A_209 = vector.extract %slice3A_208[0] : i32 from vector<1xi32>
        %get3A_210 = arith.index_cast %squeeze3A_209 : i32 to index
        %get3A_211 = tpu.vector_load %arg6[%get3A_210] {strides = array<i32>} : memref<16400xi32, #tpu.memory_space<vmem>>, vector<16xi32>,
        %slice3A_212 = vector.extract_strided_slice %get3A_211 {offsets = [0], sizes = [1], strides = [1]} : vector<16xi32> to vector<1xi32>
        %squeeze3A_213 = vector.extract %slice3A_212[0] : i32 from vector<1xi32>
        %sub3A_214 = arith.subi %squeeze3A_213, %mul3A_2 : i32
        %mul3A_215 = arith.constant 256 : i32
        %mul3A_216 = arith.muli %while3A_150, %mul3A_215 : i32
        %sub3A_217 = arith.subi %sub3A_214, %mul3A_216 : i32
        %add3A_218 = arith.addi %mul3A_183, %sub3A_217 : i32
        %and3A_219 = arith.constant 15 : i32
        %and3A_220 = arith.andi %while3A_202, %and3A_219 : i32
        %ge3A = arith.constant 16 : i32
        %ge3A_221 = arith.cmpi sge, %while3A_202, %ge3A : i32
        %convert_element_type3A_222 = arith.extui %ge3A_221 : i1 to i32
        %cond3A_223 = arith.constant 0 : i32
        %cond3A_224 = arith.cmpi ne, %convert_element_type3A_222, %cond3A_223 : i32
        scf.if %cond3A_224 {
          %dma_wait3A_258 = arith.constant 0 : i32
          %dma_wait3A_259 = arith.constant 0 : i32
          %dma_wait3A_260 = tpu.memref_slice %arg12[%dma_wait3A_258, %dma_wait3A_259] : memref<16x64xf32, #tpu.memory_space<vmem>> -> memref<1x64xf32, #tpu.memory_space<vmem>>
          %dma_wait3A_261 = arith.constant 0 : i32
          %dma_wait3A_262 = arith.constant 0 : i32
          %dma_wait3A_263 = tpu.memref_slice %arg5[%dma_wait3A_261, %dma_wait3A_262] : memref<16384x64xf32, #tpu.memory_space<hbm>> -> memref<1x64xf32, #tpu.memory_space<hbm>>
          %dma_wait3A_264 = arith.constant 0 : i32
          %dma_wait3A_265 = arith.constant 0 : i32
          %dma_wait3A_266 = tpu.memref_slice %arg12[%dma_wait3A_264, %dma_wait3A_265] : memref<16x64xf32, #tpu.memory_space<vmem>> -> memref<1x64xf32, #tpu.memory_space<vmem>>
          %dma_wait3A_267 = arith.constant 0 : i32
          %dma_wait3A_268 = arith.constant 0 : i32
          %dma_wait3A_269 = tpu.memref_slice %arg5[%dma_wait3A_267, %dma_wait3A_268] : memref<16384x64xf32, #tpu.memory_space<hbm>> -> memref<1x64xf32, #tpu.memory_space<hbm>>
          tpu.wait_dma2 semaphore(%arg14 : memref<!tpu.dma_semaphore, #tpu.memory_space<semaphore_mem>>) src(%dma_wait3A_269 : memref<1x64xf32, #tpu.memory_space<hbm>>) dst(%dma_wait3A_266 : memref<1x64xf32, #tpu.memory_space<vmem>>)
        } else {
        }
        %add3A_225 = arith.constant 0 : i32
        %add3A_226 = vector.broadcast %add3A_225 : i32 to vector<16xi32>
        %add3A_227 = arith.addi %iota3A, %add3A_226 : vector<16xi32>
        %broadcast_in_dim3A_228 = vector.broadcast %add3A_218 : i32 to vector<16xi32>
        %gather3A = tpu.vector_load_idx %arg8[%add3A_227, %broadcast_in_dim3A_228] : memref<64x1344xf32, #tpu.memory_space<vmem>>[vector<16xi32>, vector<16xi32>], vector<16xf32>,
        %broadcast_in_dim3A_229 = vector.broadcast %and3A_220 : i32 to vector<16xi32>
        tpu.vector_store_idx %arg12[%broadcast_in_dim3A_229, %add3A_227], %gather3A : memref<16x64xf32, #tpu.memory_space<vmem>>[vector<16xi32>, vector<16xi32>], vector<16xf32>,
        %add3A_230 = arith.constant 16 : i32
        %add3A_231 = vector.broadcast %add3A_230 : i32 to vector<16xi32>
        %add3A_232 = arith.addi %iota3A, %add3A_231 : vector<16xi32>
        %broadcast_in_dim3A_233 = vector.broadcast %add3A_218 : i32 to vector<16xi32>
        %gather3A_234 = tpu.vector_load_idx %arg8[%add3A_232, %broadcast_in_dim3A_233] : memref<64x1344xf32, #tpu.memory_space<vmem>>[vector<16xi32>, vector<16xi32>], vector<16xf32>,
        %broadcast_in_dim3A_235 = vector.broadcast %and3A_220 : i32 to vector<16xi32>
        tpu.vector_store_idx %arg12[%broadcast_in_dim3A_235, %add3A_232], %gather3A_234 : memref<16x64xf32, #tpu.memory_space<vmem>>[vector<16xi32>, vector<16xi32>], vector<16xf32>,
        %add3A_236 = arith.constant 32 : i32
        %add3A_237 = vector.broadcast %add3A_236 : i32 to vector<16xi32>
        %add3A_238 = arith.addi %iota3A, %add3A_237 : vector<16xi32>
        %broadcast_in_dim3A_239 = vector.broadcast %add3A_218 : i32 to vector<16xi32>
        %gather3A_240 = tpu.vector_load_idx %arg8[%add3A_238, %broadcast_in_dim3A_239] : memref<64x1344xf32, #tpu.memory_space<vmem>>[vector<16xi32>, vector<16xi32>], vector<16xf32>,
        %broadcast_in_dim3A_241 = vector.broadcast %and3A_220 : i32 to vector<16xi32>
        tpu.vector_store_idx %arg12[%broadcast_in_dim3A_241, %add3A_238], %gather3A_240 : memref<16x64xf32, #tpu.memory_space<vmem>>[vector<16xi32>, vector<16xi32>], vector<16xf32>,
        %add3A_242 = arith.constant 48 : i32
        %add3A_243 = vector.broadcast %add3A_242 : i32 to vector<16xi32>
        %add3A_244 = arith.addi %iota3A, %add3A_243 : vector<16xi32>
        %broadcast_in_dim3A_245 = vector.broadcast %add3A_218 : i32 to vector<16xi32>
        %gather3A_246 = tpu.vector_load_idx %arg8[%add3A_244, %broadcast_in_dim3A_245] : memref<64x1344xf32, #tpu.memory_space<vmem>>[vector<16xi32>, vector<16xi32>], vector<16xf32>,
        %broadcast_in_dim3A_247 = vector.broadcast %and3A_220 : i32 to vector<16xi32>
        tpu.vector_store_idx %arg12[%broadcast_in_dim3A_247, %add3A_244], %gather3A_246 : memref<16x64xf32, #tpu.memory_space<vmem>>[vector<16xi32>, vector<16xi32>], vector<16xf32>,
        %dma_start3A_248 = arith.constant 0 : i32
        %dma_start3A_249 = tpu.memref_slice %arg12[%and3A_220, %dma_start3A_248] : memref<16x64xf32, #tpu.memory_space<vmem>> -> memref<1x64xf32, #tpu.memory_space<vmem>>
        %dma_start3A_250 = arith.constant 0 : i32
        %dma_start3A_251 = tpu.memref_slice %arg5[%squeeze3A_209, %dma_start3A_250] : memref<16384x64xf32, #tpu.memory_space<hbm>> -> memref<1x64xf32, #tpu.memory_space<hbm>>
        %dma_start3A_252 = arith.constant 0 : i32
        %dma_start3A_253 = tpu.memref_slice %arg5[%squeeze3A_209, %dma_start3A_252] : memref<16384x64xf32, #tpu.memory_space<hbm>> -> memref<1x64xf32, #tpu.memory_space<hbm>>
        %dma_start3A_254 = arith.constant 0 : i32
        %dma_start3A_255 = tpu.memref_slice %arg12[%and3A_220, %dma_start3A_254] : memref<16x64xf32, #tpu.memory_space<vmem>> -> memref<1x64xf32, #tpu.memory_space<vmem>>
        tpu.enqueue_dma source(%dma_start3A_255 : memref<1x64xf32, #tpu.memory_space<vmem>>) target(%dma_start3A_253 : memref<1x64xf32, #tpu.memory_space<hbm>>) target_semaphore(%arg14 : memref<!tpu.dma_semaphore, #tpu.memory_space<semaphore_mem>>)
        %add3A_256 = arith.constant 1 : i32
        %add3A_257 = arith.addi %while3A_202, %add3A_256 : i32
        scf.yield %add3A_257 : i32
      }
      %while3A_199 = arith.constant 1 : i32
      %while3A_200 = scf.for %while3A_201 = %while3A_196 to %while3A_192 step %while3A_199 iter_args(%while3A_202 = %while3A_198) -> (i32)  : i32 {
        %mul3A_203 = arith.constant 32 : i32
        %mul3A_204 = arith.muli %while3A_150, %mul3A_203 : i32
        %add3A_205 = arith.addi %mul3A_204, %while3A_201 : i32
        %get3A_206 = arith.index_cast %add3A_205 : i32 to index
        %get3A_207 = tpu.vector_load %arg9[%get3A_206] {strides = array<i32>} : memref<4016xi32, #tpu.memory_space<vmem>>, vector<16xi32>,
        %slice3A_208 = vector.extract_strided_slice %get3A_207 {offsets = [0], sizes = [1], strides = [1]} : vector<16xi32> to vector<1xi32>
        %squeeze3A_209 = vector.extract %slice3A_208[0] : i32 from vector<1xi32>
        %get3A_210 = arith.index_cast %squeeze3A_209 : i32 to index
        %get3A_211 = tpu.vector_load %arg6[%get3A_210] {strides = array<i32>} : memref<16400xi32, #tpu.memory_space<vmem>>, vector<16xi32>,
        %slice3A_212 = vector.extract_strided_slice %get3A_211 {offsets = [0], sizes = [1], strides = [1]} : vector<16xi32> to vector<1xi32>
        %squeeze3A_213 = vector.extract %slice3A_212[0] : i32 from vector<1xi32>
        %sub3A_214 = arith.subi %squeeze3A_213, %mul3A_2 : i32
        %mul3A_215 = arith.constant 256 : i32
        %mul3A_216 = arith.muli %while3A_150, %mul3A_215 : i32
        %sub3A_217 = arith.subi %sub3A_214, %mul3A_216 : i32
        %add3A_218 = arith.addi %mul3A_183, %sub3A_217 : i32
        %and3A_219 = arith.constant 15 : i32
        %and3A_220 = arith.andi %while3A_202, %and3A_219 : i32
        %ge3A = arith.constant 16 : i32
        %ge3A_221 = arith.cmpi sge, %while3A_202, %ge3A : i32
        %convert_element_type3A_222 = arith.extui %ge3A_221 : i1 to i32
        %cond3A_223 = arith.constant 0 : i32
        %cond3A_224 = arith.cmpi ne, %convert_element_type3A_222, %cond3A_223 : i32
        scf.if %cond3A_224 {
          %dma_wait3A_258 = arith.constant 0 : i32
          %dma_wait3A_259 = arith.constant 0 : i32
          %dma_wait3A_260 = tpu.memref_slice %arg12[%dma_wait3A_258, %dma_wait3A_259] : memref<16x64xf32, #tpu.memory_space<vmem>> -> memref<1x64xf32, #tpu.memory_space<vmem>>
          %dma_wait3A_261 = arith.constant 0 : i32
          %dma_wait3A_262 = arith.constant 0 : i32
          %dma_wait3A_263 = tpu.memref_slice %arg5[%dma_wait3A_261, %dma_wait3A_262] : memref<16384x64xf32, #tpu.memory_space<hbm>> -> memref<1x64xf32, #tpu.memory_space<hbm>>
          %dma_wait3A_264 = arith.constant 0 : i32
          %dma_wait3A_265 = arith.constant 0 : i32
          %dma_wait3A_266 = tpu.memref_slice %arg12[%dma_wait3A_264, %dma_wait3A_265] : memref<16x64xf32, #tpu.memory_space<vmem>> -> memref<1x64xf32, #tpu.memory_space<vmem>>
          %dma_wait3A_267 = arith.constant 0 : i32
          %dma_wait3A_268 = arith.constant 0 : i32
          %dma_wait3A_269 = tpu.memref_slice %arg5[%dma_wait3A_267, %dma_wait3A_268] : memref<16384x64xf32, #tpu.memory_space<hbm>> -> memref<1x64xf32, #tpu.memory_space<hbm>>
          tpu.wait_dma2 semaphore(%arg14 : memref<!tpu.dma_semaphore, #tpu.memory_space<semaphore_mem>>) src(%dma_wait3A_269 : memref<1x64xf32, #tpu.memory_space<hbm>>) dst(%dma_wait3A_266 : memref<1x64xf32, #tpu.memory_space<vmem>>)
        } else {
        }
        %add3A_225 = arith.constant 0 : i32
        %add3A_226 = vector.broadcast %add3A_225 : i32 to vector<16xi32>
        %add3A_227 = arith.addi %iota3A, %add3A_226 : vector<16xi32>
        %broadcast_in_dim3A_228 = vector.broadcast %add3A_218 : i32 to vector<16xi32>
        %gather3A = tpu.vector_load_idx %arg8[%add3A_227, %broadcast_in_dim3A_228] : memref<64x1344xf32, #tpu.memory_space<vmem>>[vector<16xi32>, vector<16xi32>], vector<16xf32>,
        %broadcast_in_dim3A_229 = vector.broadcast %and3A_220 : i32 to vector<16xi32>
        tpu.vector_store_idx %arg12[%broadcast_in_dim3A_229, %add3A_227], %gather3A : memref<16x64xf32, #tpu.memory_space<vmem>>[vector<16xi32>, vector<16xi32>], vector<16xf32>,
        %add3A_230 = arith.constant 16 : i32
        %add3A_231 = vector.broadcast %add3A_230 : i32 to vector<16xi32>
        %add3A_232 = arith.addi %iota3A, %add3A_231 : vector<16xi32>
        %broadcast_in_dim3A_233 = vector.broadcast %add3A_218 : i32 to vector<16xi32>
        %gather3A_234 = tpu.vector_load_idx %arg8[%add3A_232, %broadcast_in_dim3A_233] : memref<64x1344xf32, #tpu.memory_space<vmem>>[vector<16xi32>, vector<16xi32>], vector<16xf32>,
        %broadcast_in_dim3A_235 = vector.broadcast %and3A_220 : i32 to vector<16xi32>
        tpu.vector_store_idx %arg12[%broadcast_in_dim3A_235, %add3A_232], %gather3A_234 : memref<16x64xf32, #tpu.memory_space<vmem>>[vector<16xi32>, vector<16xi32>], vector<16xf32>,
        %add3A_236 = arith.constant 32 : i32
        %add3A_237 = vector.broadcast %add3A_236 : i32 to vector<16xi32>
        %add3A_238 = arith.addi %iota3A, %add3A_237 : vector<16xi32>
        %broadcast_in_dim3A_239 = vector.broadcast %add3A_218 : i32 to vector<16xi32>
        %gather3A_240 = tpu.vector_load_idx %arg8[%add3A_238, %broadcast_in_dim3A_239] : memref<64x1344xf32, #tpu.memory_space<vmem>>[vector<16xi32>, vector<16xi32>], vector<16xf32>,
        %broadcast_in_dim3A_241 = vector.broadcast %and3A_220 : i32 to vector<16xi32>
        tpu.vector_store_idx %arg12[%broadcast_in_dim3A_241, %add3A_238], %gather3A_240 : memref<16x64xf32, #tpu.memory_space<vmem>>[vector<16xi32>, vector<16xi32>], vector<16xf32>,
        %add3A_242 = arith.constant 48 : i32
        %add3A_243 = vector.broadcast %add3A_242 : i32 to vector<16xi32>
        %add3A_244 = arith.addi %iota3A, %add3A_243 : vector<16xi32>
        %broadcast_in_dim3A_245 = vector.broadcast %add3A_218 : i32 to vector<16xi32>
        %gather3A_246 = tpu.vector_load_idx %arg8[%add3A_244, %broadcast_in_dim3A_245] : memref<64x1344xf32, #tpu.memory_space<vmem>>[vector<16xi32>, vector<16xi32>], vector<16xf32>,
        %broadcast_in_dim3A_247 = vector.broadcast %and3A_220 : i32 to vector<16xi32>
        tpu.vector_store_idx %arg12[%broadcast_in_dim3A_247, %add3A_244], %gather3A_246 : memref<16x64xf32, #tpu.memory_space<vmem>>[vector<16xi32>, vector<16xi32>], vector<16xf32>,
        %dma_start3A_248 = arith.constant 0 : i32
        %dma_start3A_249 = tpu.memref_slice %arg12[%and3A_220, %dma_start3A_248] : memref<16x64xf32, #tpu.memory_space<vmem>> -> memref<1x64xf32, #tpu.memory_space<vmem>>
        %dma_start3A_250 = arith.constant 0 : i32
        %dma_start3A_251 = tpu.memref_slice %arg5[%squeeze3A_209, %dma_start3A_250] : memref<16384x64xf32, #tpu.memory_space<hbm>> -> memref<1x64xf32, #tpu.memory_space<hbm>>
        %dma_start3A_252 = arith.constant 0 : i32
        %dma_start3A_253 = tpu.memref_slice %arg5[%squeeze3A_209, %dma_start3A_252] : memref<16384x64xf32, #tpu.memory_space<hbm>> -> memref<1x64xf32, #tpu.memory_space<hbm>>
        %dma_start3A_254 = arith.constant 0 : i32
        %dma_start3A_255 = tpu.memref_slice %arg12[%and3A_220, %dma_start3A_254] : memref<16x64xf32, #tpu.memory_space<vmem>> -> memref<1x64xf32, #tpu.memory_space<vmem>>
        tpu.enqueue_dma source(%dma_start3A_255 : memref<1x64xf32, #tpu.memory_space<vmem>>) target(%dma_start3A_253 : memref<1x64xf32, #tpu.memory_space<hbm>>) target_semaphore(%arg14 : memref<!tpu.dma_semaphore, #tpu.memory_space<semaphore_mem>>)
        %add3A_256 = arith.constant 1 : i32
        %add3A_257 = arith.addi %while3A_202, %add3A_256 : i32
        scf.yield %add3A_257 : i32
      }
      scf.yield %while3A_200 : i32
    }
    %get3A = arith.constant 124 : index
    %get3A_123 = tpu.vector_load %arg10[%get3A] {strides = array<i32>} : memref<141xi32, #tpu.memory_space<vmem>>, vector<16xi32>,
    %slice3A = vector.extract_strided_slice %get3A_123 {offsets = [0], sizes = [1], strides = [1]} : vector<16xi32> to vector<1xi32>
    %squeeze3A = vector.extract %slice3A[0] : i32 from vector<1xi32>
    %min3A = arith.constant 32 : i32
    %min3A_124 = arith.minsi %squeeze3A, %min3A : i32
    %while3A_125 = arith.constant 0 : i32
    %while3A_126 = arith.subi %min3A_124, %while3A_125 : i32
    %while3A_127 = arith.addi %while3A_125, %while3A_126 : i32
    %while3A_128 = arith.constant 1 : i32
    %while3A_129 = arith.divsi %while3A_126, %while3A_128 : i32
    %while3A_130 = arith.muli %while3A_129, %while3A_128 : i32
    %while3A_131 = arith.addi %while3A_125, %while3A_130 : i32
    %while3A_132 = arith.constant 1 : i32
    %while3A_133 = scf.for %while3A_150 = %while3A_125 to %while3A_131 step %while3A_132 iter_args(%while3A_151 = %while3A_122) -> (i32)  : i32 {
      %add3A_152 = arith.constant 3968 : i32
      %add3A_153 = arith.addi %add3A_152, %while3A_150 : i32
      %get3A_154 = arith.index_cast %add3A_153 : i32 to index
      %get3A_155 = tpu.vector_load %arg9[%get3A_154] {strides = array<i32>} : memref<4016xi32, #tpu.memory_space<vmem>>, vector<16xi32>,
      %slice3A_156 = vector.extract_strided_slice %get3A_155 {offsets = [0], sizes = [1], strides = [1]} : vector<16xi32> to vector<1xi32>
      %squeeze3A_157 = vector.extract %slice3A_156[0] : i32 from vector<1xi32>
      %get3A_158 = arith.index_cast %squeeze3A_157 : i32 to index
      %get3A_159 = tpu.vector_load %arg6[%get3A_158] {strides = array<i32>} : memref<16400xi32, #tpu.memory_space<vmem>>, vector<16xi32>,
      %slice3A_160 = vector.extract_strided_slice %get3A_159 {offsets = [0], sizes = [1], strides = [1]} : vector<16xi32> to vector<1xi32>
      %squeeze3A_161 = vector.extract %slice3A_160[0] : i32 from vector<1xi32>
      %sub3A = arith.constant 999936 : i32
      %sub3A_162 = arith.subi %squeeze3A_161, %sub3A : i32
      %add3A_163 = arith.constant 1280 : i32
      %add3A_164 = arith.addi %add3A_163, %sub3A_162 : i32
      %and3A = arith.constant 15 : i32
      %and3A_165 = arith.andi %while3A_151, %and3A : i32
      %ge3A = arith.constant 16 : i32
      %ge3A_166 = arith.cmpi sge, %while3A_151, %ge3A : i32
      %convert_element_type3A_167 = arith.extui %ge3A_166 : i1 to i32
      %cond3A_168 = arith.constant 0 : i32
      %cond3A_169 = arith.cmpi ne, %convert_element_type3A_167, %cond3A_168 : i32
      scf.if %cond3A_169 {
        %dma_wait3A = arith.constant 0 : i32
        %dma_wait3A_203 = arith.constant 0 : i32
        %dma_wait3A_204 = tpu.memref_slice %arg12[%dma_wait3A, %dma_wait3A_203] : memref<16x64xf32, #tpu.memory_space<vmem>> -> memref<1x64xf32, #tpu.memory_space<vmem>>
        %dma_wait3A_205 = arith.constant 0 : i32
        %dma_wait3A_206 = arith.constant 0 : i32
        %dma_wait3A_207 = tpu.memref_slice %arg5[%dma_wait3A_205, %dma_wait3A_206] : memref<16384x64xf32, #tpu.memory_space<hbm>> -> memref<1x64xf32, #tpu.memory_space<hbm>>
        %dma_wait3A_208 = arith.constant 0 : i32
        %dma_wait3A_209 = arith.constant 0 : i32
        %dma_wait3A_210 = tpu.memref_slice %arg12[%dma_wait3A_208, %dma_wait3A_209] : memref<16x64xf32, #tpu.memory_space<vmem>> -> memref<1x64xf32, #tpu.memory_space<vmem>>
        %dma_wait3A_211 = arith.constant 0 : i32
        %dma_wait3A_212 = arith.constant 0 : i32
        %dma_wait3A_213 = tpu.memref_slice %arg5[%dma_wait3A_211, %dma_wait3A_212] : memref<16384x64xf32, #tpu.memory_space<hbm>> -> memref<1x64xf32, #tpu.memory_space<hbm>>
        tpu.wait_dma2 semaphore(%arg14 : memref<!tpu.dma_semaphore, #tpu.memory_space<semaphore_mem>>) src(%dma_wait3A_213 : memref<1x64xf32, #tpu.memory_space<hbm>>) dst(%dma_wait3A_210 : memref<1x64xf32, #tpu.memory_space<vmem>>)
      } else {
      }
      %add3A_170 = arith.constant 0 : i32
      %add3A_171 = vector.broadcast %add3A_170 : i32 to vector<16xi32>
      %add3A_172 = arith.addi %iota3A, %add3A_171 : vector<16xi32>
      %broadcast_in_dim3A_173 = vector.broadcast %add3A_164 : i32 to vector<16xi32>
      %gather3A = tpu.vector_load_idx %arg8[%add3A_172, %broadcast_in_dim3A_173] : memref<64x1344xf32, #tpu.memory_space<vmem>>[vector<16xi32>, vector<16xi32>], vector<16xf32>,
      %broadcast_in_dim3A_174 = vector.broadcast %and3A_165 : i32 to vector<16xi32>
      tpu.vector_store_idx %arg12[%broadcast_in_dim3A_174, %add3A_172], %gather3A : memref<16x64xf32, #tpu.memory_space<vmem>>[vector<16xi32>, vector<16xi32>], vector<16xf32>,
      %add3A_175 = arith.constant 16 : i32
      %add3A_176 = vector.broadcast %add3A_175 : i32 to vector<16xi32>
      %add3A_177 = arith.addi %iota3A, %add3A_176 : vector<16xi32>
      %broadcast_in_dim3A_178 = vector.broadcast %add3A_164 : i32 to vector<16xi32>
      %gather3A_179 = tpu.vector_load_idx %arg8[%add3A_177, %broadcast_in_dim3A_178] : memref<64x1344xf32, #tpu.memory_space<vmem>>[vector<16xi32>, vector<16xi32>], vector<16xf32>,
      %broadcast_in_dim3A_180 = vector.broadcast %and3A_165 : i32 to vector<16xi32>
      tpu.vector_store_idx %arg12[%broadcast_in_dim3A_180, %add3A_177], %gather3A_179 : memref<16x64xf32, #tpu.memory_space<vmem>>[vector<16xi32>, vector<16xi32>], vector<16xf32>,
      %add3A_181 = arith.constant 32 : i32
      %add3A_182 = vector.broadcast %add3A_181 : i32 to vector<16xi32>
      %add3A_183 = arith.addi %iota3A, %add3A_182 : vector<16xi32>
      %broadcast_in_dim3A_184 = vector.broadcast %add3A_164 : i32 to vector<16xi32>
      %gather3A_185 = tpu.vector_load_idx %arg8[%add3A_183, %broadcast_in_dim3A_184] : memref<64x1344xf32, #tpu.memory_space<vmem>>[vector<16xi32>, vector<16xi32>], vector<16xf32>,
      %broadcast_in_dim3A_186 = vector.broadcast %and3A_165 : i32 to vector<16xi32>
      tpu.vector_store_idx %arg12[%broadcast_in_dim3A_186, %add3A_183], %gather3A_185 : memref<16x64xf32, #tpu.memory_space<vmem>>[vector<16xi32>, vector<16xi32>], vector<16xf32>,
      %add3A_187 = arith.constant 48 : i32
      %add3A_188 = vector.broadcast %add3A_187 : i32 to vector<16xi32>
      %add3A_189 = arith.addi %iota3A, %add3A_188 : vector<16xi32>
      %broadcast_in_dim3A_190 = vector.broadcast %add3A_164 : i32 to vector<16xi32>
      %gather3A_191 = tpu.vector_load_idx %arg8[%add3A_189, %broadcast_in_dim3A_190] : memref<64x1344xf32, #tpu.memory_space<vmem>>[vector<16xi32>, vector<16xi32>], vector<16xf32>,
      %broadcast_in_dim3A_192 = vector.broadcast %and3A_165 : i32 to vector<16xi32>
      tpu.vector_store_idx %arg12[%broadcast_in_dim3A_192, %add3A_189], %gather3A_191 : memref<16x64xf32, #tpu.memory_space<vmem>>[vector<16xi32>, vector<16xi32>], vector<16xf32>,
      %dma_start3A_193 = arith.constant 0 : i32
      %dma_start3A_194 = tpu.memref_slice %arg12[%and3A_165, %dma_start3A_193] : memref<16x64xf32, #tpu.memory_space<vmem>> -> memref<1x64xf32, #tpu.memory_space<vmem>>
      %dma_start3A_195 = arith.constant 0 : i32
      %dma_start3A_196 = tpu.memref_slice %arg5[%squeeze3A_157, %dma_start3A_195] : memref<16384x64xf32, #tpu.memory_space<hbm>> -> memref<1x64xf32, #tpu.memory_space<hbm>>
      %dma_start3A_197 = arith.constant 0 : i32
      %dma_start3A_198 = tpu.memref_slice %arg5[%squeeze3A_157, %dma_start3A_197] : memref<16384x64xf32, #tpu.memory_space<hbm>> -> memref<1x64xf32, #tpu.memory_space<hbm>>
      %dma_start3A_199 = arith.constant 0 : i32
      %dma_start3A_200 = tpu.memref_slice %arg12[%and3A_165, %dma_start3A_199] : memref<16x64xf32, #tpu.memory_space<vmem>> -> memref<1x64xf32, #tpu.memory_space<vmem>>
      tpu.enqueue_dma source(%dma_start3A_200 : memref<1x64xf32, #tpu.memory_space<vmem>>) target(%dma_start3A_198 : memref<1x64xf32, #tpu.memory_space<hbm>>) target_semaphore(%arg14 : memref<!tpu.dma_semaphore, #tpu.memory_space<semaphore_mem>>)
      %add3A_201 = arith.constant 1 : i32
      %add3A_202 = arith.addi %while3A_151, %add3A_201 : i32
      scf.yield %add3A_202 : i32
    }
    %while3A_134 = arith.constant 1 : i32
    %while3A_135 = scf.for %while3A_150 = %while3A_131 to %while3A_127 step %while3A_134 iter_args(%while3A_151 = %while3A_133) -> (i32)  : i32 {
      %add3A_152 = arith.constant 3968 : i32
      %add3A_153 = arith.addi %add3A_152, %while3A_150 : i32
      %get3A_154 = arith.index_cast %add3A_153 : i32 to index
      %get3A_155 = tpu.vector_load %arg9[%get3A_154] {strides = array<i32>} : memref<4016xi32, #tpu.memory_space<vmem>>, vector<16xi32>,
      %slice3A_156 = vector.extract_strided_slice %get3A_155 {offsets = [0], sizes = [1], strides = [1]} : vector<16xi32> to vector<1xi32>
      %squeeze3A_157 = vector.extract %slice3A_156[0] : i32 from vector<1xi32>
      %get3A_158 = arith.index_cast %squeeze3A_157 : i32 to index
      %get3A_159 = tpu.vector_load %arg6[%get3A_158] {strides = array<i32>} : memref<16400xi32, #tpu.memory_space<vmem>>, vector<16xi32>,
      %slice3A_160 = vector.extract_strided_slice %get3A_159 {offsets = [0], sizes = [1], strides = [1]} : vector<16xi32> to vector<1xi32>
      %squeeze3A_161 = vector.extract %slice3A_160[0] : i32 from vector<1xi32>
      %sub3A = arith.constant 999936 : i32
      %sub3A_162 = arith.subi %squeeze3A_161, %sub3A : i32
      %add3A_163 = arith.constant 1280 : i32
      %add3A_164 = arith.addi %add3A_163, %sub3A_162 : i32
      %and3A = arith.constant 15 : i32
      %and3A_165 = arith.andi %while3A_151, %and3A : i32
      %ge3A = arith.constant 16 : i32
      %ge3A_166 = arith.cmpi sge, %while3A_151, %ge3A : i32
      %convert_element_type3A_167 = arith.extui %ge3A_166 : i1 to i32
      %cond3A_168 = arith.constant 0 : i32
      %cond3A_169 = arith.cmpi ne, %convert_element_type3A_167, %cond3A_168 : i32
      scf.if %cond3A_169 {
        %dma_wait3A = arith.constant 0 : i32
        %dma_wait3A_203 = arith.constant 0 : i32
        %dma_wait3A_204 = tpu.memref_slice %arg12[%dma_wait3A, %dma_wait3A_203] : memref<16x64xf32, #tpu.memory_space<vmem>> -> memref<1x64xf32, #tpu.memory_space<vmem>>
        %dma_wait3A_205 = arith.constant 0 : i32
        %dma_wait3A_206 = arith.constant 0 : i32
        %dma_wait3A_207 = tpu.memref_slice %arg5[%dma_wait3A_205, %dma_wait3A_206] : memref<16384x64xf32, #tpu.memory_space<hbm>> -> memref<1x64xf32, #tpu.memory_space<hbm>>
        %dma_wait3A_208 = arith.constant 0 : i32
        %dma_wait3A_209 = arith.constant 0 : i32
        %dma_wait3A_210 = tpu.memref_slice %arg12[%dma_wait3A_208, %dma_wait3A_209] : memref<16x64xf32, #tpu.memory_space<vmem>> -> memref<1x64xf32, #tpu.memory_space<vmem>>
        %dma_wait3A_211 = arith.constant 0 : i32
        %dma_wait3A_212 = arith.constant 0 : i32
        %dma_wait3A_213 = tpu.memref_slice %arg5[%dma_wait3A_211, %dma_wait3A_212] : memref<16384x64xf32, #tpu.memory_space<hbm>> -> memref<1x64xf32, #tpu.memory_space<hbm>>
        tpu.wait_dma2 semaphore(%arg14 : memref<!tpu.dma_semaphore, #tpu.memory_space<semaphore_mem>>) src(%dma_wait3A_213 : memref<1x64xf32, #tpu.memory_space<hbm>>) dst(%dma_wait3A_210 : memref<1x64xf32, #tpu.memory_space<vmem>>)
      } else {
      }
      %add3A_170 = arith.constant 0 : i32
      %add3A_171 = vector.broadcast %add3A_170 : i32 to vector<16xi32>
      %add3A_172 = arith.addi %iota3A, %add3A_171 : vector<16xi32>
      %broadcast_in_dim3A_173 = vector.broadcast %add3A_164 : i32 to vector<16xi32>
      %gather3A = tpu.vector_load_idx %arg8[%add3A_172, %broadcast_in_dim3A_173] : memref<64x1344xf32, #tpu.memory_space<vmem>>[vector<16xi32>, vector<16xi32>], vector<16xf32>,
      %broadcast_in_dim3A_174 = vector.broadcast %and3A_165 : i32 to vector<16xi32>
      tpu.vector_store_idx %arg12[%broadcast_in_dim3A_174, %add3A_172], %gather3A : memref<16x64xf32, #tpu.memory_space<vmem>>[vector<16xi32>, vector<16xi32>], vector<16xf32>,
      %add3A_175 = arith.constant 16 : i32
      %add3A_176 = vector.broadcast %add3A_175 : i32 to vector<16xi32>
      %add3A_177 = arith.addi %iota3A, %add3A_176 : vector<16xi32>
      %broadcast_in_dim3A_178 = vector.broadcast %add3A_164 : i32 to vector<16xi32>
      %gather3A_179 = tpu.vector_load_idx %arg8[%add3A_177, %broadcast_in_dim3A_178] : memref<64x1344xf32, #tpu.memory_space<vmem>>[vector<16xi32>, vector<16xi32>], vector<16xf32>,
      %broadcast_in_dim3A_180 = vector.broadcast %and3A_165 : i32 to vector<16xi32>
      tpu.vector_store_idx %arg12[%broadcast_in_dim3A_180, %add3A_177], %gather3A_179 : memref<16x64xf32, #tpu.memory_space<vmem>>[vector<16xi32>, vector<16xi32>], vector<16xf32>,
      %add3A_181 = arith.constant 32 : i32
      %add3A_182 = vector.broadcast %add3A_181 : i32 to vector<16xi32>
      %add3A_183 = arith.addi %iota3A, %add3A_182 : vector<16xi32>
      %broadcast_in_dim3A_184 = vector.broadcast %add3A_164 : i32 to vector<16xi32>
      %gather3A_185 = tpu.vector_load_idx %arg8[%add3A_183, %broadcast_in_dim3A_184] : memref<64x1344xf32, #tpu.memory_space<vmem>>[vector<16xi32>, vector<16xi32>], vector<16xf32>,
      %broadcast_in_dim3A_186 = vector.broadcast %and3A_165 : i32 to vector<16xi32>
      tpu.vector_store_idx %arg12[%broadcast_in_dim3A_186, %add3A_183], %gather3A_185 : memref<16x64xf32, #tpu.memory_space<vmem>>[vector<16xi32>, vector<16xi32>], vector<16xf32>,
      %add3A_187 = arith.constant 48 : i32
      %add3A_188 = vector.broadcast %add3A_187 : i32 to vector<16xi32>
      %add3A_189 = arith.addi %iota3A, %add3A_188 : vector<16xi32>
      %broadcast_in_dim3A_190 = vector.broadcast %add3A_164 : i32 to vector<16xi32>
      %gather3A_191 = tpu.vector_load_idx %arg8[%add3A_189, %broadcast_in_dim3A_190] : memref<64x1344xf32, #tpu.memory_space<vmem>>[vector<16xi32>, vector<16xi32>], vector<16xf32>,
      %broadcast_in_dim3A_192 = vector.broadcast %and3A_165 : i32 to vector<16xi32>
      tpu.vector_store_idx %arg12[%broadcast_in_dim3A_192, %add3A_189], %gather3A_191 : memref<16x64xf32, #tpu.memory_space<vmem>>[vector<16xi32>, vector<16xi32>], vector<16xf32>,
      %dma_start3A_193 = arith.constant 0 : i32
      %dma_start3A_194 = tpu.memref_slice %arg12[%and3A_165, %dma_start3A_193] : memref<16x64xf32, #tpu.memory_space<vmem>> -> memref<1x64xf32, #tpu.memory_space<vmem>>
      %dma_start3A_195 = arith.constant 0 : i32
      %dma_start3A_196 = tpu.memref_slice %arg5[%squeeze3A_157, %dma_start3A_195] : memref<16384x64xf32, #tpu.memory_space<hbm>> -> memref<1x64xf32, #tpu.memory_space<hbm>>
      %dma_start3A_197 = arith.constant 0 : i32
      %dma_start3A_198 = tpu.memref_slice %arg5[%squeeze3A_157, %dma_start3A_197] : memref<16384x64xf32, #tpu.memory_space<hbm>> -> memref<1x64xf32, #tpu.memory_space<hbm>>
      %dma_start3A_199 = arith.constant 0 : i32
      %dma_start3A_200 = tpu.memref_slice %arg12[%and3A_165, %dma_start3A_199] : memref<16x64xf32, #tpu.memory_space<vmem>> -> memref<1x64xf32, #tpu.memory_space<vmem>>
      tpu.enqueue_dma source(%dma_start3A_200 : memref<1x64xf32, #tpu.memory_space<vmem>>) target(%dma_start3A_198 : memref<1x64xf32, #tpu.memory_space<hbm>>) target_semaphore(%arg14 : memref<!tpu.dma_semaphore, #tpu.memory_space<semaphore_mem>>)
      %add3A_201 = arith.constant 1 : i32
      %add3A_202 = arith.addi %while3A_151, %add3A_201 : i32
      scf.yield %add3A_202 : i32
    }
    %min3A_136 = arith.constant 16 : i32
    %min3A_137 = arith.minsi %while3A_135, %min3A_136 : i32
    %while3A_138 = arith.constant 0 : i32
    %while3A_139 = arith.constant 0 : i32
    %while3A_140 = arith.subi %min3A_137, %while3A_139 : i32
    %while3A_141 = arith.addi %while3A_139, %while3A_140 : i32
    %while3A_142 = arith.constant 1 : i32
    %while3A_143 = arith.divsi %while3A_140, %while3A_142 : i32
    %while3A_144 = arith.muli %while3A_143, %while3A_142 : i32
    %while3A_145 = arith.addi %while3A_139, %while3A_144 : i32
    %while3A_146 = arith.constant 1 : i32
    scf.for %while3A_150 = %while3A_139 to %while3A_145 step %while3A_146  : i32 {
      %dma_wait3A = arith.constant 0 : i32
      %dma_wait3A_151 = arith.constant 0 : i32
      %dma_wait3A_152 = tpu.memref_slice %arg12[%dma_wait3A, %dma_wait3A_151] : memref<16x64xf32, #tpu.memory_space<vmem>> -> memref<1x64xf32, #tpu.memory_space<vmem>>
      %dma_wait3A_153 = arith.constant 0 : i32
      %dma_wait3A_154 = arith.constant 0 : i32
      %dma_wait3A_155 = tpu.memref_slice %arg5[%dma_wait3A_153, %dma_wait3A_154] : memref<16384x64xf32, #tpu.memory_space<hbm>> -> memref<1x64xf32, #tpu.memory_space<hbm>>
      %dma_wait3A_156 = arith.constant 0 : i32
      %dma_wait3A_157 = arith.constant 0 : i32
      %dma_wait3A_158 = tpu.memref_slice %arg12[%dma_wait3A_156, %dma_wait3A_157] : memref<16x64xf32, #tpu.memory_space<vmem>> -> memref<1x64xf32, #tpu.memory_space<vmem>>
      %dma_wait3A_159 = arith.constant 0 : i32
      %dma_wait3A_160 = arith.constant 0 : i32
      %dma_wait3A_161 = tpu.memref_slice %arg5[%dma_wait3A_159, %dma_wait3A_160] : memref<16384x64xf32, #tpu.memory_space<hbm>> -> memref<1x64xf32, #tpu.memory_space<hbm>>
      tpu.wait_dma2 semaphore(%arg14 : memref<!tpu.dma_semaphore, #tpu.memory_space<semaphore_mem>>) src(%dma_wait3A_161 : memref<1x64xf32, #tpu.memory_space<hbm>>) dst(%dma_wait3A_158 : memref<1x64xf32, #tpu.memory_space<vmem>>)
    }
    %while3A_147 = arith.constant 1 : i32
    scf.for %while3A_150 = %while3A_145 to %while3A_141 step %while3A_147  : i32 {
      %dma_wait3A = arith.constant 0 : i32
      %dma_wait3A_151 = arith.constant 0 : i32
      %dma_wait3A_152 = tpu.memref_slice %arg12[%dma_wait3A, %dma_wait3A_151] : memref<16x64xf32, #tpu.memory_space<vmem>> -> memref<1x64xf32, #tpu.memory_space<vmem>>
      %dma_wait3A_153 = arith.constant 0 : i32
      %dma_wait3A_154 = arith.constant 0 : i32
      %dma_wait3A_155 = tpu.memref_slice %arg5[%dma_wait3A_153, %dma_wait3A_154] : memref<16384x64xf32, #tpu.memory_space<hbm>> -> memref<1x64xf32, #tpu.memory_space<hbm>>
      %dma_wait3A_156 = arith.constant 0 : i32
      %dma_wait3A_157 = arith.constant 0 : i32
      %dma_wait3A_158 = tpu.memref_slice %arg12[%dma_wait3A_156, %dma_wait3A_157] : memref<16x64xf32, #tpu.memory_space<vmem>> -> memref<1x64xf32, #tpu.memory_space<vmem>>
      %dma_wait3A_159 = arith.constant 0 : i32
      %dma_wait3A_160 = arith.constant 0 : i32
      %dma_wait3A_161 = tpu.memref_slice %arg5[%dma_wait3A_159, %dma_wait3A_160] : memref<16384x64xf32, #tpu.memory_space<hbm>> -> memref<1x64xf32, #tpu.memory_space<hbm>>
      tpu.wait_dma2 semaphore(%arg14 : memref<!tpu.dma_semaphore, #tpu.memory_space<semaphore_mem>>) src(%dma_wait3A_161 : memref<1x64xf32, #tpu.memory_space<hbm>>) dst(%dma_wait3A_158 : memref<1x64xf32, #tpu.memory_space<vmem>>)
    }
    %gt3A = arith.constant 0 : i32
    %gt3A_148 = arith.cmpi sgt, %while3A_110, %gt3A : i32
    %convert_element_type3A = arith.extui %gt3A_148 : i1 to i32
    %cond3A = arith.constant 0 : i32
    %cond3A_149 = arith.cmpi ne, %convert_element_type3A, %cond3A : i32
    scf.if %cond3A_149 {
      %while3A_150 = arith.constant 0 : i32
      %while3A_151 = arith.constant 0 : i32
      %while3A_152 = arith.subi %scan3A_98, %while3A_151 : i32
      %while3A_153 = arith.addi %while3A_151, %while3A_152 : i32
      %while3A_154 = arith.constant 1 : i32
      %while3A_155 = arith.divsi %while3A_152, %while3A_154 : i32
      %while3A_156 = arith.muli %while3A_155, %while3A_154 : i32
      %while3A_157 = arith.addi %while3A_151, %while3A_156 : i32
      %while3A_158 = arith.constant 1 : i32
      scf.for %while3A_160 = %while3A_151 to %while3A_157 step %while3A_158  : i32 {
        %get3A_161 = arith.index_cast %while3A_160 : i32 to index
        %get3A_162 = tpu.vector_load %arg7[%get3A_161] {strides = array<i32>} : memref<16400xi32, #tpu.memory_space<vmem>>, vector<16xi32>,
        %slice3A_163 = vector.extract_strided_slice %get3A_162 {offsets = [0], sizes = [1], strides = [1]} : vector<16xi32> to vector<1xi32>
        %squeeze3A_164 = vector.extract %slice3A_163[0] : i32 from vector<1xi32>
        %get3A_165 = arith.index_cast %squeeze3A_164 : i32 to index
        %get3A_166 = tpu.vector_load %arg6[%get3A_165] {strides = array<i32>} : memref<16400xi32, #tpu.memory_space<vmem>>, vector<16xi32>,
        %slice3A_167 = vector.extract_strided_slice %get3A_166 {offsets = [0], sizes = [1], strides = [1]} : vector<16xi32> to vector<1xi32>
        %squeeze3A_168 = vector.extract %slice3A_167[0] : i32 from vector<1xi32>
        %sub3A = arith.subi %squeeze3A_168, %mul3A_2 : i32
        %shift_right_arithmetic3A = arith.constant 8 : i32
        %shift_right_arithmetic3A_169 = arith.shrsi %sub3A, %shift_right_arithmetic3A : i32
        %get3A_170 = arith.index_cast %shift_right_arithmetic3A_169 : i32 to index
        %get3A_171 = tpu.vector_load %arg11[%get3A_170] {strides = array<i32>} : memref<141xi32, #tpu.memory_space<vmem>>, vector<16xi32>,
        %slice3A_172 = vector.extract_strided_slice %get3A_171 {offsets = [0], sizes = [1], strides = [1]} : vector<16xi32> to vector<1xi32>
        %squeeze3A_173 = vector.extract %slice3A_172[0] : i32 from vector<1xi32>
        %broadcast_in_dim3A_174 = vector.broadcast %shift_right_arithmetic3A_169 : i32 to vector<16xi32>
        %add3A_175 = arith.constant 1 : i32
        %add3A_176 = arith.addi %squeeze3A_173, %add3A_175 : i32
        %broadcast_in_dim3A_177 = vector.broadcast %add3A_176 : i32 to vector<16xi32>
        tpu.vector_store_idx %arg11[%broadcast_in_dim3A_174], %broadcast_in_dim3A_177 masked %eq3A_11 : memref<141xi32, #tpu.memory_space<vmem>>[vector<16xi32>], vector<16xi32>, vector<16xi1>
        %ge3A = arith.constant 32 : i32
        %ge3A_178 = arith.cmpi sge, %squeeze3A_173, %ge3A : i32
        %convert_element_type3A_179 = arith.extui %ge3A_178 : i1 to i32
        %cond3A_180 = arith.constant 0 : i32
        %cond3A_181 = arith.cmpi ne, %convert_element_type3A_179, %cond3A_180 : i32
        scf.if %cond3A_181 {
          %shift_right_arithmetic3A_182 = arith.constant 7 : i32
          %shift_right_arithmetic3A_183 = arith.shrsi %squeeze3A_168, %shift_right_arithmetic3A_182 : i32
          %min3A_184 = arith.constant 7811 : i32
          %min3A_185 = arith.minsi %shift_right_arithmetic3A_183, %min3A_184 : i32
          %mul3A_186 = arith.constant 128 : i32
          %mul3A_187 = arith.muli %min3A_185, %mul3A_186 : i32
          %multiple_of3A_188 = tpu.assume_multiple %mul3A_187, 128 : i32
          "tpu.region"() ({
            %run_scoped3A = tpu.sem_alloc : memref<!tpu.dma_semaphore, #tpu.memory_space<semaphore_mem>>
            %dma_start3A_224 = arith.constant 0 : i32
            %dma_start3A_225 = arith.constant 0 : i32
            %dma_start3A_226 = tpu.memref_slice %arg8[%dma_start3A_224, %dma_start3A_225] : memref<64x1344xf32, #tpu.memory_space<vmem>> -> memref<64x128xf32, #tpu.memory_space<vmem>>
            %dma_start3A_227 = arith.constant 0 : i32
            %dma_start3A_228 = tpu.memref_slice %arg3[%dma_start3A_227, %multiple_of3A_188] : memref<64x1000000xf32, #tpu.memory_space<hbm>> -> memref<64x128xf32, #tpu.memory_space<hbm>>
            %dma_start3A_229 = arith.constant 0 : i32
            %dma_start3A_230 = arith.constant 0 : i32
            %dma_start3A_231 = tpu.memref_slice %arg8[%dma_start3A_229, %dma_start3A_230] : memref<64x1344xf32, #tpu.memory_space<vmem>> -> memref<64x128xf32, #tpu.memory_space<vmem>>
            %dma_start3A_232 = arith.constant 0 : i32
            %dma_start3A_233 = tpu.memref_slice %arg3[%dma_start3A_232, %multiple_of3A_188] : memref<64x1000000xf32, #tpu.memory_space<hbm>> -> memref<64x128xf32, #tpu.memory_space<hbm>>
            tpu.enqueue_dma source(%dma_start3A_233 : memref<64x128xf32, #tpu.memory_space<hbm>>) target(%dma_start3A_231 : memref<64x128xf32, #tpu.memory_space<vmem>>) target_semaphore(%run_scoped3A : memref<!tpu.dma_semaphore, #tpu.memory_space<semaphore_mem>>)
            %dma_wait3A = arith.constant 0 : i32
            %dma_wait3A_234 = arith.constant 0 : i32
            %dma_wait3A_235 = tpu.memref_slice %arg8[%dma_wait3A, %dma_wait3A_234] : memref<64x1344xf32, #tpu.memory_space<vmem>> -> memref<64x128xf32, #tpu.memory_space<vmem>>
            %dma_wait3A_236 = arith.constant 0 : i32
            %dma_wait3A_237 = tpu.memref_slice %arg3[%dma_wait3A_236, %multiple_of3A_188] : memref<64x1000000xf32, #tpu.memory_space<hbm>> -> memref<64x128xf32, #tpu.memory_space<hbm>>
            %dma_wait3A_238 = arith.constant 0 : i32
            %dma_wait3A_239 = arith.constant 0 : i32
            %dma_wait3A_240 = tpu.memref_slice %arg8[%dma_wait3A_238, %dma_wait3A_239] : memref<64x1344xf32, #tpu.memory_space<vmem>> -> memref<64x128xf32, #tpu.memory_space<vmem>>
            %dma_wait3A_241 = arith.constant 0 : i32
            %dma_wait3A_242 = tpu.memref_slice %arg3[%dma_wait3A_241, %multiple_of3A_188] : memref<64x1000000xf32, #tpu.memory_space<hbm>> -> memref<64x128xf32, #tpu.memory_space<hbm>>
            tpu.wait_dma2 semaphore(%run_scoped3A : memref<!tpu.dma_semaphore, #tpu.memory_space<semaphore_mem>>) src(%dma_wait3A_242 : memref<64x128xf32, #tpu.memory_space<hbm>>) dst(%dma_wait3A_240 : memref<64x128xf32, #tpu.memory_space<vmem>>)
            tpu.yield
          }) : () -> ()
          %ge3A_189 = arith.constant 999936 : i32
          %ge3A_190 = arith.cmpi sge, %squeeze3A_168, %ge3A_189 : i32
          %sub3A_191 = arith.constant 999936 : i32
          %sub3A_192 = arith.subi %squeeze3A_168, %sub3A_191 : i32
          %add3A_193 = arith.constant 1280 : i32
          %add3A_194 = arith.addi %add3A_193, %sub3A_192 : i32
          %and3A = arith.constant 127 : i32
          %and3A_195 = arith.andi %squeeze3A_168, %and3A : i32
          %select_n3A_196 = arith.select %ge3A_190, %add3A_194, %and3A_195 : i32
          %add3A_197 = arith.constant 0 : i32
          %add3A_198 = vector.broadcast %add3A_197 : i32 to vector<16xi32>
          %add3A_199 = arith.addi %iota3A, %add3A_198 : vector<16xi32>
          %broadcast_in_dim3A_200 = vector.broadcast %select_n3A_196 : i32 to vector<16xi32>
          %gather3A = tpu.vector_load_idx %arg8[%add3A_199, %broadcast_in_dim3A_200] : memref<64x1344xf32, #tpu.memory_space<vmem>>[vector<16xi32>, vector<16xi32>], vector<16xf32>,
          %broadcast_in_dim3A_201 = arith.constant 0 : i32
          %broadcast_in_dim3A_202 = vector.broadcast %broadcast_in_dim3A_201 : i32 to vector<16xi32>
          tpu.vector_store_idx %arg12[%broadcast_in_dim3A_202, %add3A_199], %gather3A : memref<16x64xf32, #tpu.memory_space<vmem>>[vector<16xi32>, vector<16xi32>], vector<16xf32>,
          %add3A_203 = arith.constant 16 : i32
          %add3A_204 = vector.broadcast %add3A_203 : i32 to vector<16xi32>
          %add3A_205 = arith.addi %iota3A, %add3A_204 : vector<16xi32>
          %broadcast_in_dim3A_206 = vector.broadcast %select_n3A_196 : i32 to vector<16xi32>
          %gather3A_207 = tpu.vector_load_idx %arg8[%add3A_205, %broadcast_in_dim3A_206] : memref<64x1344xf32, #tpu.memory_space<vmem>>[vector<16xi32>, vector<16xi32>], vector<16xf32>,
          %broadcast_in_dim3A_208 = arith.constant 0 : i32
          %broadcast_in_dim3A_209 = vector.broadcast %broadcast_in_dim3A_208 : i32 to vector<16xi32>
          tpu.vector_store_idx %arg12[%broadcast_in_dim3A_209, %add3A_205], %gather3A_207 : memref<16x64xf32, #tpu.memory_space<vmem>>[vector<16xi32>, vector<16xi32>], vector<16xf32>,
          %add3A_210 = arith.constant 32 : i32
          %add3A_211 = vector.broadcast %add3A_210 : i32 to vector<16xi32>
          %add3A_212 = arith.addi %iota3A, %add3A_211 : vector<16xi32>
          %broadcast_in_dim3A_213 = vector.broadcast %select_n3A_196 : i32 to vector<16xi32>
          %gather3A_214 = tpu.vector_load_idx %arg8[%add3A_212, %broadcast_in_dim3A_213] : memref<64x1344xf32, #tpu.memory_space<vmem>>[vector<16xi32>, vector<16xi32>], vector<16xf32>,
          %broadcast_in_dim3A_215 = arith.constant 0 : i32
          %broadcast_in_dim3A_216 = vector.broadcast %broadcast_in_dim3A_215 : i32 to vector<16xi32>
          tpu.vector_store_idx %arg12[%broadcast_in_dim3A_216, %add3A_212], %gather3A_214 : memref<16x64xf32, #tpu.memory_space<vmem>>[vector<16xi32>, vector<16xi32>], vector<16xf32>,
          %add3A_217 = arith.constant 48 : i32
          %add3A_218 = vector.broadcast %add3A_217 : i32 to vector<16xi32>
          %add3A_219 = arith.addi %iota3A, %add3A_218 : vector<16xi32>
          %broadcast_in_dim3A_220 = vector.broadcast %select_n3A_196 : i32 to vector<16xi32>
          %gather3A_221 = tpu.vector_load_idx %arg8[%add3A_219, %broadcast_in_dim3A_220] : memref<64x1344xf32, #tpu.memory_space<vmem>>[vector<16xi32>, vector<16xi32>], vector<16xf32>,
          %broadcast_in_dim3A_222 = arith.constant 0 : i32
          %broadcast_in_dim3A_223 = vector.broadcast %broadcast_in_dim3A_222 : i32 to vector<16xi32>
          tpu.vector_store_idx %arg12[%broadcast_in_dim3A_223, %add3A_219], %gather3A_221 : memref<16x64xf32, #tpu.memory_space<vmem>>[vector<16xi32>, vector<16xi32>], vector<16xf32>,
          "tpu.region"() ({
            %run_scoped3A = tpu.sem_alloc : memref<!tpu.dma_semaphore, #tpu.memory_space<semaphore_mem>>
            %dma_start3A_224 = arith.constant 0 : i32
            %dma_start3A_225 = arith.constant 0 : i32
            %dma_start3A_226 = tpu.memref_slice %arg12[%dma_start3A_224, %dma_start3A_225] : memref<16x64xf32, #tpu.memory_space<vmem>> -> memref<1x64xf32, #tpu.memory_space<vmem>>
            %dma_start3A_227 = arith.constant 0 : i32
            %dma_start3A_228 = tpu.memref_slice %arg5[%squeeze3A_164, %dma_start3A_227] : memref<16384x64xf32, #tpu.memory_space<hbm>> -> memref<1x64xf32, #tpu.memory_space<hbm>>
            %dma_start3A_229 = arith.constant 0 : i32
            %dma_start3A_230 = tpu.memref_slice %arg5[%squeeze3A_164, %dma_start3A_229] : memref<16384x64xf32, #tpu.memory_space<hbm>> -> memref<1x64xf32, #tpu.memory_space<hbm>>
            %dma_start3A_231 = arith.constant 0 : i32
            %dma_start3A_232 = arith.constant 0 : i32
            %dma_start3A_233 = tpu.memref_slice %arg12[%dma_start3A_231, %dma_start3A_232] : memref<16x64xf32, #tpu.memory_space<vmem>> -> memref<1x64xf32, #tpu.memory_space<vmem>>
            tpu.enqueue_dma source(%dma_start3A_233 : memref<1x64xf32, #tpu.memory_space<vmem>>) target(%dma_start3A_230 : memref<1x64xf32, #tpu.memory_space<hbm>>) target_semaphore(%run_scoped3A : memref<!tpu.dma_semaphore, #tpu.memory_space<semaphore_mem>>)
            %dma_wait3A = arith.constant 0 : i32
            %dma_wait3A_234 = arith.constant 0 : i32
            %dma_wait3A_235 = tpu.memref_slice %arg12[%dma_wait3A, %dma_wait3A_234] : memref<16x64xf32, #tpu.memory_space<vmem>> -> memref<1x64xf32, #tpu.memory_space<vmem>>
            %dma_wait3A_236 = arith.constant 0 : i32
            %dma_wait3A_237 = tpu.memref_slice %arg5[%squeeze3A_164, %dma_wait3A_236] : memref<16384x64xf32, #tpu.memory_space<hbm>> -> memref<1x64xf32, #tpu.memory_space<hbm>>
            %dma_wait3A_238 = arith.constant 0 : i32
            %dma_wait3A_239 = tpu.memref_slice %arg5[%squeeze3A_164, %dma_wait3A_238] : memref<16384x64xf32, #tpu.memory_space<hbm>> -> memref<1x64xf32, #tpu.memory_space<hbm>>
            %dma_wait3A_240 = arith.constant 0 : i32
            %dma_wait3A_241 = arith.constant 0 : i32
            %dma_wait3A_242 = tpu.memref_slice %arg12[%dma_wait3A_240, %dma_wait3A_241] : memref<16x64xf32, #tpu.memory_space<vmem>> -> memref<1x64xf32, #tpu.memory_space<vmem>>
            tpu.wait_dma2 semaphore(%run_scoped3A : memref<!tpu.dma_semaphore, #tpu.memory_space<semaphore_mem>>) src(%dma_wait3A_242 : memref<1x64xf32, #tpu.memory_space<vmem>>) dst(%dma_wait3A_239 : memref<1x64xf32, #tpu.memory_space<hbm>>)
            tpu.yield
          }) : () -> ()
        } else {
        }
      }
      %while3A_159 = arith.constant 1 : i32
      scf.for %while3A_160 = %while3A_157 to %while3A_153 step %while3A_159  : i32 {
        %get3A_161 = arith.index_cast %while3A_160 : i32 to index
        %get3A_162 = tpu.vector_load %arg7[%get3A_161] {strides = array<i32>} : memref<16400xi32, #tpu.memory_space<vmem>>, vector<16xi32>,
        %slice3A_163 = vector.extract_strided_slice %get3A_162 {offsets = [0], sizes = [1], strides = [1]} : vector<16xi32> to vector<1xi32>
        %squeeze3A_164 = vector.extract %slice3A_163[0] : i32 from vector<1xi32>
        %get3A_165 = arith.index_cast %squeeze3A_164 : i32 to index
        %get3A_166 = tpu.vector_load %arg6[%get3A_165] {strides = array<i32>} : memref<16400xi32, #tpu.memory_space<vmem>>, vector<16xi32>,
        %slice3A_167 = vector.extract_strided_slice %get3A_166 {offsets = [0], sizes = [1], strides = [1]} : vector<16xi32> to vector<1xi32>
        %squeeze3A_168 = vector.extract %slice3A_167[0] : i32 from vector<1xi32>
        %sub3A = arith.subi %squeeze3A_168, %mul3A_2 : i32
        %shift_right_arithmetic3A = arith.constant 8 : i32
        %shift_right_arithmetic3A_169 = arith.shrsi %sub3A, %shift_right_arithmetic3A : i32
        %get3A_170 = arith.index_cast %shift_right_arithmetic3A_169 : i32 to index
        %get3A_171 = tpu.vector_load %arg11[%get3A_170] {strides = array<i32>} : memref<141xi32, #tpu.memory_space<vmem>>, vector<16xi32>,
        %slice3A_172 = vector.extract_strided_slice %get3A_171 {offsets = [0], sizes = [1], strides = [1]} : vector<16xi32> to vector<1xi32>
        %squeeze3A_173 = vector.extract %slice3A_172[0] : i32 from vector<1xi32>
        %broadcast_in_dim3A_174 = vector.broadcast %shift_right_arithmetic3A_169 : i32 to vector<16xi32>
        %add3A_175 = arith.constant 1 : i32
        %add3A_176 = arith.addi %squeeze3A_173, %add3A_175 : i32
        %broadcast_in_dim3A_177 = vector.broadcast %add3A_176 : i32 to vector<16xi32>
        tpu.vector_store_idx %arg11[%broadcast_in_dim3A_174], %broadcast_in_dim3A_177 masked %eq3A_11 : memref<141xi32, #tpu.memory_space<vmem>>[vector<16xi32>], vector<16xi32>, vector<16xi1>
        %ge3A = arith.constant 32 : i32
        %ge3A_178 = arith.cmpi sge, %squeeze3A_173, %ge3A : i32
        %convert_element_type3A_179 = arith.extui %ge3A_178 : i1 to i32
        %cond3A_180 = arith.constant 0 : i32
        %cond3A_181 = arith.cmpi ne, %convert_element_type3A_179, %cond3A_180 : i32
        scf.if %cond3A_181 {
          %shift_right_arithmetic3A_182 = arith.constant 7 : i32
          %shift_right_arithmetic3A_183 = arith.shrsi %squeeze3A_168, %shift_right_arithmetic3A_182 : i32
          %min3A_184 = arith.constant 7811 : i32
          %min3A_185 = arith.minsi %shift_right_arithmetic3A_183, %min3A_184 : i32
          %mul3A_186 = arith.constant 128 : i32
          %mul3A_187 = arith.muli %min3A_185, %mul3A_186 : i32
          %multiple_of3A_188 = tpu.assume_multiple %mul3A_187, 128 : i32
          "tpu.region"() ({
            %run_scoped3A = tpu.sem_alloc : memref<!tpu.dma_semaphore, #tpu.memory_space<semaphore_mem>>
            %dma_start3A_224 = arith.constant 0 : i32
            %dma_start3A_225 = arith.constant 0 : i32
            %dma_start3A_226 = tpu.memref_slice %arg8[%dma_start3A_224, %dma_start3A_225] : memref<64x1344xf32, #tpu.memory_space<vmem>> -> memref<64x128xf32, #tpu.memory_space<vmem>>
            %dma_start3A_227 = arith.constant 0 : i32
            %dma_start3A_228 = tpu.memref_slice %arg3[%dma_start3A_227, %multiple_of3A_188] : memref<64x1000000xf32, #tpu.memory_space<hbm>> -> memref<64x128xf32, #tpu.memory_space<hbm>>
            %dma_start3A_229 = arith.constant 0 : i32
            %dma_start3A_230 = arith.constant 0 : i32
            %dma_start3A_231 = tpu.memref_slice %arg8[%dma_start3A_229, %dma_start3A_230] : memref<64x1344xf32, #tpu.memory_space<vmem>> -> memref<64x128xf32, #tpu.memory_space<vmem>>
            %dma_start3A_232 = arith.constant 0 : i32
            %dma_start3A_233 = tpu.memref_slice %arg3[%dma_start3A_232, %multiple_of3A_188] : memref<64x1000000xf32, #tpu.memory_space<hbm>> -> memref<64x128xf32, #tpu.memory_space<hbm>>
            tpu.enqueue_dma source(%dma_start3A_233 : memref<64x128xf32, #tpu.memory_space<hbm>>) target(%dma_start3A_231 : memref<64x128xf32, #tpu.memory_space<vmem>>) target_semaphore(%run_scoped3A : memref<!tpu.dma_semaphore, #tpu.memory_space<semaphore_mem>>)
            %dma_wait3A = arith.constant 0 : i32
            %dma_wait3A_234 = arith.constant 0 : i32
            %dma_wait3A_235 = tpu.memref_slice %arg8[%dma_wait3A, %dma_wait3A_234] : memref<64x1344xf32, #tpu.memory_space<vmem>> -> memref<64x128xf32, #tpu.memory_space<vmem>>
            %dma_wait3A_236 = arith.constant 0 : i32
            %dma_wait3A_237 = tpu.memref_slice %arg3[%dma_wait3A_236, %multiple_of3A_188] : memref<64x1000000xf32, #tpu.memory_space<hbm>> -> memref<64x128xf32, #tpu.memory_space<hbm>>
            %dma_wait3A_238 = arith.constant 0 : i32
            %dma_wait3A_239 = arith.constant 0 : i32
            %dma_wait3A_240 = tpu.memref_slice %arg8[%dma_wait3A_238, %dma_wait3A_239] : memref<64x1344xf32, #tpu.memory_space<vmem>> -> memref<64x128xf32, #tpu.memory_space<vmem>>
            %dma_wait3A_241 = arith.constant 0 : i32
            %dma_wait3A_242 = tpu.memref_slice %arg3[%dma_wait3A_241, %multiple_of3A_188] : memref<64x1000000xf32, #tpu.memory_space<hbm>> -> memref<64x128xf32, #tpu.memory_space<hbm>>
            tpu.wait_dma2 semaphore(%run_scoped3A : memref<!tpu.dma_semaphore, #tpu.memory_space<semaphore_mem>>) src(%dma_wait3A_242 : memref<64x128xf32, #tpu.memory_space<hbm>>) dst(%dma_wait3A_240 : memref<64x128xf32, #tpu.memory_space<vmem>>)
            tpu.yield
          }) : () -> ()
          %ge3A_189 = arith.constant 999936 : i32
          %ge3A_190 = arith.cmpi sge, %squeeze3A_168, %ge3A_189 : i32
          %sub3A_191 = arith.constant 999936 : i32
          %sub3A_192 = arith.subi %squeeze3A_168, %sub3A_191 : i32
          %add3A_193 = arith.constant 1280 : i32
          %add3A_194 = arith.addi %add3A_193, %sub3A_192 : i32
          %and3A = arith.constant 127 : i32
          %and3A_195 = arith.andi %squeeze3A_168, %and3A : i32
          %select_n3A_196 = arith.select %ge3A_190, %add3A_194, %and3A_195 : i32
          %add3A_197 = arith.constant 0 : i32
          %add3A_198 = vector.broadcast %add3A_197 : i32 to vector<16xi32>
          %add3A_199 = arith.addi %iota3A, %add3A_198 : vector<16xi32>
          %broadcast_in_dim3A_200 = vector.broadcast %select_n3A_196 : i32 to vector<16xi32>
          %gather3A = tpu.vector_load_idx %arg8[%add3A_199, %broadcast_in_dim3A_200] : memref<64x1344xf32, #tpu.memory_space<vmem>>[vector<16xi32>, vector<16xi32>], vector<16xf32>,
          %broadcast_in_dim3A_201 = arith.constant 0 : i32
          %broadcast_in_dim3A_202 = vector.broadcast %broadcast_in_dim3A_201 : i32 to vector<16xi32>
          tpu.vector_store_idx %arg12[%broadcast_in_dim3A_202, %add3A_199], %gather3A : memref<16x64xf32, #tpu.memory_space<vmem>>[vector<16xi32>, vector<16xi32>], vector<16xf32>,
          %add3A_203 = arith.constant 16 : i32
          %add3A_204 = vector.broadcast %add3A_203 : i32 to vector<16xi32>
          %add3A_205 = arith.addi %iota3A, %add3A_204 : vector<16xi32>
          %broadcast_in_dim3A_206 = vector.broadcast %select_n3A_196 : i32 to vector<16xi32>
          %gather3A_207 = tpu.vector_load_idx %arg8[%add3A_205, %broadcast_in_dim3A_206] : memref<64x1344xf32, #tpu.memory_space<vmem>>[vector<16xi32>, vector<16xi32>], vector<16xf32>,
          %broadcast_in_dim3A_208 = arith.constant 0 : i32
          %broadcast_in_dim3A_209 = vector.broadcast %broadcast_in_dim3A_208 : i32 to vector<16xi32>
          tpu.vector_store_idx %arg12[%broadcast_in_dim3A_209, %add3A_205], %gather3A_207 : memref<16x64xf32, #tpu.memory_space<vmem>>[vector<16xi32>, vector<16xi32>], vector<16xf32>,
          %add3A_210 = arith.constant 32 : i32
          %add3A_211 = vector.broadcast %add3A_210 : i32 to vector<16xi32>
          %add3A_212 = arith.addi %iota3A, %add3A_211 : vector<16xi32>
          %broadcast_in_dim3A_213 = vector.broadcast %select_n3A_196 : i32 to vector<16xi32>
          %gather3A_214 = tpu.vector_load_idx %arg8[%add3A_212, %broadcast_in_dim3A_213] : memref<64x1344xf32, #tpu.memory_space<vmem>>[vector<16xi32>, vector<16xi32>], vector<16xf32>,
          %broadcast_in_dim3A_215 = arith.constant 0 : i32
          %broadcast_in_dim3A_216 = vector.broadcast %broadcast_in_dim3A_215 : i32 to vector<16xi32>
          tpu.vector_store_idx %arg12[%broadcast_in_dim3A_216, %add3A_212], %gather3A_214 : memref<16x64xf32, #tpu.memory_space<vmem>>[vector<16xi32>, vector<16xi32>], vector<16xf32>,
          %add3A_217 = arith.constant 48 : i32
          %add3A_218 = vector.broadcast %add3A_217 : i32 to vector<16xi32>
          %add3A_219 = arith.addi %iota3A, %add3A_218 : vector<16xi32>
          %broadcast_in_dim3A_220 = vector.broadcast %select_n3A_196 : i32 to vector<16xi32>
          %gather3A_221 = tpu.vector_load_idx %arg8[%add3A_219, %broadcast_in_dim3A_220] : memref<64x1344xf32, #tpu.memory_space<vmem>>[vector<16xi32>, vector<16xi32>], vector<16xf32>,
          %broadcast_in_dim3A_222 = arith.constant 0 : i32
          %broadcast_in_dim3A_223 = vector.broadcast %broadcast_in_dim3A_222 : i32 to vector<16xi32>
          tpu.vector_store_idx %arg12[%broadcast_in_dim3A_223, %add3A_219], %gather3A_221 : memref<16x64xf32, #tpu.memory_space<vmem>>[vector<16xi32>, vector<16xi32>], vector<16xf32>,
          "tpu.region"() ({
            %run_scoped3A = tpu.sem_alloc : memref<!tpu.dma_semaphore, #tpu.memory_space<semaphore_mem>>
            %dma_start3A_224 = arith.constant 0 : i32
            %dma_start3A_225 = arith.constant 0 : i32
            %dma_start3A_226 = tpu.memref_slice %arg12[%dma_start3A_224, %dma_start3A_225] : memref<16x64xf32, #tpu.memory_space<vmem>> -> memref<1x64xf32, #tpu.memory_space<vmem>>
            %dma_start3A_227 = arith.constant 0 : i32
            %dma_start3A_228 = tpu.memref_slice %arg5[%squeeze3A_164, %dma_start3A_227] : memref<16384x64xf32, #tpu.memory_space<hbm>> -> memref<1x64xf32, #tpu.memory_space<hbm>>
            %dma_start3A_229 = arith.constant 0 : i32
            %dma_start3A_230 = tpu.memref_slice %arg5[%squeeze3A_164, %dma_start3A_229] : memref<16384x64xf32, #tpu.memory_space<hbm>> -> memref<1x64xf32, #tpu.memory_space<hbm>>
            %dma_start3A_231 = arith.constant 0 : i32
            %dma_start3A_232 = arith.constant 0 : i32
            %dma_start3A_233 = tpu.memref_slice %arg12[%dma_start3A_231, %dma_start3A_232] : memref<16x64xf32, #tpu.memory_space<vmem>> -> memref<1x64xf32, #tpu.memory_space<vmem>>
            tpu.enqueue_dma source(%dma_start3A_233 : memref<1x64xf32, #tpu.memory_space<vmem>>) target(%dma_start3A_230 : memref<1x64xf32, #tpu.memory_space<hbm>>) target_semaphore(%run_scoped3A : memref<!tpu.dma_semaphore, #tpu.memory_space<semaphore_mem>>)
            %dma_wait3A = arith.constant 0 : i32
            %dma_wait3A_234 = arith.constant 0 : i32
            %dma_wait3A_235 = tpu.memref_slice %arg12[%dma_wait3A, %dma_wait3A_234] : memref<16x64xf32, #tpu.memory_space<vmem>> -> memref<1x64xf32, #tpu.memory_space<vmem>>
            %dma_wait3A_236 = arith.constant 0 : i32
            %dma_wait3A_237 = tpu.memref_slice %arg5[%squeeze3A_164, %dma_wait3A_236] : memref<16384x64xf32, #tpu.memory_space<hbm>> -> memref<1x64xf32, #tpu.memory_space<hbm>>
            %dma_wait3A_238 = arith.constant 0 : i32
            %dma_wait3A_239 = tpu.memref_slice %arg5[%squeeze3A_164, %dma_wait3A_238] : memref<16384x64xf32, #tpu.memory_space<hbm>> -> memref<1x64xf32, #tpu.memory_space<hbm>>
            %dma_wait3A_240 = arith.constant 0 : i32
            %dma_wait3A_241 = arith.constant 0 : i32
            %dma_wait3A_242 = tpu.memref_slice %arg12[%dma_wait3A_240, %dma_wait3A_241] : memref<16x64xf32, #tpu.memory_space<vmem>> -> memref<1x64xf32, #tpu.memory_space<vmem>>
            tpu.wait_dma2 semaphore(%run_scoped3A : memref<!tpu.dma_semaphore, #tpu.memory_space<semaphore_mem>>) src(%dma_wait3A_242 : memref<1x64xf32, #tpu.memory_space<vmem>>) dst(%dma_wait3A_239 : memref<1x64xf32, #tpu.memory_space<hbm>>)
            tpu.yield
          }) : () -> ()
        } else {
        }
      }
    } else {
    }
    return
  }
}

</mosaic_0001>

<sc_bundles>
// kernel: kernel.3.cloned.1.call-start
scs
__scs_entry_jumppad:
0x0: {  	(pc) =	sbr.rel $0x88, $3  }
0x1: {  	(tag) =	ssettag $0x0;
	lr =	simm.s32 $0x1  }
0x2: {  	[smem:$0x3F9F] =	sst lr;
	_ =	strace $0xD0000000  }
0x3: {  	_ = 	snop  }
0x4: {  	_ = 	snop  }
0x5: {  	_ = 	snop  }
0x6: {  	_ = 	snop  }
0x7: {  	_ = 	snop  }
__scs_overlays_trampoline_lowered:
0x8: {  	[smem:$0x3FAE] =	sst s0  }
0x9: {  	[smem:$0x3FAF] =	sst s1  }
0xa: {  	[smem:$0x3FB0] =	sst s2  }
0xb: {  	[smem:$0x3FB1] =	sst s3  }
0xc: {  	[smem:$0x3FB2] =	sst s4  }
0xd: {  	[smem:$0x3FB3] =	sst s5  }
0xe: {  	[smem:$0x3FB4] =	sst s6  }
0xf: {  	[smem:$0x3FB5] =	sst s7  }
0x10: {  	[smem:$0x3FB6] =	sst s8  }
0x11: {  	[smem:$0x3FB7] =	sst s9;
	s0 =	simm.s32 @!p0 $0x0  }
0x12: {  	s1 =	sld [smem:$0x3F9D];
	s0 =	simm.s32 @p0 $0x1  }
0x13: {  	[smem:$0x3FB8] =	sst s0;
	s0 =	simm.s32 @!p1 $0x0  }
0x14: {  	s2 =	sld [smem:$0x3F9C];
	s0 =	simm.s32 @p1 $0x1  }
0x15: {  	[smem:$0x3FB9] =	sst s0;
	s0 =	simm.s32 @!p2 $0x0  }
0x16: {  	s3 =	sld [smem:$0x3FDB];
	s0 =	simm.s32 @p2 $0x1  }
0x17: {  	s4 =	simm.s32 $0x1BF5;
	[smem:$0x3FBB] =	sst s0  }
0x18: {  	s0 =	sld [smem:$0x3F9E];
	_ =	swait.ge [sflag:s4], $0x0  }
0x19: {  	s7 =	sld [smem:$0x3F9F]  }
0x1a: {  	s8 =	sadd.s32 $0xFFFFE003, lr  }
0x1b: {  	s9 =	sadd.s32 $0xFFFFFEF7, lr;
	s5 =	simm.s32 $0xFFFFFFFF;
	p2 =	slt.u32 s8, $0xFFFFF086  }
0x1c: {  	p1 =	slt.u32 s9, $0xF7A;
	s5 =	simm.s32 @!p2 $0x0  }
0x1d: {  	s5 =	simm.s32 @p1 $0x1;
	p0 =	seq.s32 s7, s2  }
0x1e: {  	s7 =	smul.u32 @!p0 $0xF7A, s2;
	p2 =	seq.s32 @!p0 s5, $0x0  }
0x1f: {  	s9 =	smul.u32 $0xF7A, s1;
	s8 =	simm.s32 @!p0 $0x1BF5;
	p2 =	por !p2, p0  }
0x20: {  	[sflag:s8] =	ssyncset.s32 @!p0 $0xFFFFF086;
	s6 =	sadd.s32 @!p0 s3, s7;
	s7 =	simm.s32 @!p0 $0x108  }
0x21: {  	s3 =	sadd.s32 s3, s9;
	s6 =	sadd.s32 @!p0 $0x88, s6;
	s7 =	simm.s32 @p2 $0x1082  }
0x22: {  	[simem:s7], [sflag:s8] =	dma.local @!p0 [hbm:s6], $0xF7A  }
0x23: {  	s9 =	sor.u32 $0xD0000000, s2;
	s6 =	simm.s32 $0x108;
	_ =	swait.ge @!p0 [sflag:s8], $0x0  }
0x24: {  	s3 =	sadd.s32 $0x88, s3;
	s6 =	simm.s32 @!p1 $0x1082;
	[sflag:s4] =	ssyncset.s32 $0xFFFFF086  }
0x25: {  	[simem:s6], [sflag:s4] =	dma.local [hbm:s3], $0xF7A  }
0x26: {  	[smem:$0x3F9F] =	sst s1;
	(tag) =	ssettag s2;
	_ =	strace s9  }
0x27: {  	s1 =	sld [smem:$0x3FAF]  }
0x28: {  	s2 =	sld [smem:$0x3FB0]  }
0x29: {  	s4 =	sld [smem:$0x3FB2]  }
0x2a: {  	p0 =	seq.s32 s5, $0x0;
	s5 =	sld [smem:$0x3FB3]  }
0x2b: {  	s6 =	sld [smem:$0x3FB4]  }
0x2c: {  	s7 =	sld [smem:$0x3FB5]  }
0x2d: {  	s3 =	simm.s32 $0x108;
	s8 =	sld [smem:$0x3FB6]  }
0x2e: {  	s3 =	simm.s32 @!p0 $0x1082;
	s9 =	sld [smem:$0x3FB7]  }
0x2f: {  	lr =	sadd.s32 s0, s3;
	s0 =	sld [smem:$0x3FAE]  }
0x30: {  	s3 =	sld [smem:$0x3FB1]  }
0x31: {  	[smem:$0x3FBA] =	sst s10  }
0x32: {  	s10 =	sld [smem:$0x3FB8];
	_ =	sdelay $0x3  }
0x33: {  	p0 =	seq.s32 s10, $0x1;
	s10 =	sld [smem:$0x3FBA];
	_ =	sdelay $0x3  }
0x34: {  	[smem:$0x3FBA] =	sst s10  }
0x35: {  	s10 =	sld [smem:$0x3FB9];
	_ =	sdelay $0x3  }
0x36: {  	p1 =	seq.s32 s10, $0x1;
	s10 =	sld [smem:$0x3FBA];
	_ =	sdelay $0x3  }
0x37: {  	[smem:$0x3FBA] =	sst s10  }
0x38: {  	s10 =	sld [smem:$0x3FBB]  }
0x39: {  	_ = 	snop;
	(pc) =	sbr.ind lr, $3  }
0x3a: {  	_ = 	snop  }
0x3b: {  	_ = 	snop  }
0x3c: {  	p2 =	seq.s32 s10, $0x1;
	s10 =	sld [smem:$0x3FBA]  }
0x3d: {  	_ =	shalt  }
0x3e: {  	_ =	shalt  }
0x3f: {  	_ =	shalt  }
0x40: {  	_ =	shalt  }
0x41: {  	_ =	shalt  }
0x42: {  	_ =	shalt  }
0x43: {  	_ =	shalt  }
0x44: {  	_ =	shalt  }
0x45: {  	_ =	shalt  }
0x46: {  	_ =	shalt  }
0x47: {  	_ =	shalt  }
0x48: {  	_ =	shalt  }
0x49: {  	_ =	shalt  }
0x4a: {  	_ =	shalt  }
0x4b: {  	_ =	shalt  }
0x4c: {  	_ =	shalt  }
0x4d: {  	_ =	shalt  }
0x4e: {  	_ =	shalt  }
0x4f: {  	_ =	shalt  }
0x50: {  	_ =	shalt  }
0x51: {  	_ =	shalt  }
0x52: {  	_ =	shalt  }
0x53: {  	_ =	shalt  }
0x54: {  	_ =	shalt  }
0x55: {  	_ =	shalt  }
0x56: {  	_ =	shalt  }
0x57: {  	_ =	shalt  }
0x58: {  	_ =	shalt  }
0x59: {  	_ =	shalt  }
0x5a: {  	_ =	shalt  }
0x5b: {  	_ =	shalt  }
0x5c: {  	_ =	shalt  }
0x5d: {  	_ =	shalt  }
0x5e: {  	_ =	shalt  }
0x5f: {  	_ =	shalt  }
0x60: {  	_ =	shalt  }
0x61: {  	_ =	shalt  }
0x62: {  	_ =	shalt  }
0x63: {  	_ =	shalt  }
0x64: {  	_ =	shalt  }
0x65: {  	_ =	shalt  }
0x66: {  	_ =	shalt  }
0x67: {  	_ =	shalt  }
0x68: {  	_ =	shalt  }
0x69: {  	_ =	shalt  }
0x6a: {  	_ =	shalt  }
0x6b: {  	_ =	shalt  }
0x6c: {  	_ =	shalt  }
0x6d: {  	_ =	shalt  }
0x6e: {  	_ =	shalt  }
0x6f: {  	_ =	shalt  }
0x70: {  	_ =	shalt  }
0x71: {  	_ =	shalt  }
0x72: {  	_ =	shalt  }
0x73: {  	_ =	shalt  }
0x74: {  	_ =	shalt  }
0x75: {  	_ =	shalt  }
0x76: {  	_ =	shalt  }
0x77: {  	_ =	shalt  }
0x78: {  	_ =	shalt  }
0x79: {  	_ =	shalt  }
0x7a: {  	_ =	shalt  }
0x7b: {  	_ =	shalt  }
0x7c: {  	_ =	shalt  }
0x7d: {  	_ =	shalt  }
0x7e: {  	_ =	shalt  }
0x7f: {  	_ =	shalt  }
0x80: {  	_ =	shalt  }
0x81: {  	_ =	shalt  }
0x82: {  	_ =	shalt  }
0x83: {  	_ =	shalt  }
0x84: {  	_ =	shalt  }
0x85: {  	_ =	shalt  }
0x86: {  	_ =	shalt  }
0x87: {  	_ =	shalt  }
.Lfunc_end0:
.L_simem_size_0:
called_computation_lowered:
.L_overlay_start_0:
0x88: {  	s2 =	sld [smem:$0x3FD9]  }
0x89: {  	s3 =	sld [smem:$0x3FFE];
	_ =	sdelay $0x1  }
0x8a: {  	s1 =	srdreg.scid  }
0x8b: {  	s0 =	sand.u32 $0x1, s1  }
0x8c: {  	s17 =	sshll.u32 s0, $0xA;
	s2 =	sadd.s32 s3, s2  }
0x8d: {  	s2 =	sadd.s32 s2, s17  }
0x8e: {  	[smem:$0x3FC6] =	sst s2  }
0x8f: {  	_ = 	snop  }
0x90: {  	s2 =	sld [smem:$0x3FC9]  }
0x91: {  	s18 =	sld [smem:$0x3FC8]  }
0x92: {  	s4 =	sld [smem:$0x3FD0];
	(tm) =	ssettm $0x1  }
0x93: {  	s5 =	sld [smem:$0x3FFB];
	_ =	sdelay $0x3  }
0x94: {  	_ =	strace s5  }
0x95: {  	s5 =	sld [smem:$0x3FFC];
	_ =	sdelay $0x3  }
0x96: {  	_ =	strace s5  }
0x97: {  	s5 =	sld [smem:$0x3FFD];
	_ =	sdelay $0x3  }
0x98: {  	_ =	strace s5  }
0x99: {  	_ =	strace $0x8FFFFFFF  }
0x9a: {  	s19 =	sld [smem:$0x3FDB];
	_ =	sdelay $0x1  }
0x9b: {  	s6 =	simm.s32 $_scs_section_size  }
0x9c: {  	s7 =	simm.s32 $_size__tile_overlayer_lowered;
	s8 =	simm.s32 $_tile_overlayer_lowered  }
0x9d: {  	s22 =	simm.s32 $0x1BFF;
	s21 =	sshll.u32 s8, $0x1;
	s5 =	sadd.s32 s6, s19  }
0x9e: {  	s9 =	simm.s32 $0x0;
	s20 =	sshll.u32 s7, $0x1;
	s7 =	sadd.s32 s21, s5  }
0x9f: {  	[timem:s9], [sflag:s22] =	dma.local [hbm:s7], s20  }
0xa0: {  	_ =	swait.ge [sflag:s22], s20  }
0xa1: {  	s6 =	ssub.s32 $0x0, s20;
	[sflag:s22] =	ssyncset.done $0x0  }
0xa2: {  	[sflag:s22] =	ssyncadd.s32 s6;
	_ =	sdelay $0x1  }
0xa3: {  	s23 =	simm.s32 $0x1B8B  }
0xa4: {  	_ =	swait.ge [sflag:s23], $0x1  }
0xa5: {  	[sflag:s23] =	ssyncset.done $0x0  }
0xa6: {  	s25 =	simm.s32 $0x1B8E;
	s24 =	sld [smem:$0x3FFE];
	[sflag:s23] =	ssyncadd.s32 $0xFFFFFFFF  }
0xa7: {  	s26 =	simm.s32 $execute0_lowered;
	[smem:$0x3FD2] =	sst s25  }
0xa8: {  	s7 =	sshll.u32 s26, $0x1;
	_ =	strace $0x80000046;
	[dreg:$0x1] =	wrdreg $0xFFFFFFFF  }
0xa9: {  	s28 =	simm.s32 $_size_execute0_lowered;
	s5 =	sadd.s32 s5, s7;
	[dreg:$0x0] =	wrdreg $0x0  }
0xaa: {  	s7 =	sshll.u32 s28, $0x1;
	[dreg:$0x2] =	wrdreg s5  }
0xab: {  	[dreg:$0x3] =	wrdreg s7  }
0xac: {  	[dreg:$0x4] =	wrdreg $0xC0  }
0xad: {  	_ =	task [dreg:s9], $0x5FFFF  }
0xae: {  	[dreg:$0x1] =	wrdreg $0xFFFFFFFF  }
0xaf: {  	[dreg:$0x0] =	wrdreg $0x60  }
0xb0: {  	[dreg:$0x2] =	wrdreg s2  }
0xb1: {  	[dreg:$0x3] =	wrdreg s18  }
0xb2: {  	[dreg:$0x4] =	wrdreg s4  }
0xb3: {  	[dreg:$0x5] =	wrdreg s24  }
0xb4: {  	[dreg:$0x6] =	wrdreg $0x9  }
0xb5: {  	_ =	task.clear_ibuf [dreg:s9], $0x7FFFF;
	_ =	strace $0x90000046  }
0xb6: {  	s29 =	simm.s32 $0x9;
	_ =	strace $0x80000048  }
0xb7: {  	_ =	swait.ge [sflag:s29], $0x1  }
0xb8: {  	[sflag:s29] =	ssyncadd.s32 $0xFFFFFFFF  }
0xb9: {  	_ =	strace $0x90000048  }
0xba: {  	_ =	sfence  }
0xbb: {  	s30 =	sld [smem:$0x0];
	_ =	sdelay $0x2  }
0xbc: {  	s31 =	sshll.u32 s1, $0xD;
	s1 =	sshrl.u32 s1, $0x2  }
0xbd: {  	s3 =	sand.u32 $0x4000, s31;
	s1 =	sadd.s32 s1, s30  }
0xbe: {  	s0 =	sor.u32 s3, s0;
	s1 =	sshll.u32 s1, $0x11  }
0xbf: {  	s0 =	sor.u32 s1, s0  }
0xc0: {  	s0 =	sadd.s32 $0x8F2B, s0  }
0xc1: {  	[sflag:s0] =	ssyncadd.remote.s32 $0x1  }
0xc2: {  	_ =	sfence.sel $0xFFFF  }
0xc3: {  	[dreg:$0x0] =	wrdreg $0xFFFFFFFF;
	(pc) =	sbr.abs _section_cstart, $3  }
0xc4: {  	[dreg:$0x1] =	wrdreg $0xFFFFFFFF  }
0xc5: {  	_ =	task.clear_ibuf [dreg:s9], $0x2FFFF;
	_ =	strace $0x9FFFFFFF  }
0xc6: {  	(tm) =	ssettm $0x7FFFFFFF  }
0xc7: {  	_ =	shalt  }
tec
execute0_lowered:
.L_overlay_start_1:
0x0: {  	(tag) =	ssettag $0x1  }
0x1: {  	v0 =	vimm.s32 $0x2F80  }
0x2: {  	vm5 =	vcmask $0x300;
	vm3 =	vcmask $0x704;
	vm4 =	vcmask $0xB08  }
0x3: {  	vm2 =	vcmask $0xF0C;
	vm1 =	vcmask $0x1310;
	vm0 =	vcmask $0x1714  }
0x4: {  	v1 =	vimm.s32 $0x8780;
	v2 =	vimm.s32 $0xDF80;
	v3 =	vimm.s32 $0x13780  }
0x5: {  	v0 =	vsel vm5, $0x0, v0;
	v1 =	vsel vm5, $0x5800, v1;
	v2 =	vsel vm5, $0xB000, v2  }
0x6: {  	v3 =	vsel vm5, $0x10800, v3;
	v0 =	vsel vm3, $0x80, v0;
	v1 =	vsel vm3, $0x5880, v1  }
0x7: {  	s2 =	srdreg.scid;
	s3 =	stileid.u32;
	v2 =	vsel vm3, $0xB080, v2;
	v3 =	vsel vm3, $0x10880, v3;
	vm3 =	vcmask $0x1B18  }
0x8: {  	s2 =	sand.u32 $0x1, s2;
	s3 =	sshll.u32 s3, $0x1;
	v0 =	vsel vm4, $0x100, v0;
	v1 =	vsel vm4, $0x5900, v1;
	v2 =	vsel vm4, $0xB100, v2  }
0x9: {  	s3 =	sor.u32 s2, s3;
	v3 =	vsel vm4, $0x10900, v3;
	v0 =	vsel vm2, $0x180, v0;
	v1 =	vsel vm2, $0x5980, v1  }
0xa: {  	s0 =	rddreg [dreg:$0x3];
	s2 =	ssub.s32 $0x2, s2;
	s6 =	smul.u32 $0x7A00, s3;
	v2 =	vsel vm2, $0xB180, v2;
	v3 =	vsel vm2, $0x10980, v3;
	vm2 =	vcmask $0x1F1C  }
0xb: {  	s7 =	sadd.s32 $0x400, s0;
	s18 =	sshrl.u32 s2, $0x1;
	v0 =	vsel vm1, $0x200, v0;
	v1 =	vsel vm1, $0x5A00, v1;
	v2 =	vsel vm1, $0xB200, v2  }
0xc: {  	p0 =	seq.s32 s3, $0x1F;
	s0 =	ssub.s32 s2, s18;
	s2 =	sadd.s32 $0x7A00, s6;
	v3 =	vsel vm1, $0x10A00, v3;
	vm1 =	vcmask $0x2320;
	v0 =	vsel vm0, $0x280, v0  }
0xd: {  	s2 =	simm.s32 @p0 $0xF4240;
	v1 =	vsel vm0, $0x5A80, v1;
	v2 =	vsel vm0, $0xB280, v2;
	v3 =	vsel vm0, $0x10A80, v3  }
0xe: {  	vm0 =	vcmask $0x2724;
	v4 =	vsel vm3, $0x300, v0;
	v0 =	vmov s2  }
0xf: {  	s1 =	rddreg [dreg:$0x1];
	v1 =	vsel vm3, $0x5B00, v1;
	v2 =	vsel vm3, $0xB300, v2;
	v3 =	vsel vm3, $0x10B00, v3  }
0x10: {  	s4 =	rddreg [dreg:$0x2];
	v4 =	vsel vm2, $0x380, v4;
	v1 =	vsel vm2, $0x5B80, v1;
	v2 =	vsel vm2, $0xB380, v2  }
0x11: {  	s5 =	simm.s32 $0x0;
	s9 =	simm.s32 $0x7C;
	s28 =	simm.s32 $0x1B500;
	v3 =	vsel vm2, $0x10B80, v3;
	vm2 =	vcmask $0x2B28;
	v4 =	vsel vm1, $0x2C00, v4  }
0x12: {  	s29 =	simm.s32 $0x1F100;
	[smem:$0x7FF] =	sst s5;
	s20 =	sadd.s32 $0x80, s4;
	v1 =	vsel vm1, $0x8400, v1;
	v2 =	vsel vm1, $0xDC00, v2;
	v3 =	vsel vm1, $0x13400, v3  }
0x13: {  	s21 =	sadd.s32 $0x100, s4;
	_ =	strace $0x80000047;
	[dreg:$0x6] =	wrdreg s20;
	vm1 =	vcmask $0x3330;
	v4 =	vsel vm0, $0x2C80, v4;
	v5 =	vsel vm0, $0x8480, v1  }
0x14: {  	s30 =	simm.s32 $0x1E100;
	s22 =	sadd.s32 $0x180, s4;
	[dreg:$0x7] =	wrdreg s21;
	v2 =	vsel vm0, $0xDC80, v2;
	v3 =	vsel vm0, $0x13480, v3;
	vm0 =	vcmask $0x2F2C  }
0x15: {  	s31 =	simm.s32 $0x1;
	s23 =	sadd.s32 $0x200, s4;
	[dreg:$0x8] =	wrdreg s22;
	v1 =	vmov s6;
	v4 =	vsel vm2, $0x2D00, v4;
	v5 =	vsel vm2, $0x8500, v5  }
0x16: {  	s14 =	simm.s32 $0x2;
	s24 =	sadd.s32 $0x280, s4;
	[dreg:$0x9] =	wrdreg s23;
	v6 =	vsel vm2, $0xDD00, v2;
	v3 =	vsel vm2, $0x13500, v3;
	v2 =	vimm.s32 $0x0  }
0x17: {  	s15 =	simm.s32 $0x1F200;
	s25 =	sadd.s32 $0x300, s4;
	[dreg:$0xa] =	wrdreg s24;
	v4 =	vsel vm0, $0x2D80, v4;
	v5 =	vsel vm0, $0x8580, v5;
	v6 =	vsel vm0, $0xDD80, v6  }
0x18: {  	s16 =	simm.s32 $0x4;
	s26 =	sadd.s32 $0x380, s4;
	[dreg:$0xb] =	wrdreg s25;
	v7 =	vsel vm0, $0x13580, v3;
	vm0 =	vcmask $0x3734;
	v3 =	vlaneseq.u32  }
0x19: {  	s17 =	simm.s32 $0x0;
	[dreg:$0xc] =	wrdreg s26;
	s8 =	smul.u32 $0x3D000, s3;
	v4 =	vsel vm1, $0x2E00, v4;
	v5 =	vsel vm1, $0x8600, v5;
	v6 =	vsel vm1, $0xDE00, v6  }
.Ltmp0:
0x1a: {  	s22 =	simm.s32 $0x3;
	s24 =	simm.s32 $0xAD00;
	v7 =	vsel vm1, $0x13600, v7;
	vm1 =	vcmask $0x3B38;
	v8 =	vor.u32 $0x10, v3;
	(pc) =	sbr.rel .LBB2_1-.Ltmp0, $4  }
0x1b: {  	s25 =	simm.s32 $0xD900;
	s9 =	simm.s32 @!p0 $0x7A;
	s19 =	sshrl.u32 s8, $0x3;
	v9 =	vor.u32 $0x20, v3;
	v10 =	vor.u32 $0x30, v3;
	v4 =	vsel vm0, $0x2E80, v4  }
0x1c: {  	s10 =	sadd.s32 s1, s6;
	s0 =	smax.u32 s0, $0x1;
	s3 =	sadd.s32 s1, s19;
	v5 =	vsel vm0, $0x8680, v5;
	v6 =	vsel vm0, $0xDE80, v6;
	v7 =	vsel vm0, $0x13680, v7  }
0x1d: {  	s11 =	sadd.s32 $0x100, s10;
	[dreg:$0x5] =	wrdreg s0;
	s12 =	sadd.s32 $0x200, s3;
	vm0 =	vmmov $0x1;
	v4 =	vsel vm1, $0x2F00, v4;
	v5 =	vsel vm1, $0x8700, v5  }
0x1e: {  	s13 =	sadd.s32 $0x300, s3;
	s2 =	simm.s32 $0x8100;
	s3 =	simm.s32 $0x1F300;
	v6 =	vsel vm1, $0xDF00, v6;
	v7 =	vsel vm1, $0x13700, v7;
	vm1 =	vmxor vm1, vm1  }
.LBB2_32:
0x1f: {  	s17 =	sadd.s32 $0x1, s17;
	s0 =	rddreg [dreg:$0x5]  }
0x20: {  	p0 =	sne.s32 s17, s0  }
.Ltmp1:
0x21: {  	_ = 	snop;
	(pc) =	sbr.rel @!p0 .LBB2_33-.Ltmp1, $1  }
0x22: {  	_ =	sdelay $0x3  }
.LBB2_1:
0x23: {  	s0 =	rddreg [dreg:$0x0]  }
0x24: {  	[tilespmem:s5], [sflag:$0x3] =	stream.linear.gather [hbm4b:s0+s5], $0x4000, $0x38;
	[tilespmem:$0x1FB00] =	vst v63  }
0x25: {  	_ =	swait.ge [sflag:s22], $0x4000  }
0x26: {  	[sflag:s22] =	ssyncset.done $0x0  }
0x27: {  	[sflag:s22] =	ssyncadd.s32 $0xFFFFC000  }
0x28: {  	s4 =	simm.s32 $0xA900;
	s21 =	rddreg [dreg:$0x2]  }
0x29: {  	[tilespmem:s4], [sflag:$0x3] =	stream.linear.gather [hbm4b:s21+s5], $0x400, $0x38;
	[tilespmem:$0x1FB00] =	vst v63  }
0x2a: {  	s26 =	simm.s32 $0xD500;
	s23 =	rddreg [dreg:$0x6]  }
0x2b: {  	[tilespmem:s26], [sflag:$0x3] =	stream.linear.gather [hbm4b:s23+s5], $0x400, $0x38;
	[tilespmem:$0x1FB00] =	vst v63  }
0x2c: {  	s19 =	simm.s32 $0x10100;
	s18 =	rddreg [dreg:$0x7]  }
0x2d: {  	[tilespmem:s19], [sflag:$0x3] =	stream.linear.gather [hbm4b:s18+s5], $0x400, $0x38;
	[tilespmem:$0x1FB00] =	vst v63  }
0x2e: {  	s20 =	rddreg [dreg:$0x8];
	s21 =	simm.s32 $0x12D00  }
0x2f: {  	[tilespmem:s21], [sflag:$0x3] =	stream.linear.gather [hbm4b:s20+s5], $0x400, $0x38;
	[tilespmem:$0x1FB00] =	vst v63  }
0x30: {  	s23 =	rddreg [dreg:$0x9];
	s26 =	simm.s32 $0x15900  }
0x31: {  	[tilespmem:s26], [sflag:$0x3] =	stream.linear.gather [hbm4b:s23+s5], $0x400, $0x38;
	[tilespmem:$0x1FB00] =	vst v63  }
0x32: {  	s18 =	rddreg [dreg:$0xa];
	s19 =	simm.s32 $0x18500  }
0x33: {  	[tilespmem:s19], [sflag:$0x3] =	stream.linear.gather [hbm4b:s18+s5], $0x400, $0x38;
	[tilespmem:$0x1FB00] =	vst v63  }
0x34: {  	s20 =	rddreg [dreg:$0xb];
	s21 =	simm.s32 $0x1B100  }
0x35: {  	[tilespmem:s21], [sflag:$0x3] =	stream.linear.gather [hbm4b:s20+s5], $0x400, $0x38;
	[tilespmem:$0x1FB00] =	vst v63  }
0x36: {  	s23 =	rddreg [dreg:$0xc];
	s26 =	simm.s32 $0x1DD00  }
0x37: {  	[tilespmem:s26], [sflag:$0x3] =	stream.linear.gather [hbm4b:s23+s5], $0x400, $0x38;
	[tilespmem:$0x1FB00] =	vst v63  }
0x38: {  	_ =	swait.ge [sflag:s22], $0x2000  }
0x39: {  	[sflag:s22] =	ssyncset.done $0x0  }
0x3a: {  	[sflag:s22] =	ssyncadd.s32 $0xFFFFE000  }
0x3b: {  	[tilespmem:s2], [sflag:$0x1] =	stream.linear.gather [hbm4b:s10+s5], $0x800, $0x38;
	[tilespmem:$0x1FB00] =	vst v63  }
0x3c: {  	s18 =	sadd.s32 $0xF4280, s10  }
0x3d: {  	[tilespmem:s24], [sflag:$0x1] =	stream.linear.gather [hbm4b:s18+s5], $0x800, $0x38;
	[tilespmem:$0x1FB00] =	vst v63  }
0x3e: {  	s19 =	sadd.s32 $0x1E8500, s10  }
0x3f: {  	[tilespmem:s25], [sflag:$0x1] =	stream.linear.gather [hbm4b:s19+s5], $0x800, $0x38;
	[tilespmem:$0x1FB00] =	vst v63  }
0x40: {  	s20 =	sadd.s32 $0x2DC780, s10;
	s21 =	simm.s32 $0x10500  }
0x41: {  	[tilespmem:s21], [sflag:$0x1] =	stream.linear.gather [hbm4b:s20+s5], $0x800, $0x38;
	[tilespmem:$0x1FB00] =	vst v63  }
0x42: {  	s23 =	sadd.s32 $0x3D0A00, s10;
	s24 =	simm.s32 $0x13100  }
0x43: {  	[tilespmem:s24], [sflag:$0x1] =	stream.linear.gather [hbm4b:s23+s5], $0x800, $0x38;
	[tilespmem:$0x1FB00] =	vst v63  }
0x44: {  	s26 =	simm.s32 $0x15D00;
	s25 =	sadd.s32 $0x4C4C80, s10  }
0x45: {  	[tilespmem:s26], [sflag:$0x1] =	stream.linear.gather [hbm4b:s25+s5], $0x800, $0x38;
	[tilespmem:$0x1FB00] =	vst v63  }
0x46: {  	s18 =	sadd.s32 $0x5B8F00, s10;
	s19 =	simm.s32 $0x18900  }
0x47: {  	[tilespmem:s19], [sflag:$0x1] =	stream.linear.gather [hbm4b:s18+s5], $0x800, $0x38;
	[tilespmem:$0x1FB00] =	vst v63  }
0x48: {  	s20 =	sadd.s32 $0x6AD180, s10  }
0x49: {  	[tilespmem:s28], [sflag:$0x1] =	stream.linear.gather [hbm4b:s20+s5], $0x800, $0x38;
	[tilespmem:$0x1FB00] =	vst v63  }
0x4a: {  	s21 =	simm.s32 $0x8900  }
0x4b: {  	[tilespmem:s21], [sflag:$0x1] =	stream.linear.gather [hbm4b:s11+s5], $0x800, $0x38;
	[tilespmem:$0x1FB00] =	vst v63  }
0x4c: {  	s23 =	sadd.s32 $0xF4280, s11;
	s24 =	simm.s32 $0xB500  }
0x4d: {  	[tilespmem:s24], [sflag:$0x1] =	stream.linear.gather [hbm4b:s23+s5], $0x800, $0x38;
	[tilespmem:$0x1FB00] =	vst v63  }
0x4e: {  	s25 =	sadd.s32 $0x1E8500, s11;
	s26 =	simm.s32 $0xE100  }
0x4f: {  	[tilespmem:s26], [sflag:$0x1] =	stream.linear.gather [hbm4b:s25+s5], $0x800, $0x38;
	[tilespmem:$0x1FB00] =	vst v63  }
0x50: {  	s18 =	sadd.s32 $0x2DC780, s11;
	s19 =	simm.s32 $0x10D00  }
0x51: {  	[tilespmem:s19], [sflag:$0x1] =	stream.linear.gather [hbm4b:s18+s5], $0x800, $0x38;
	[tilespmem:$0x1FB00] =	vst v63  }
0x52: {  	s20 =	sadd.s32 $0x3D0A00, s11;
	s21 =	simm.s32 $0x13900  }
0x53: {  	[tilespmem:s21], [sflag:$0x1] =	stream.linear.gather [hbm4b:s20+s5], $0x800, $0x38;
	[tilespmem:$0x1FB00] =	vst v63  }
0x54: {  	s23 =	sadd.s32 $0x4C4C80, s11;
	s24 =	simm.s32 $0x16500  }
0x55: {  	[tilespmem:s24], [sflag:$0x1] =	stream.linear.gather [hbm4b:s23+s5], $0x800, $0x38;
	[tilespmem:$0x1FB00] =	vst v63  }
0x56: {  	s25 =	sadd.s32 $0x5B8F00, s11;
	s26 =	simm.s32 $0x19100  }
0x57: {  	[tilespmem:s26], [sflag:$0x1] =	stream.linear.gather [hbm4b:s25+s5], $0x800, $0x38;
	[tilespmem:$0x1FB00] =	vst v63  }
0x58: {  	s4 =	sadd.s32 $0x6AD180, s11;
	s18 =	simm.s32 $0x1BD00  }
0x59: {  	[tilespmem:s18], [sflag:$0x1] =	stream.linear.gather [hbm4b:s4+s5], $0x800, $0x38;
	[tilespmem:$0x1FB00] =	vst v63  }
0x5a: {  	s19 =	simm.s32 $0x9100  }
0x5b: {  	[tilespmem:s19], [sflag:$0x1] =	stream.linear.gather [hbm4b:s12+s5], $0x800, $0x38;
	[tilespmem:$0x1FB00] =	vst v63  }
0x5c: {  	s20 =	sadd.s32 $0xF4280, s12;
	s21 =	simm.s32 $0xBD00  }
0x5d: {  	[tilespmem:s21], [sflag:$0x1] =	stream.linear.gather [hbm4b:s20+s5], $0x800, $0x38;
	[tilespmem:$0x1FB00] =	vst v63  }
0x5e: {  	s23 =	sadd.s32 $0x1E8500, s12;
	s24 =	simm.s32 $0xE900  }
0x5f: {  	[tilespmem:s24], [sflag:$0x1] =	stream.linear.gather [hbm4b:s23+s5], $0x800, $0x38;
	[tilespmem:$0x1FB00] =	vst v63  }
0x60: {  	s25 =	sadd.s32 $0x2DC780, s12;
	s26 =	simm.s32 $0x11500  }
0x61: {  	[tilespmem:s26], [sflag:$0x1] =	stream.linear.gather [hbm4b:s25+s5], $0x800, $0x38;
	[tilespmem:$0x1FB00] =	vst v63  }
0x62: {  	s18 =	sadd.s32 $0x3D0A00, s12;
	s19 =	simm.s32 $0x14100  }
0x63: {  	[tilespmem:s19], [sflag:$0x1] =	stream.linear.gather [hbm4b:s18+s5], $0x800, $0x38;
	[tilespmem:$0x1FB00] =	vst v63  }
0x64: {  	s20 =	sadd.s32 $0x4C4C80, s12;
	s21 =	simm.s32 $0x16D00  }
0x65: {  	[tilespmem:s21], [sflag:$0x1] =	stream.linear.gather [hbm4b:s20+s5], $0x800, $0x38;
	[tilespmem:$0x1FB00] =	vst v63  }
0x66: {  	s23 =	sadd.s32 $0x5B8F00, s12;
	s24 =	simm.s32 $0x19900  }
0x67: {  	[tilespmem:s24], [sflag:$0x1] =	stream.linear.gather [hbm4b:s23+s5], $0x800, $0x38;
	[tilespmem:$0x1FB00] =	vst v63  }
0x68: {  	s25 =	sadd.s32 $0x6AD180, s12;
	s26 =	simm.s32 $0x1C500  }
0x69: {  	[tilespmem:s26], [sflag:$0x1] =	stream.linear.gather [hbm4b:s25+s5], $0x800, $0x38;
	[tilespmem:$0x1FB00] =	vst v63  }
0x6a: {  	s4 =	simm.s32 $0x9900  }
0x6b: {  	[tilespmem:s4], [sflag:$0x1] =	stream.linear.gather [hbm4b:s13+s5], $0x800, $0x38;
	[tilespmem:$0x1FB00] =	vst v63  }
0x6c: {  	s18 =	sadd.s32 $0xF4280, s13;
	s19 =	simm.s32 $0xC500  }
0x6d: {  	[tilespmem:s19], [sflag:$0x1] =	stream.linear.gather [hbm4b:s18+s5], $0x800, $0x38;
	[tilespmem:$0x1FB00] =	vst v63  }
0x6e: {  	s20 =	sadd.s32 $0x1E8500, s13;
	s21 =	simm.s32 $0xF100  }
0x6f: {  	[tilespmem:s21], [sflag:$0x1] =	stream.linear.gather [hbm4b:s20+s5], $0x800, $0x38;
	[tilespmem:$0x1FB00] =	vst v63  }
0x70: {  	s23 =	sadd.s32 $0x2DC780, s13;
	s24 =	simm.s32 $0x11D00  }
0x71: {  	[tilespmem:s24], [sflag:$0x1] =	stream.linear.gather [hbm4b:s23+s5], $0x800, $0x38;
	[tilespmem:$0x1FB00] =	vst v63  }
0x72: {  	s25 =	sadd.s32 $0x3D0A00, s13;
	s26 =	simm.s32 $0x14900  }
0x73: {  	[tilespmem:s26], [sflag:$0x1] =	stream.linear.gather [hbm4b:s25+s5], $0x800, $0x38;
	[tilespmem:$0x1FB00] =	vst v63  }
0x74: {  	s4 =	sadd.s32 $0x4C4C80, s13;
	s18 =	simm.s32 $0x17500  }
0x75: {  	[tilespmem:s18], [sflag:$0x1] =	stream.linear.gather [hbm4b:s4+s5], $0x800, $0x38;
	[tilespmem:$0x1FB00] =	vst v63  }
0x76: {  	s19 =	sadd.s32 $0x5B8F00, s13;
	s20 =	simm.s32 $0x1A100  }
0x77: {  	[tilespmem:s20], [sflag:$0x1] =	stream.linear.gather [hbm4b:s19+s5], $0x800, $0x38;
	[tilespmem:$0x1FB00] =	vst v63  }
0x78: {  	s21 =	sadd.s32 $0x6AD180, s13;
	s23 =	simm.s32 $0x1CD00  }
0x79: {  	[tilespmem:s23], [sflag:$0x1] =	stream.linear.gather [hbm4b:s21+s5], $0x800, $0x38;
	[tilespmem:$0x1FB00] =	vst v63  }
0x7a: {  	[tilespmem:$0x1F100] =	vst v2  }
0x7b: {  	[tilespmem:$0x1F200] =	vst v2  }
0x7c: {  	[tilespmem:$0x1F110] =	vst v2  }
0x7d: {  	[tilespmem:$0x1F210] =	vst v2  }
0x7e: {  	[tilespmem:$0x1F120] =	vst v2  }
0x7f: {  	[tilespmem:$0x1F220] =	vst v2  }
0x80: {  	[tilespmem:$0x1F130] =	vst v2  }
0x81: {  	[tilespmem:$0x1F230] =	vst v2  }
0x82: {  	[tilespmem:$0x1F140] =	vst v2  }
0x83: {  	[tilespmem:$0x1F240] =	vst v2  }
0x84: {  	[tilespmem:$0x1F150] =	vst v2  }
0x85: {  	[tilespmem:$0x1F250] =	vst v2  }
0x86: {  	[tilespmem:$0x1F160] =	vst v2  }
0x87: {  	[tilespmem:$0x1F260] =	vst v2  }
0x88: {  	[tilespmem:$0x1F170] =	vst v2  }
0x89: {  	s18 =	simm.s32 $0x80;
	[tilespmem:$0x1F270] =	vst v2  }
0x8a: {  	v11 =	vld [tilespmem:s18+$0xFFFFFF80];
	_ =	sdelay $0x4  }
0x8b: {  	s24 =	simm.s32 $0x0;
	vm2 =	vge.s32 v11, v1;
	vm3 =	vlt.s32 v11, v0  }
0x8c: {  	v11 =	vor.u32 s24, v3;
	vm2 =	vmand vm2, vm3  }
0x8d: {  	[tilespmem:s5+$0x4080] =	vst.msk vm2, v11;
	v11 =	vmpcnt.ones.xlane vm2  }
0x8e: {  	v12 =	vld [tilespmem:s18+$0xFFFFFF90]  }
0x8f: {  	(v2sf) =	vpush v11, $0x0;
	_ =	sdelay $0x3  }
0x90: {  	vm2 =	vge.s32 v12, v1;
	vm3 =	vlt.s32 v12, v0  }
0x91: {  	vm2 =	vmand vm2, vm3  }
0x92: {  	v11 =	vmpcnt.ones.xlane vm2;
	_ =	sdelay $0x1  }
0x93: {  	(v2sf) =	vpush v11, $0x0;
	_ =	sdelay $0x6  }
0x94: {  	s25 =	simm.s32 $0x10;
	s19 =	spop (v2sf)  }
0x95: {  	v11 =	vor.u32 s25, v3;
	s19 =	sadd.s32 $0x0, s19  }
0x96: {  	[tilespmem:s19+$0x4080] =	vst.msk vm2, v11  }
0x97: {  	v11 =	vld [tilespmem:s18+$0xFFFFFFA0];
	_ =	sdelay $0x4  }
0x98: {  	s26 =	simm.s32 $0x20;
	vm2 =	vge.s32 v11, v1;
	vm3 =	vlt.s32 v11, v0;
	s20 =	spop (v2sf)  }
0x99: {  	v11 =	vor.u32 s26, v3;
	s19 =	sadd.s32 s19, s20;
	vm2 =	vmand vm2, vm3  }
0x9a: {  	[tilespmem:s19+$0x4080] =	vst.msk vm2, v11;
	v11 =	vmpcnt.ones.xlane vm2  }
0x9b: {  	v57 =	vld [tilespmem:s18+$0xFFFFFFB0]  }
0x9c: {  	(v2sf) =	vpush v11, $0x0;
	_ =	sdelay $0x3  }
0x9d: {  	vm2 =	vge.s32 v57, v1;
	vm3 =	vlt.s32 v57, v0  }
0x9e: {  	vm2 =	vmand vm2, vm3  }
0x9f: {  	v11 =	vmpcnt.ones.xlane vm2;
	_ =	sdelay $0x1  }
0xa0: {  	(v2sf) =	vpush v11, $0x0;
	_ =	sdelay $0x6  }
0xa1: {  	s21 =	simm.s32 $0x30;
	s23 =	spop (v2sf)  }
0xa2: {  	v11 =	vor.u32 s21, v3;
	s19 =	sadd.s32 s19, s23  }
0xa3: {  	[tilespmem:s19+$0x4080] =	vst.msk vm2, v11  }
0xa4: {  	v11 =	vld [tilespmem:s18+$0xFFFFFFC0];
	_ =	sdelay $0x4  }
0xa5: {  	s24 =	simm.s32 $0x40;
	vm2 =	vge.s32 v11, v1;
	vm3 =	vlt.s32 v11, v0;
	s25 =	spop (v2sf)  }
0xa6: {  	v11 =	vor.u32 s24, v3;
	s19 =	sadd.s32 s19, s25;
	vm2 =	vmand vm2, vm3  }
0xa7: {  	[tilespmem:s19+$0x4080] =	vst.msk vm2, v11;
	v11 =	vmpcnt.ones.xlane vm2  }
0xa8: {  	v58 =	vld [tilespmem:s18+$0xFFFFFFD0]  }
0xa9: {  	(v2sf) =	vpush v11, $0x0;
	_ =	sdelay $0x3  }
0xaa: {  	vm2 =	vge.s32 v58, v1;
	vm3 =	vlt.s32 v58, v0  }
0xab: {  	vm2 =	vmand vm2, vm3  }
0xac: {  	v11 =	vmpcnt.ones.xlane vm2;
	_ =	sdelay $0x1  }
0xad: {  	(v2sf) =	vpush v11, $0x0;
	_ =	sdelay $0x6  }
0xae: {  	s26 =	simm.s32 $0x50;
	s21 =	spop (v2sf)  }
0xaf: {  	v11 =	vor.u32 s26, v3;
	s19 =	sadd.s32 s19, s21  }
0xb0: {  	[tilespmem:s19+$0x4080] =	vst.msk vm2, v11  }
0xb1: {  	v11 =	vld [tilespmem:s18+$0xFFFFFFE0];
	_ =	sdelay $0x4  }
0xb2: {  	s23 =	simm.s32 $0x60;
	vm2 =	vge.s32 v11, v1;
	vm3 =	vlt.s32 v11, v0;
	s24 =	spop (v2sf)  }
0xb3: {  	v11 =	vor.u32 s23, v3;
	s19 =	sadd.s32 s19, s24;
	vm2 =	vmand vm2, vm3  }
0xb4: {  	[tilespmem:s19+$0x4080] =	vst.msk vm2, v11;
	v11 =	vmpcnt.ones.xlane vm2  }
0xb5: {  	v59 =	vld [tilespmem:s18+$0xFFFFFFF0]  }
0xb6: {  	(v2sf) =	vpush v11, $0x0;
	_ =	sdelay $0x3  }
0xb7: {  	vm2 =	vge.s32 v59, v1;
	vm3 =	vlt.s32 v59, v0  }
0xb8: {  	vm2 =	vmand vm2, vm3  }
0xb9: {  	v11 =	vmpcnt.ones.xlane vm2;
	_ =	sdelay $0x1  }
0xba: {  	(v2sf) =	vpush v11, $0x0;
	_ =	sdelay $0x6  }
0xbb: {  	s25 =	simm.s32 $0x70;
	s26 =	spop (v2sf)  }
0xbc: {  	v11 =	vor.u32 s25, v3;
	s19 =	sadd.s32 s19, s26  }
0xbd: {  	[tilespmem:s19+$0x4080] =	vst.msk vm2, v11  }
0xbe: {  	v11 =	vld [tilespmem:s18+$0x0];
	_ =	sdelay $0x4  }
0xbf: {  	s21 =	simm.s32 $0x80;
	vm2 =	vge.s32 v11, v1;
	vm3 =	vlt.s32 v11, v0;
	s23 =	spop (v2sf)  }
0xc0: {  	v11 =	vor.u32 s21, v3;
	s19 =	sadd.s32 s19, s23;
	vm2 =	vmand vm2, vm3  }
0xc1: {  	[tilespmem:s19+$0x4080] =	vst.msk vm2, v11;
	v11 =	vmpcnt.ones.xlane vm2  }
0xc2: {  	v60 =	vld [tilespmem:s18+$0x10]  }
0xc3: {  	(v2sf) =	vpush v11, $0x0;
	_ =	sdelay $0x3  }
0xc4: {  	vm2 =	vge.s32 v60, v1;
	vm3 =	vlt.s32 v60, v0  }
0xc5: {  	vm2 =	vmand vm2, vm3  }
0xc6: {  	v11 =	vmpcnt.ones.xlane vm2;
	_ =	sdelay $0x1  }
0xc7: {  	(v2sf) =	vpush v11, $0x0;
	_ =	sdelay $0x6  }
0xc8: {  	s24 =	simm.s32 $0x90;
	s25 =	spop (v2sf)  }
0xc9: {  	v11 =	vor.u32 s24, v3;
	s19 =	sadd.s32 s19, s25  }
0xca: {  	[tilespmem:s19+$0x4080] =	vst.msk vm2, v11  }
0xcb: {  	v11 =	vld [tilespmem:s18+$0x20];
	_ =	sdelay $0x4  }
0xcc: {  	s26 =	simm.s32 $0xA0;
	vm2 =	vge.s32 v11, v1;
	vm3 =	vlt.s32 v11, v0;
	s21 =	spop (v2sf)  }
0xcd: {  	v11 =	vor.u32 s26, v3;
	s19 =	sadd.s32 s19, s21;
	vm2 =	vmand vm2, vm3  }
0xce: {  	[tilespmem:s19+$0x4080] =	vst.msk vm2, v11;
	v11 =	vmpcnt.ones.xlane vm2  }
0xcf: {  	v61 =	vld [tilespmem:s18+$0x30]  }
0xd0: {  	(v2sf) =	vpush v11, $0x0;
	_ =	sdelay $0x3  }
0xd1: {  	vm2 =	vge.s32 v61, v1;
	vm3 =	vlt.s32 v61, v0  }
0xd2: {  	vm2 =	vmand vm2, vm3  }
0xd3: {  	v11 =	vmpcnt.ones.xlane vm2;
	_ =	sdelay $0x1  }
0xd4: {  	(v2sf) =	vpush v11, $0x0;
	_ =	sdelay $0x6  }
0xd5: {  	s23 =	simm.s32 $0xB0;
	s24 =	spop (v2sf)  }
0xd6: {  	v11 =	vor.u32 s23, v3;
	s19 =	sadd.s32 s19, s24  }
0xd7: {  	[tilespmem:s19+$0x4080] =	vst.msk vm2, v11  }
0xd8: {  	v11 =	vld [tilespmem:s18+$0x40];
	_ =	sdelay $0x4  }
0xd9: {  	s25 =	simm.s32 $0xC0;
	vm2 =	vge.s32 v11, v1;
	vm3 =	vlt.s32 v11, v0;
	s26 =	spop (v2sf)  }
0xda: {  	v11 =	vor.u32 s25, v3;
	s19 =	sadd.s32 s19, s26;
	vm2 =	vmand vm2, vm3  }
0xdb: {  	[tilespmem:s19+$0x4080] =	vst.msk vm2, v11;
	v11 =	vmpcnt.ones.xlane vm2  }
0xdc: {  	v62 =	vld [tilespmem:s18+$0x50]  }
0xdd: {  	(v2sf) =	vpush v11, $0x0;
	_ =	sdelay $0x3  }
0xde: {  	vm2 =	vge.s32 v62, v1;
	vm3 =	vlt.s32 v62, v0  }
0xdf: {  	vm2 =	vmand vm2, vm3  }
0xe0: {  	v11 =	vmpcnt.ones.xlane vm2;
	_ =	sdelay $0x1  }
0xe1: {  	(v2sf) =	vpush v11, $0x0;
	_ =	sdelay $0x6  }
0xe2: {  	s21 =	simm.s32 $0xD0;
	s23 =	spop (v2sf)  }
0xe3: {  	v11 =	vor.u32 s21, v3;
	s19 =	sadd.s32 s19, s23  }
0xe4: {  	[tilespmem:s19+$0x4080] =	vst.msk vm2, v11  }
0xe5: {  	v11 =	vld [tilespmem:s18+$0x60];
	_ =	sdelay $0x4  }
0xe6: {  	s24 =	simm.s32 $0xE0;
	vm2 =	vge.s32 v11, v1;
	vm3 =	vlt.s32 v11, v0;
	s25 =	spop (v2sf)  }
0xe7: {  	v11 =	vor.u32 s24, v3;
	s19 =	sadd.s32 s19, s25;
	vm2 =	vmand vm2, vm3  }
0xe8: {  	[tilespmem:s19+$0x4080] =	vst.msk vm2, v11;
	v11 =	vmpcnt.ones.xlane vm2  }
0xe9: {  	v63 =	vld [tilespmem:s18+$0x70]  }
0xea: {  	(v2sf) =	vpush v11, $0x0;
	_ =	sdelay $0x3  }
0xeb: {  	vm2 =	vge.s32 v63, v1;
	vm3 =	vlt.s32 v63, v0  }
0xec: {  	vm2 =	vmand vm2, vm3  }
0xed: {  	v11 =	vmpcnt.ones.xlane vm2;
	_ =	sdelay $0x1  }
0xee: {  	(v2sf) =	vpush v11, $0x0;
	_ =	sdelay $0x6  }
0xef: {  	s4 =	simm.s32 $0xF0;
	s26 =	spop (v2sf)  }
0xf0: {  	v11 =	vor.u32 s4, v3;
	s0 =	sadd.s32 s19, s26  }
0xf1: {  	s19 =	simm.s32 $0x180;
	[tilespmem:s0+$0x4080] =	vst.msk vm2, v11  }
0xf2: {  	v11 =	vld [tilespmem:s19+$0xFFFFFF80];
	_ =	sdelay $0x3  }
0xf3: {  	s20 =	simm.s32 $0x10  }
0xf4: {  	s18 =	simm.s32 $0x1F0;
	s4 =	simm.s32 $0x100;
	vm2 =	vge.s32 v11, v1;
	vm3 =	vlt.s32 v11, v0;
	s21 =	spop (v2sf)  }
.LBB2_2:
0xf5: {  	s20 =	sadd.s32 $0x10, s20;
	vm2 =	vmand vm2, vm3;
	v11 =	vor.u32 s4, v3;
	s0 =	sadd.s32 s0, s21  }
0xf6: {  	p0 =	slt.u32 s20, $0x3F0;
	[tilespmem:s0+$0x4080] =	vst.msk vm2, v11;
	v11 =	vmpcnt.ones.xlane vm2  }
0xf7: {  	v12 =	vld [tilespmem:s19+$0xFFFFFF90]  }
0xf8: {  	(v2sf) =	vpush v11, $0x0;
	_ =	sdelay $0x3  }
0xf9: {  	vm2 =	vge.s32 v12, v1;
	vm3 =	vlt.s32 v12, v0  }
0xfa: {  	vm2 =	vmand vm2, vm3  }
0xfb: {  	v11 =	vmpcnt.ones.xlane vm2;
	_ =	sdelay $0x1  }
0xfc: {  	(v2sf) =	vpush v11, $0x0;
	_ =	sdelay $0x6  }
0xfd: {  	s4 =	sadd.s32 $0xFFFFFF20, s18;
	s21 =	spop (v2sf)  }
0xfe: {  	v11 =	vor.u32 s4, v3;
	s0 =	sadd.s32 s0, s21  }
0xff: {  	[tilespmem:s0+$0x4080] =	vst.msk vm2, v11  }
0x100: {  	v11 =	vld [tilespmem:s19+$0xFFFFFFA0];
	_ =	sdelay $0x4  }
0x101: {  	s4 =	sadd.s32 $0xFFFFFF30, s18;
	vm2 =	vge.s32 v11, v1;
	vm3 =	vlt.s32 v11, v0;
	s21 =	spop (v2sf)  }
0x102: {  	v11 =	vor.u32 s4, v3;
	s0 =	sadd.s32 s0, s21;
	vm2 =	vmand vm2, vm3  }
0x103: {  	[tilespmem:s0+$0x4080] =	vst.msk vm2, v11;
	v11 =	vmpcnt.ones.xlane vm2  }
0x104: {  	v12 =	vld [tilespmem:s19+$0xFFFFFFB0]  }
0x105: {  	(v2sf) =	vpush v11, $0x0;
	_ =	sdelay $0x3  }
0x106: {  	vm2 =	vge.s32 v12, v1;
	vm3 =	vlt.s32 v12, v0  }
0x107: {  	vm2 =	vmand vm2, vm3  }
0x108: {  	v11 =	vmpcnt.ones.xlane vm2;
	_ =	sdelay $0x1  }
0x109: {  	(v2sf) =	vpush v11, $0x0;
	_ =	sdelay $0x6  }
0x10a: {  	s4 =	sadd.s32 $0xFFFFFF40, s18;
	s21 =	spop (v2sf)  }
0x10b: {  	v11 =	vor.u32 s4, v3;
	s0 =	sadd.s32 s0, s21  }
0x10c: {  	[tilespmem:s0+$0x4080] =	vst.msk vm2, v11  }
0x10d: {  	v11 =	vld [tilespmem:s19+$0xFFFFFFC0];
	_ =	sdelay $0x4  }
0x10e: {  	s4 =	sadd.s32 $0xFFFFFF50, s18;
	vm2 =	vge.s32 v11, v1;
	vm3 =	vlt.s32 v11, v0;
	s21 =	spop (v2sf)  }
0x10f: {  	v11 =	vor.u32 s4, v3;
	s0 =	sadd.s32 s0, s21;
	vm2 =	vmand vm2, vm3  }
0x110: {  	[tilespmem:s0+$0x4080] =	vst.msk vm2, v11;
	v11 =	vmpcnt.ones.xlane vm2  }
0x111: {  	v12 =	vld [tilespmem:s19+$0xFFFFFFD0]  }
0x112: {  	(v2sf) =	vpush v11, $0x0;
	_ =	sdelay $0x3  }
0x113: {  	vm2 =	vge.s32 v12, v1;
	vm3 =	vlt.s32 v12, v0  }
0x114: {  	vm2 =	vmand vm2, vm3  }
0x115: {  	v11 =	vmpcnt.ones.xlane vm2;
	_ =	sdelay $0x1  }
0x116: {  	(v2sf) =	vpush v11, $0x0;
	_ =	sdelay $0x6  }
0x117: {  	s4 =	sadd.s32 $0xFFFFFF60, s18;
	s21 =	spop (v2sf)  }
0x118: {  	v11 =	vor.u32 s4, v3;
	s0 =	sadd.s32 s0, s21  }
0x119: {  	[tilespmem:s0+$0x4080] =	vst.msk vm2, v11  }
0x11a: {  	v11 =	vld [tilespmem:s19+$0xFFFFFFE0];
	_ =	sdelay $0x4  }
0x11b: {  	s4 =	sadd.s32 $0xFFFFFF70, s18;
	vm2 =	vge.s32 v11, v1;
	vm3 =	vlt.s32 v11, v0;
	s21 =	spop (v2sf)  }
0x11c: {  	v11 =	vor.u32 s4, v3;
	s0 =	sadd.s32 s0, s21;
	vm2 =	vmand vm2, vm3  }
0x11d: {  	[tilespmem:s0+$0x4080] =	vst.msk vm2, v11;
	v11 =	vmpcnt.ones.xlane vm2  }
0x11e: {  	v12 =	vld [tilespmem:s19+$0xFFFFFFF0]  }
0x11f: {  	(v2sf) =	vpush v11, $0x0;
	_ =	sdelay $0x3  }
0x120: {  	vm2 =	vge.s32 v12, v1;
	vm3 =	vlt.s32 v12, v0  }
0x121: {  	vm2 =	vmand vm2, vm3  }
0x122: {  	v11 =	vmpcnt.ones.xlane vm2;
	_ =	sdelay $0x1  }
0x123: {  	(v2sf) =	vpush v11, $0x0;
	_ =	sdelay $0x6  }
0x124: {  	s4 =	sadd.s32 $0xFFFFFF80, s18;
	s21 =	spop (v2sf)  }
0x125: {  	v11 =	vor.u32 s4, v3;
	s0 =	sadd.s32 s0, s21  }
0x126: {  	[tilespmem:s0+$0x4080] =	vst.msk vm2, v11  }
0x127: {  	v11 =	vld [tilespmem:s19+$0x0];
	_ =	sdelay $0x4  }
0x128: {  	s4 =	sadd.s32 $0xFFFFFF90, s18;
	vm2 =	vge.s32 v11, v1;
	vm3 =	vlt.s32 v11, v0;
	s21 =	spop (v2sf)  }
0x129: {  	v11 =	vor.u32 s4, v3;
	s0 =	sadd.s32 s0, s21;
	vm2 =	vmand vm2, vm3  }
0x12a: {  	[tilespmem:s0+$0x4080] =	vst.msk vm2, v11;
	v11 =	vmpcnt.ones.xlane vm2  }
0x12b: {  	v12 =	vld [tilespmem:s19+$0x10]  }
0x12c: {  	(v2sf) =	vpush v11, $0x0;
	_ =	sdelay $0x3  }
0x12d: {  	vm2 =	vge.s32 v12, v1;
	vm3 =	vlt.s32 v12, v0  }
0x12e: {  	vm2 =	vmand vm2, vm3  }
0x12f: {  	v11 =	vmpcnt.ones.xlane vm2;
	_ =	sdelay $0x1  }
0x130: {  	(v2sf) =	vpush v11, $0x0;
	_ =	sdelay $0x6  }
0x131: {  	s4 =	sadd.s32 $0xFFFFFFA0, s18;
	s21 =	spop (v2sf)  }
0x132: {  	v11 =	vor.u32 s4, v3;
	s0 =	sadd.s32 s0, s21  }
0x133: {  	[tilespmem:s0+$0x4080] =	vst.msk vm2, v11  }
0x134: {  	v11 =	vld [tilespmem:s19+$0x20];
	_ =	sdelay $0x4  }
0x135: {  	s4 =	sadd.s32 $0xFFFFFFB0, s18;
	vm2 =	vge.s32 v11, v1;
	vm3 =	vlt.s32 v11, v0;
	s21 =	spop (v2sf)  }
0x136: {  	v11 =	vor.u32 s4, v3;
	s0 =	sadd.s32 s0, s21;
	vm2 =	vmand vm2, vm3  }
0x137: {  	[tilespmem:s0+$0x4080] =	vst.msk vm2, v11;
	v11 =	vmpcnt.ones.xlane vm2  }
0x138: {  	v12 =	vld [tilespmem:s19+$0x30]  }
0x139: {  	(v2sf) =	vpush v11, $0x0;
	_ =	sdelay $0x3  }
0x13a: {  	vm2 =	vge.s32 v12, v1;
	vm3 =	vlt.s32 v12, v0  }
0x13b: {  	vm2 =	vmand vm2, vm3  }
0x13c: {  	v11 =	vmpcnt.ones.xlane vm2;
	_ =	sdelay $0x1  }
0x13d: {  	(v2sf) =	vpush v11, $0x0;
	_ =	sdelay $0x6  }
0x13e: {  	s4 =	sadd.s32 $0xFFFFFFC0, s18;
	s21 =	spop (v2sf)  }
0x13f: {  	v11 =	vor.u32 s4, v3;
	s0 =	sadd.s32 s0, s21  }
0x140: {  	[tilespmem:s0+$0x4080] =	vst.msk vm2, v11  }
0x141: {  	v11 =	vld [tilespmem:s19+$0x40];
	_ =	sdelay $0x4  }
0x142: {  	s4 =	sadd.s32 $0xFFFFFFD0, s18;
	vm2 =	vge.s32 v11, v1;
	vm3 =	vlt.s32 v11, v0;
	s21 =	spop (v2sf)  }
0x143: {  	v11 =	vor.u32 s4, v3;
	s0 =	sadd.s32 s0, s21;
	vm2 =	vmand vm2, vm3  }
0x144: {  	[tilespmem:s0+$0x4080] =	vst.msk vm2, v11;
	v11 =	vmpcnt.ones.xlane vm2  }
0x145: {  	v12 =	vld [tilespmem:s19+$0x50]  }
0x146: {  	(v2sf) =	vpush v11, $0x0;
	_ =	sdelay $0x3  }
0x147: {  	vm2 =	vge.s32 v12, v1;
	vm3 =	vlt.s32 v12, v0  }
0x148: {  	vm2 =	vmand vm2, vm3  }
0x149: {  	v11 =	vmpcnt.ones.xlane vm2;
	_ =	sdelay $0x1  }
0x14a: {  	(v2sf) =	vpush v11, $0x0;
	_ =	sdelay $0x6  }
0x14b: {  	s4 =	sadd.s32 $0xFFFFFFE0, s18;
	s21 =	spop (v2sf)  }
0x14c: {  	v11 =	vor.u32 s4, v3;
	s0 =	sadd.s32 s0, s21  }
0x14d: {  	[tilespmem:s0+$0x4080] =	vst.msk vm2, v11  }
0x14e: {  	v11 =	vld [tilespmem:s19+$0x60];
	_ =	sdelay $0x4  }
0x14f: {  	s4 =	sadd.s32 $0xFFFFFFF0, s18;
	vm2 =	vge.s32 v11, v1;
	vm3 =	vlt.s32 v11, v0;
	s21 =	spop (v2sf)  }
0x150: {  	v11 =	vor.u32 s4, v3;
	s0 =	sadd.s32 s0, s21;
	vm2 =	vmand vm2, vm3  }
0x151: {  	[tilespmem:s0+$0x4080] =	vst.msk vm2, v11;
	v11 =	vmpcnt.ones.xlane vm2  }
0x152: {  	v12 =	vld [tilespmem:s19+$0x70]  }
0x153: {  	(v2sf) =	vpush v11, $0x0;
	_ =	sdelay $0x3  }
0x154: {  	vm2 =	vge.s32 v12, v1;
	vm3 =	vlt.s32 v12, v0  }
0x155: {  	vm2 =	vmand vm2, vm3  }
0x156: {  	v11 =	vmpcnt.ones.xlane vm2;
	_ =	sdelay $0x1  }
0x157: {  	(v2sf) =	vpush v11, $0x0;
	_ =	sdelay $0x6  }
0x158: {  	s4 =	spop (v2sf)  }
0x159: {  	v11 =	vor.u32 s18, v3;
	s0 =	sadd.s32 s0, s4  }
0x15a: {  	s19 =	sadd.s32 $0x100, s19;
	[tilespmem:s0+$0x4080] =	vst.msk vm2, v11  }
0x15b: {  	v11 =	vld [tilespmem:s19+$0xFFFFFF80]  }
.Ltmp2:
0x15c: {  	(pc) =	sbr.rel @p0 .LBB2_2-.Ltmp2, $3  }
0x15d: {  	_ =	sdelay $0x1  }
0x15e: {  	s18 =	sadd.s32 $0x100, s18  }
0x15f: {  	s4 =	sadd.s32 $0xFFFFFF10, s18;
	vm2 =	vge.s32 v11, v1;
	vm3 =	vlt.s32 v11, v0;
	s21 =	spop (v2sf)  }
0x160: {  	vm2 =	vmand vm2, vm3;
	v11 =	vor.u32 s4, v3;
	s0 =	sadd.s32 s0, s21  }
0x161: {  	[tilespmem:s0+$0x4080] =	vst.msk vm2, v11;
	v11 =	vmpcnt.ones.xlane vm2  }
0x162: {  	v12 =	vld [tilespmem:s19+$0xFFFFFF90]  }
0x163: {  	(v2sf) =	vpush v11, $0x0;
	_ =	sdelay $0x3  }
0x164: {  	vm2 =	vge.s32 v12, v1;
	vm3 =	vlt.s32 v12, v0  }
0x165: {  	vm2 =	vmand vm2, vm3  }
0x166: {  	v11 =	vmpcnt.ones.xlane vm2;
	_ =	sdelay $0x1  }
0x167: {  	(v2sf) =	vpush v11, $0x0;
	_ =	sdelay $0x6  }
0x168: {  	s23 =	sadd.s32 $0xFFFFFF20, s18;
	s20 =	spop (v2sf)  }
0x169: {  	v11 =	vor.u32 s23, v3;
	s0 =	sadd.s32 s0, s20  }
0x16a: {  	[tilespmem:s0+$0x4080] =	vst.msk vm2, v11  }
0x16b: {  	v11 =	vld [tilespmem:s19+$0xFFFFFFA0];
	_ =	sdelay $0x4  }
0x16c: {  	s24 =	sadd.s32 $0xFFFFFF30, s18;
	vm2 =	vge.s32 v11, v1;
	vm3 =	vlt.s32 v11, v0;
	s25 =	spop (v2sf)  }
0x16d: {  	v11 =	vor.u32 s24, v3;
	s0 =	sadd.s32 s0, s25;
	vm2 =	vmand vm2, vm3  }
0x16e: {  	[tilespmem:s0+$0x4080] =	vst.msk vm2, v11;
	v11 =	vmpcnt.ones.xlane vm2  }
0x16f: {  	v57 =	vld [tilespmem:s19+$0xFFFFFFB0]  }
0x170: {  	(v2sf) =	vpush v11, $0x0;
	_ =	sdelay $0x3  }
0x171: {  	vm2 =	vge.s32 v57, v1;
	vm3 =	vlt.s32 v57, v0  }
0x172: {  	vm2 =	vmand vm2, vm3  }
0x173: {  	v11 =	vmpcnt.ones.xlane vm2;
	_ =	sdelay $0x1  }
0x174: {  	(v2sf) =	vpush v11, $0x0;
	_ =	sdelay $0x6  }
0x175: {  	s26 =	sadd.s32 $0xFFFFFF40, s18;
	s21 =	spop (v2sf)  }
0x176: {  	v11 =	vor.u32 s26, v3;
	s0 =	sadd.s32 s0, s21  }
0x177: {  	[tilespmem:s0+$0x4080] =	vst.msk vm2, v11  }
0x178: {  	v11 =	vld [tilespmem:s19+$0xFFFFFFC0];
	_ =	sdelay $0x4  }
0x179: {  	s23 =	sadd.s32 $0xFFFFFF50, s18;
	vm2 =	vge.s32 v11, v1;
	vm3 =	vlt.s32 v11, v0;
	s24 =	spop (v2sf)  }
0x17a: {  	v11 =	vor.u32 s23, v3;
	s0 =	sadd.s32 s0, s24;
	vm2 =	vmand vm2, vm3  }
0x17b: {  	[tilespmem:s0+$0x4080] =	vst.msk vm2, v11;
	v11 =	vmpcnt.ones.xlane vm2  }
0x17c: {  	v58 =	vld [tilespmem:s19+$0xFFFFFFD0]  }
0x17d: {  	(v2sf) =	vpush v11, $0x0;
	_ =	sdelay $0x3  }
0x17e: {  	vm2 =	vge.s32 v58, v1;
	vm3 =	vlt.s32 v58, v0  }
0x17f: {  	vm2 =	vmand vm2, vm3  }
0x180: {  	v11 =	vmpcnt.ones.xlane vm2;
	_ =	sdelay $0x1  }
0x181: {  	(v2sf) =	vpush v11, $0x0;
	_ =	sdelay $0x6  }
0x182: {  	s25 =	sadd.s32 $0xFFFFFF60, s18;
	s26 =	spop (v2sf)  }
0x183: {  	v11 =	vor.u32 s25, v3;
	s0 =	sadd.s32 s0, s26  }
0x184: {  	[tilespmem:s0+$0x4080] =	vst.msk vm2, v11  }
0x185: {  	v11 =	vld [tilespmem:s19+$0xFFFFFFE0];
	_ =	sdelay $0x4  }
0x186: {  	s21 =	sadd.s32 $0xFFFFFF70, s18;
	vm2 =	vge.s32 v11, v1;
	vm3 =	vlt.s32 v11, v0;
	s23 =	spop (v2sf)  }
0x187: {  	v11 =	vor.u32 s21, v3;
	s0 =	sadd.s32 s0, s23;
	vm2 =	vmand vm2, vm3  }
0x188: {  	[tilespmem:s0+$0x4080] =	vst.msk vm2, v11;
	v11 =	vmpcnt.ones.xlane vm2  }
0x189: {  	v59 =	vld [tilespmem:s19+$0xFFFFFFF0]  }
0x18a: {  	(v2sf) =	vpush v11, $0x0;
	_ =	sdelay $0x3  }
0x18b: {  	vm2 =	vge.s32 v59, v1;
	vm3 =	vlt.s32 v59, v0  }
0x18c: {  	vm2 =	vmand vm2, vm3  }
0x18d: {  	v11 =	vmpcnt.ones.xlane vm2;
	_ =	sdelay $0x1  }
0x18e: {  	(v2sf) =	vpush v11, $0x0;
	_ =	sdelay $0x6  }
0x18f: {  	s24 =	sadd.s32 $0xFFFFFF80, s18;
	s25 =	spop (v2sf)  }
0x190: {  	v11 =	vor.u32 s24, v3;
	s0 =	sadd.s32 s0, s25  }
0x191: {  	[tilespmem:s0+$0x4080] =	vst.msk vm2, v11  }
0x192: {  	v11 =	vld [tilespmem:s19+$0x0];
	_ =	sdelay $0x4  }
0x193: {  	s26 =	sadd.s32 $0xFFFFFF90, s18;
	vm2 =	vge.s32 v11, v1;
	vm3 =	vlt.s32 v11, v0;
	s21 =	spop (v2sf)  }
0x194: {  	v11 =	vor.u32 s26, v3;
	s0 =	sadd.s32 s0, s21;
	vm2 =	vmand vm2, vm3  }
0x195: {  	[tilespmem:s0+$0x4080] =	vst.msk vm2, v11;
	v11 =	vmpcnt.ones.xlane vm2  }
0x196: {  	v60 =	vld [tilespmem:s19+$0x10]  }
0x197: {  	(v2sf) =	vpush v11, $0x0;
	_ =	sdelay $0x3  }
0x198: {  	vm2 =	vge.s32 v60, v1;
	vm3 =	vlt.s32 v60, v0  }
0x199: {  	vm2 =	vmand vm2, vm3  }
0x19a: {  	v11 =	vmpcnt.ones.xlane vm2;
	_ =	sdelay $0x1  }
0x19b: {  	(v2sf) =	vpush v11, $0x0;
	_ =	sdelay $0x6  }
0x19c: {  	s23 =	sadd.s32 $0xFFFFFFA0, s18;
	s24 =	spop (v2sf)  }
0x19d: {  	v11 =	vor.u32 s23, v3;
	s0 =	sadd.s32 s0, s24  }
0x19e: {  	[tilespmem:s0+$0x4080] =	vst.msk vm2, v11  }
0x19f: {  	v11 =	vld [tilespmem:s19+$0x20];
	_ =	sdelay $0x4  }
0x1a0: {  	s25 =	sadd.s32 $0xFFFFFFB0, s18;
	vm2 =	vge.s32 v11, v1;
	vm3 =	vlt.s32 v11, v0;
	s26 =	spop (v2sf)  }
0x1a1: {  	v11 =	vor.u32 s25, v3;
	s0 =	sadd.s32 s0, s26;
	vm2 =	vmand vm2, vm3  }
0x1a2: {  	[tilespmem:s0+$0x4080] =	vst.msk vm2, v11;
	v11 =	vmpcnt.ones.xlane vm2  }
0x1a3: {  	v61 =	vld [tilespmem:s19+$0x30]  }
0x1a4: {  	(v2sf) =	vpush v11, $0x0;
	_ =	sdelay $0x3  }
0x1a5: {  	vm2 =	vge.s32 v61, v1;
	vm3 =	vlt.s32 v61, v0  }
0x1a6: {  	vm2 =	vmand vm2, vm3  }
0x1a7: {  	v11 =	vmpcnt.ones.xlane vm2;
	_ =	sdelay $0x1  }
0x1a8: {  	(v2sf) =	vpush v11, $0x0;
	_ =	sdelay $0x6  }
0x1a9: {  	s21 =	sadd.s32 $0xFFFFFFC0, s18;
	s23 =	spop (v2sf)  }
0x1aa: {  	v11 =	vor.u32 s21, v3;
	s0 =	sadd.s32 s0, s23  }
0x1ab: {  	[tilespmem:s0+$0x4080] =	vst.msk vm2, v11  }
0x1ac: {  	v11 =	vld [tilespmem:s19+$0x40];
	_ =	sdelay $0x4  }
0x1ad: {  	s24 =	sadd.s32 $0xFFFFFFD0, s18;
	vm2 =	vge.s32 v11, v1;
	vm3 =	vlt.s32 v11, v0;
	s25 =	spop (v2sf)  }
0x1ae: {  	v11 =	vor.u32 s24, v3;
	s0 =	sadd.s32 s0, s25;
	vm2 =	vmand vm2, vm3  }
0x1af: {  	[tilespmem:s0+$0x4080] =	vst.msk vm2, v11;
	v11 =	vmpcnt.ones.xlane vm2  }
0x1b0: {  	v62 =	vld [tilespmem:s19+$0x50]  }
0x1b1: {  	(v2sf) =	vpush v11, $0x0;
	_ =	sdelay $0x3  }
0x1b2: {  	vm2 =	vge.s32 v62, v1;
	vm3 =	vlt.s32 v62, v0  }
0x1b3: {  	vm2 =	vmand vm2, vm3  }
0x1b4: {  	v11 =	vmpcnt.ones.xlane vm2;
	_ =	sdelay $0x1  }
0x1b5: {  	(v2sf) =	vpush v11, $0x0;
	_ =	sdelay $0x6  }
0x1b6: {  	s26 =	sadd.s32 $0xFFFFFFE0, s18;
	s21 =	spop (v2sf)  }
0x1b7: {  	v11 =	vor.u32 s26, v3;
	s0 =	sadd.s32 s0, s21  }
0x1b8: {  	[tilespmem:s0+$0x4080] =	vst.msk vm2, v11  }
0x1b9: {  	v11 =	vld [tilespmem:s19+$0x60];
	_ =	sdelay $0x4  }
0x1ba: {  	s23 =	sadd.s32 $0xFFFFFFF0, s18;
	vm2 =	vge.s32 v11, v1;
	vm3 =	vlt.s32 v11, v0;
	s24 =	spop (v2sf)  }
0x1bb: {  	v11 =	vor.u32 s23, v3;
	s0 =	sadd.s32 s0, s24;
	vm2 =	vmand vm2, vm3  }
0x1bc: {  	[tilespmem:s0+$0x4080] =	vst.msk vm2, v11  }
0x1bd: {  	v11 =	vld [tilespmem:s19+$0x70];
	_ =	sdelay $0x4  }
0x1be: {  	vm3 =	vge.s32 v11, v1;
	vm4 =	vlt.s32 v11, v0  }
0x1bf: {  	v11 =	vmpcnt.ones.xlane vm2;
	vm2 =	vmand vm3, vm4  }
0x1c0: {  	v63 =	vmpcnt.ones.xlane vm2  }
0x1c1: {  	(v2sf) =	vpush v11, $0x0  }
0x1c2: {  	(v2sf) =	vpush v63, $0x0;
	_ =	sdelay $0xd  }
0x1c3: {  	s25 =	spop (v2sf)  }
0x1c4: {  	s0 =	sadd.s32 s0, s25;
	s26 =	spop (v2sf)  }
0x1c5: {  	v11 =	vor.u32 s18, v3;
	s18 =	sadd.s32 s0, s26  }
0x1c6: {  	p0 =	sgt.s32 s18, $0x0  }
.Ltmp3:
0x1c7: {  	_ = 	snop;
	(pc) =	sbr.rel @!p0 .LBB2_4-.Ltmp3, $2  }
0x1c8: {  	_ =	sdelay $0x2  }
0x1c9: {  	[tilespmem:s0+$0x4080] =	vst.msk vm2, v11  }
0x1ca: {  	s0 =	simm.s32 $0x4080  }
0x1cb: {  	v12 =	vld [tilespmem:s0+$0x0];
	_ =	sdelay $0x4  }
0x1cc: {  	(v2sf) =	vpush v12, $0x0;
	_ =	sdelay $0xe  }
0x1cd: {  	s19 =	spop (v2sf)  }
0x1ce: {  	v11 =	vld [tilespmem:s19+$0x0];
	_ =	sdelay $0x4  }
0x1cf: {  	(v2sf) =	vpush v11, $0x0;
	_ =	sdelay $0xe  }
0x1d0: {  	s26 =	spop (v2sf)  }
0x1d1: {  	s19 =	ssub.s32 s26, s6  }
0x1d2: {  	s19 =	sshra.s32 s19, $0x8  }
0x1d3: {  	v11 =	vld [tilespmem:s19+$0x1F100];
	_ =	sdelay $0x4  }
0x1d4: {  	(v2sf) =	vpush v11, $0x0;
	_ =	sdelay $0xd  }
0x1d5: {  	v11 =	vmov s19  }
0x1d6: {  	s19 =	sshll.u32 s19, $0x5;
	s20 =	spop (v2sf)  }
0x1d7: {  	vm2 =	vmmov vm1;
	s21 =	sadd.s32 $0x1, s20;
	p0 =	slt.s32 s20, $0x1F;
	p1 =	slt.s32 s20, $0x20  }
0x1d8: {  	p2 =	sgt.s32 s20, $0x1E;
	s20 =	simm.s32 @!p0 $0x1F;
	p0 =	sgt.s32 s18, $0x1;
	vm2 =	vmneg @p1 vm2  }
.Ltmp4:
0x1d9: {  	v13 =	vmov s21;
	s20 =	sadd.s32 s20, s19;
	vm2 =	vmand vm2, vm0;
	(pc) =	sbr.rel @!p0 .LBB2_17-.Ltmp4, $4  }
0x1da: {  	[tilespmem:v11+s29+$0x0] =	vst.idx.msk $0x1, v13;
	v11 =	vmov s20  }
0x1db: {  	s23 =	simm.s32 $0x1  }
0x1dc: {  	s4 =	simm.s32 $0x0;
	s23 =	simm.s32 @!p2 $0x0  }
0x1dd: {  	v12 =	vbroadcast v12, $0x0;
	s19 =	simm.s32 $0x1;
	s4 =	sor.u32 s23, s4  }
.LBB2_16:
0x1de: {  	_ = 	snop  }
0x1df: {  	s19 =	sadd.s32 $0x1, s19;
	s0 =	sadd.s32 $0x1, s0;
	[tilespmem:v11+s30+$0x0] =	vst.idx.msk vm2, v12  }
0x1e0: {  	p0 =	slt.s32 s19, s18;
	v12 =	vld [tilespmem:s0+$0x0];
	_ =	sdelay $0x4  }
0x1e1: {  	(v2sf) =	vpush v12, $0x0;
	_ =	sdelay $0xe  }
0x1e2: {  	s20 =	spop (v2sf)  }
0x1e3: {  	v11 =	vld [tilespmem:s20+$0x0];
	_ =	sdelay $0x4  }
0x1e4: {  	(v2sf) =	vpush v11, $0x0;
	_ =	sdelay $0xe  }
0x1e5: {  	s20 =	spop (v2sf)  }
0x1e6: {  	s20 =	ssub.s32 s20, s6  }
0x1e7: {  	s20 =	sshra.s32 s20, $0x8  }
0x1e8: {  	v11 =	vld [tilespmem:s20+$0x1F100];
	_ =	sdelay $0x4  }
0x1e9: {  	(v2sf) =	vpush v11, $0x0;
	_ =	sdelay $0xc  }
0x1ea: {  	v11 =	vmov s20;
	_ =	sdelay $0x1  }
0x1eb: {  	s21 =	spop (v2sf)  }
0x1ec: {  	vm2 =	vmmov vm1;
	s20 =	sshll.u32 s20, $0x5;
	p1 =	slt.s32 s21, $0x1F;
	p2 =	slt.s32 s21, $0x20  }
0x1ed: {  	s23 =	sadd.s32 $0x1, s21;
	vm2 =	vmneg @p2 vm2;
	p2 =	sgt.s32 s21, $0x1E;
	s21 =	simm.s32 @!p1 $0x1F  }
0x1ee: {  	v13 =	vmov s23;
	s20 =	sadd.s32 s21, s20;
	s21 =	simm.s32 $0x1  }
.Ltmp5:
0x1ef: {  	[tilespmem:v11+s29+$0x0] =	vst.idx.msk $0x1, v13;
	vm2 =	vmand vm2, vm0;
	s21 =	simm.s32 @!p2 $0x0;
	(pc) =	sbr.rel @p0 .LBB2_16-.Ltmp5, $2  }
0x1f0: {  	v11 =	vmov s20;
	s4 =	sor.u32 s21, s4;
	_ =	sdelay $0x2  }
0x1f1: {  	v12 =	vbroadcast v12, $0x0  }
.LBB2_17:
0x1f2: {  	_ =	sdelay $0x4  }
0x1f3: {  	[tilespmem:v11+s30+$0x0] =	vst.idx.msk vm2, v12  }
.Ltmp6:
0x1f4: {  	(pc) =	sbr.rel .LBB2_6-.Ltmp6, $2  }
0x1f5: {  	_ =	sdelay $0x2  }
0x1f6: {  	p0 =	sgt.s32 s4, $0x0  }
.LBB2_4:
0x1f7: {  	p0 =	por $0x0, $0x0  }
.LBB2_6:
.Ltmp7:
0x1f8: {  	(pc) =	sbr.rel .LBB2_7-.Ltmp7, $2  }
0x1f9: {  	_ =	sdelay $0x2  }
0x1fa: {  	s19 =	simm.s32 $0x0;
	s20 =	simm.s32 $0x1E100;
	s21 =	simm.s32 $0x0  }
.LBB2_10:
0x1fb: {  	[hbm4b:s24+s5] =	stream.linear.scatter [tilespmem:s25], [sflag:$0x2], $0x80, $0x38;
	[tilespmem:$0x1FB00] =	vst v63  }
.LBB2_11:
0x1fc: {  	s21 =	sadd.s32 $0x1, s21  }
0x1fd: {  	p1 =	sne.s32 s21, s9  }
.Ltmp8:
0x1fe: {  	_ = 	snop;
	(pc) =	sbr.rel @!p1 .LBB2_12-.Ltmp8, $2  }
0x1ff: {  	_ =	sdelay $0x2  }
0x200: {  	s20 =	sadd.s32 $0x20, s20  }
.LBB2_7:
0x201: {  	s0 =	sadd.s32 $0x4, s21  }
0x202: {  	p1 =	sge.u32 s0, s9  }
0x203: {  	s4 =	smulhi.u32 @!p1 $0xCCCCCCCD, s0;
	_ =	sdelay $0x1  }
0x204: {  	s4 =	sshrl.u32 @!p1 s4, $0x2  }
0x205: {  	s4 =	smul.u32 @!p1 $0x5, s4  }
0x206: {  	s23 =	sshll.u32 @!p1 s0, $0xB  }
0x207: {  	s23 =	sadd.s32 @!p1 s8, s23;
	s0 =	ssub.s32 @!p1 s0, s4  }
0x208: {  	s4 =	sshrl.u32 @!p1 s23, $0x3;
	s0 =	sshll.u32 @!p1 s0, $0xB  }
0x209: {  	s24 =	simm.s32 @!p1 $0x0;
	s4 =	sadd.s32 @!p1 s1, s4;
	s23 =	sor.u32 @!p1 $0x8100, s0  }
0x20a: {  	[tilespmem:s23], [sflag:$0x1] =	stream.linear.gather @!p1 [hbm4b:s4+s24], $0x800, $0x38;
	[tilespmem:$0x1FB00] =	vst v63  }
0x20b: {  	s25 =	sadd.s32 @!p1 $0xAD00, s0;
	s23 =	sadd.s32 @!p1 $0xF4280, s4  }
0x20c: {  	[tilespmem:s25], [sflag:$0x1] =	stream.linear.gather @!p1 [hbm4b:s23+s24], $0x800, $0x38;
	[tilespmem:$0x1FB00] =	vst v63  }
0x20d: {  	s23 =	sadd.s32 @!p1 $0x1E8500, s4;
	s25 =	sadd.s32 @!p1 $0xD900, s0  }
0x20e: {  	[tilespmem:s25], [sflag:$0x1] =	stream.linear.gather @!p1 [hbm4b:s23+s24], $0x800, $0x38;
	[tilespmem:$0x1FB00] =	vst v63  }
0x20f: {  	s23 =	sadd.s32 @!p1 $0x2DC780, s4;
	s25 =	sor.u32 @!p1 $0x10500, s0  }
0x210: {  	[tilespmem:s25], [sflag:$0x1] =	stream.linear.gather @!p1 [hbm4b:s23+s24], $0x800, $0x38;
	[tilespmem:$0x1FB00] =	vst v63  }
0x211: {  	s23 =	sadd.s32 @!p1 $0x3D0A00, s4;
	s25 =	sadd.s32 @!p1 $0x13100, s0  }
0x212: {  	[tilespmem:s25], [sflag:$0x1] =	stream.linear.gather @!p1 [hbm4b:s23+s24], $0x800, $0x38;
	[tilespmem:$0x1FB00] =	vst v63  }
0x213: {  	s23 =	sadd.s32 @!p1 $0x4C4C80, s4;
	s25 =	sadd.s32 @!p1 $0x15D00, s0  }
0x214: {  	[tilespmem:s25], [sflag:$0x1] =	stream.linear.gather @!p1 [hbm4b:s23+s24], $0x800, $0x38;
	[tilespmem:$0x1FB00] =	vst v63  }
0x215: {  	s23 =	sadd.s32 @!p1 $0x5B8F00, s4;
	s25 =	sadd.s32 @!p1 $0x18900, s0  }
0x216: {  	[tilespmem:s25], [sflag:$0x1] =	stream.linear.gather @!p1 [hbm4b:s23+s24], $0x800, $0x38;
	[tilespmem:$0x1FB00] =	vst v63  }
0x217: {  	s4 =	sadd.s32 @!p1 $0x6AD180, s4;
	s0 =	sadd.s32 @!p1 $0x1B500, s0  }
0x218: {  	[tilespmem:s0], [sflag:$0x1] =	stream.linear.gather @!p1 [hbm4b:s4+s24], $0x800, $0x38;
	[tilespmem:$0x1FB00] =	vst v63  }
0x219: {  	_ =	swait.ge [sflag:s31], $0x4000  }
0x21a: {  	[sflag:s31] =	ssyncset.done $0x0  }
0x21b: {  	[sflag:s31] =	ssyncadd.s32 $0xFFFFC000  }
0x21c: {  	v11 =	vld [tilespmem:s21+$0x1F100];
	_ =	sdelay $0x4  }
0x21d: {  	(v2sf) =	vpush v11, $0x0;
	_ =	sdelay $0xe  }
0x21e: {  	s0 =	spop (v2sf)  }
0x21f: {  	p1 =	slt.s32 s0, $0x1  }
.Ltmp9:
0x220: {  	_ = 	snop;
	(pc) =	sbr.rel @p1 .LBB2_11-.Ltmp9, $1  }
0x221: {  	_ =	sdelay $0x3  }
0x222: {  	v11 =	vld [tilespmem:s20+$0x0];
	_ =	sdelay $0x4  }
0x223: {  	(v2sf) =	vpush v11, $0x0;
	_ =	sdelay $0xe  }
0x224: {  	s23 =	spop (v2sf)  }
0x225: {  	v11 =	vld [tilespmem:s23+$0x0];
	_ =	sdelay $0x4  }
0x226: {  	(v2sf) =	vpush v11, $0x0;
	_ =	sdelay $0x6  }
0x227: {  	s4 =	smulhi.u32 $0xCCCCCCCD, s21;
	_ =	sdelay $0x1  }
0x228: {  	s4 =	sshrl.u32 s4, $0x2  }
0x229: {  	s4 =	smul.u32 $0x5, s4;
	_ =	sdelay $0x1  }
0x22a: {  	s4 =	ssub.s32 s21, s4  }
0x22b: {  	s4 =	ssub.s32 s4, s21  }
0x22c: {  	s4 =	sshll.u32 s4, $0x8  }
0x22d: {  	s4 =	ssub.s32 s4, s6;
	s24 =	spop (v2sf)  }
0x22e: {  	s24 =	sadd.s32 s24, s4  }
0x22f: {  	v11 =	vmov s24  }
0x230: {  	v12 =	vshll.u32 v11, $0x3  }
0x231: {  	v11 =	vand.u32 $0x7F, v11;
	v12 =	vand.u32 $0xFFFFFC00, v12  }
0x232: {  	v11 =	vor.u32 v11, v12  }
0x233: {  	p1 =	slt.s32 s19, $0x10;
	v12 =	vadd.s32 v4, v11  }
0x234: {  	s24 =	simm.s32 @!p1 $0x2  }
0x235: {  	_ =	swait.ge @!p1 [sflag:s24], $0x80  }
0x236: {  	s25 =	sand.u32 $0xF, s19;
	[sflag:s24] =	ssyncset.done @!p1 $0x0  }
0x237: {  	s25 =	sshll.u32 s25, $0x7;
	[sflag:s24] =	ssyncadd.s32 @!p1 $0xFFFFFF80  }
0x238: {  	v13 =	vor.u32 s25, v3;
	v12 =	vld.idx.msk [tilespmem:v12+s2+$0x0], $0xffff  }
0x239: {  	v14 =	vadd.s32 v5, v11;
	_ =	sdelay $0x3  }
0x23a: {  	[tilespmem:v13+s3+$0x0] =	vst.idx.msk $0xffff, v12  }
0x23b: {  	v60 =	vor.u32 s25, v8;
	v12 =	vld.idx.msk [tilespmem:v14+s2+$0x0], $0xffff  }
0x23c: {  	v61 =	vadd.s32 v6, v11;
	_ =	sdelay $0x3  }
0x23d: {  	[tilespmem:v60+s3+$0x0] =	vst.idx.msk $0xffff, v12  }
0x23e: {  	v62 =	vor.u32 s25, v9;
	v12 =	vld.idx.msk [tilespmem:v61+s2+$0x0], $0xffff  }
0x23f: {  	v11 =	vadd.s32 v7, v11;
	_ =	sdelay $0x1  }
0x240: {  	p1 =	slt.s32 s0, $0x20  }
0x241: {  	s0 =	simm.s32 @!p1 $0x20  }
0x242: {  	s0 =	sadd.s32 $0xFFFFFFFF, s0;
	[tilespmem:v62+s3+$0x0] =	vst.idx.msk $0xffff, v12  }
0x243: {  	v63 =	vor.u32 s25, v10;
	p1 =	sne.s32 s0, $0x0;
	v11 =	vld.idx.msk [tilespmem:v11+s2+$0x0], $0xffff  }
.Ltmp10:
0x244: {  	_ = 	snop;
	(pc) =	sbr.rel @!p1 .LBB2_10-.Ltmp10, $4  }
0x245: {  	_ = 	snop  }
0x246: {  	s23 =	sshll.u32 s23, $0x4  }
0x247: {  	s19 =	sadd.s32 $0x1, s19;
	s26 =	sand.u32 $0x1FFFFFF0, s23  }
0x248: {  	s25 =	sadd.s32 $0x1F300, s25;
	s23 =	sadd.s32 $0x1, s20;
	s24 =	sadd.s32 s7, s26;
	[tilespmem:v63+s3+$0x0] =	vst.idx.msk $0xffff, v11  }
.LBB2_9:
0x249: {  	[hbm4b:s24+s5] =	stream.linear.scatter [tilespmem:s25], [sflag:$0x2], $0x80, $0x38;
	[tilespmem:$0x1FB00] =	vst v63  }
0x24a: {  	s0 =	sadd.s32 $0xFFFFFFFF, s0;
	v11 =	vld [tilespmem:s23+$0x0]  }
0x24b: {  	p1 =	sne.s32 s0, $0x0;
	_ =	sdelay $0x3  }
0x24c: {  	(v2sf) =	vpush v11, $0x0;
	_ =	sdelay $0xe  }
0x24d: {  	s24 =	spop (v2sf)  }
0x24e: {  	v11 =	vld [tilespmem:s24+$0x0];
	s24 =	sshll.u32 s24, $0x4  }
0x24f: {  	s24 =	sand.u32 $0x1FFFFFF0, s24;
	_ =	sdelay $0x3  }
0x250: {  	(v2sf) =	vpush v11, $0x0;
	_ =	sdelay $0xe  }
0x251: {  	s25 =	spop (v2sf)  }
0x252: {  	s25 =	sadd.s32 s25, s4  }
0x253: {  	v11 =	vmov s25  }
0x254: {  	v12 =	vshll.u32 v11, $0x3  }
0x255: {  	v11 =	vand.u32 $0x7F, v11;
	v12 =	vand.u32 $0xFFFFFC00, v12  }
0x256: {  	v11 =	vor.u32 v11, v12  }
0x257: {  	p2 =	slt.s32 s19, $0x10;
	v12 =	vadd.s32 v4, v11  }
0x258: {  	s25 =	simm.s32 @!p2 $0x2  }
0x259: {  	_ =	swait.ge @!p2 [sflag:s25], $0x80  }
0x25a: {  	[sflag:s25] =	ssyncset.done @!p2 $0x0  }
0x25b: {  	s26 =	sand.u32 $0xF, s19;
	[sflag:s25] =	ssyncadd.s32 @!p2 $0xFFFFFF80  }
0x25c: {  	s25 =	sshll.u32 s26, $0x7;
	v12 =	vld.idx.msk [tilespmem:v12+s2+$0x0], $0xffff  }
0x25d: {  	v13 =	vor.u32 s25, v3  }
0x25e: {  	v14 =	vadd.s32 v5, v11;
	_ =	sdelay $0x3  }
0x25f: {  	[tilespmem:v13+s3+$0x0] =	vst.idx.msk $0xffff, v12  }
0x260: {  	v12 =	vld.idx.msk [tilespmem:v14+s2+$0x0], $0xffff  }
0x261: {  	v13 =	vor.u32 s25, v8  }
0x262: {  	v14 =	vadd.s32 v6, v11;
	_ =	sdelay $0x3  }
0x263: {  	[tilespmem:v13+s3+$0x0] =	vst.idx.msk $0xffff, v12  }
0x264: {  	v12 =	vld.idx.msk [tilespmem:v14+s2+$0x0], $0xffff  }
0x265: {  	v13 =	vor.u32 s25, v9  }
0x266: {  	v11 =	vadd.s32 v7, v11;
	_ =	sdelay $0x3  }
0x267: {  	[tilespmem:v13+s3+$0x0] =	vst.idx.msk $0xffff, v12  }
0x268: {  	v11 =	vld.idx.msk [tilespmem:v11+s2+$0x0], $0xffff  }
0x269: {  	v12 =	vor.u32 s25, v10  }
.Ltmp11:
0x26a: {  	(pc) =	sbr.rel @p1 .LBB2_9-.Ltmp11, $3  }
0x26b: {  	_ =	sdelay $0x1  }
0x26c: {  	s23 =	sadd.s32 $0x1, s23  }
0x26d: {  	s19 =	sadd.s32 $0x1, s19;
	s24 =	sadd.s32 s7, s24;
	s25 =	sadd.s32 $0x1F300, s25;
	[tilespmem:v12+s3+$0x0] =	vst.idx.msk $0xffff, v11  }
.Ltmp12:
0x26e: {  	_ = 	snop;
	(pc) =	sbr.rel .LBB2_10-.Ltmp12, $1  }
0x26f: {  	_ =	sdelay $0x3  }
.LBB2_12:
0x270: {  	v11 =	vld [tilespmem:$0x1F17C];
	_ =	sdelay $0x4  }
0x271: {  	(v2sf) =	vpush v11, $0x0;
	_ =	sdelay $0xe  }
0x272: {  	s21 =	spop (v2sf)  }
0x273: {  	p1 =	slt.s32 s21, $0x1  }
.Ltmp13:
0x274: {  	_ = 	snop;
	(pc) =	sbr.rel @p1 .LBB2_23-.Ltmp13, $1  }
0x275: {  	_ =	sdelay $0x3  }
0x276: {  	p1 =	slt.s32 s21, $0x20  }
0x277: {  	s21 =	simm.s32 @!p1 $0x20  }
0x278: {  	p2 =	sne.s32 s21, $0x1  }
.Ltmp14:
0x279: {  	_ = 	snop;
	(pc) =	sbr.rel @!p2 .LBB2_14-.Ltmp14, $3  }
0x27a: {  	_ =	sdelay $0x1  }
0x27b: {  	s23 =	simm.s32 $0x0;
	s0 =	simm.s32 $0x1F080  }
0x27c: {  	s4 =	simm.s32 $0x1;
	s24 =	sand.u32 $0x3FFFFF80, s23;
	p1 =	por $0x0, $0x0  }
0x27d: {  	s0 =	sadd.s32 $0x1F080, s24  }
0x27e: {  	v11 =	vld [tilespmem:s0+$0x0];
	_ =	sdelay $0x4  }
0x27f: {  	(v2sf) =	vpush v11, $0x0;
	_ =	sdelay $0xe  }
0x280: {  	s24 =	spop (v2sf)  }
0x281: {  	v11 =	vld [tilespmem:s24+$0x0];
	_ =	sdelay $0x4  }
0x282: {  	(v2sf) =	vpush v11, $0x0;
	_ =	sdelay $0xe  }
0x283: {  	s20 =	spop (v2sf)  }
0x284: {  	s20 =	sadd.s32 $0xFFF0C300, s20  }
0x285: {  	v11 =	vmov s20  }
0x286: {  	v12 =	vshll.u32 v11, $0x3  }
0x287: {  	v11 =	vand.u32 $0x7F, v11;
	v12 =	vand.u32 $0xFFFFFC00, v12  }
0x288: {  	s25 =	sadd.s32 $0x0, s19;
	v11 =	vor.u32 v11, v12  }
0x289: {  	p1 =	slt.s32 s25, $0x10;
	v12 =	vadd.s32 v4, v11  }
0x28a: {  	s23 =	simm.s32 @!p1 $0x2  }
0x28b: {  	_ =	swait.ge @!p1 [sflag:s23], $0x80  }
0x28c: {  	s20 =	sand.u32 $0xF, s25;
	[sflag:s23] =	ssyncset.done @!p1 $0x0  }
0x28d: {  	s25 =	sshll.u32 s20, $0x7;
	[sflag:s23] =	ssyncadd.s32 @!p1 $0xFFFFFF80  }
0x28e: {  	v13 =	vor.u32 s25, v3;
	v12 =	vld.idx.msk [tilespmem:v12+s2+$0x0], $0xffff  }
0x28f: {  	v14 =	vadd.s32 v5, v11;
	_ =	sdelay $0x3  }
0x290: {  	[tilespmem:v13+s3+$0x0] =	vst.idx.msk $0xffff, v12  }
0x291: {  	v13 =	vor.u32 s25, v8;
	v12 =	vld.idx.msk [tilespmem:v14+s2+$0x0], $0xffff  }
0x292: {  	v14 =	vadd.s32 v6, v11;
	_ =	sdelay $0x3  }
0x293: {  	[tilespmem:v13+s3+$0x0] =	vst.idx.msk $0xffff, v12  }
0x294: {  	v13 =	vor.u32 s25, v9;
	v12 =	vld.idx.msk [tilespmem:v14+s2+$0x0], $0xffff  }
0x295: {  	v11 =	vadd.s32 v7, v11;
	_ =	sdelay $0x3  }
0x296: {  	p2 =	sne.s32 s21, $0x2;
	[tilespmem:v13+s3+$0x0] =	vst.idx.msk $0xffff, v12  }
.Ltmp15:
0x297: {  	v12 =	vor.u32 s25, v10;
	v11 =	vld.idx.msk [tilespmem:v11+s2+$0x0], $0xffff;
	(pc) =	sbr.rel @!p2 .LBB2_19-.Ltmp15, $4  }
0x298: {  	s0 =	sshll.u32 s24, $0x4  }
0x299: {  	s26 =	sand.u32 $0x1FFFFFF0, s0  }
0x29a: {  	s24 =	sand.u32 $0x3FFFFF80, s4;
	s0 =	simm.s32 $0x1F081;
	s26 =	sadd.s32 s7, s26  }
0x29b: {  	s20 =	simm.s32 $0x2;
	p1 =	por $0x1, $0x1;
	s25 =	sadd.s32 $0x1F300, s25  }
.LBB2_20:
0x29c: {  	s23 =	sadd.s32 s24, s0;
	[tilespmem:v12+s3+$0x0] =	vst.idx.msk $0xffff, v11;
	s24 =	smov.u32 s20;
	s20 =	sadd.s32 $0x1, s20  }
0x29d: {  	[hbm4b:s26+s5] =	stream.linear.scatter [tilespmem:s25], [sflag:$0x2], $0x80, $0x38;
	[tilespmem:$0x1FB00] =	vst v63  }
0x29e: {  	p2 =	sne.s32 s21, s20;
	v11 =	vld [tilespmem:s23+$0x0];
	_ =	sdelay $0x4  }
0x29f: {  	(v2sf) =	vpush v11, $0x0;
	_ =	sdelay $0xe  }
0x2a0: {  	s23 =	spop (v2sf)  }
0x2a1: {  	v11 =	vld [tilespmem:s23+$0x0];
	s23 =	sshll.u32 s23, $0x4  }
0x2a2: {  	s23 =	sand.u32 $0x1FFFFFF0, s23;
	_ =	sdelay $0x3  }
0x2a3: {  	(v2sf) =	vpush v11, $0x0;
	_ =	sdelay $0xe  }
0x2a4: {  	s25 =	spop (v2sf)  }
0x2a5: {  	s25 =	sadd.s32 $0xFFF0C300, s25  }
0x2a6: {  	v11 =	vmov s25  }
0x2a7: {  	v12 =	vshll.u32 v11, $0x3  }
0x2a8: {  	v11 =	vand.u32 $0x7F, v11;
	v12 =	vand.u32 $0xFFFFFC00, v12  }
0x2a9: {  	s25 =	sadd.s32 s4, s19;
	s4 =	smov.u32 s24;
	v11 =	vor.u32 v11, v12  }
0x2aa: {  	s24 =	sand.u32 $0xF, s25;
	p3 =	slt.s32 s25, $0x10;
	v12 =	vadd.s32 v4, v11  }
0x2ab: {  	s25 =	simm.s32 @!p3 $0x2;
	s26 =	sshll.u32 s24, $0x7  }
0x2ac: {  	_ =	swait.ge @!p3 [sflag:s25], $0x80  }
0x2ad: {  	[sflag:s25] =	ssyncset.done @!p3 $0x0  }
0x2ae: {  	[sflag:s25] =	ssyncadd.s32 @!p3 $0xFFFFFF80  }
0x2af: {  	v12 =	vld.idx.msk [tilespmem:v12+s2+$0x0], $0xffff  }
0x2b0: {  	v13 =	vor.u32 s26, v3  }
0x2b1: {  	v14 =	vadd.s32 v5, v11;
	_ =	sdelay $0x3  }
0x2b2: {  	[tilespmem:v13+s3+$0x0] =	vst.idx.msk $0xffff, v12  }
0x2b3: {  	v12 =	vld.idx.msk [tilespmem:v14+s2+$0x0], $0xffff  }
0x2b4: {  	v13 =	vor.u32 s26, v8  }
0x2b5: {  	v14 =	vadd.s32 v6, v11;
	_ =	sdelay $0x3  }
0x2b6: {  	[tilespmem:v13+s3+$0x0] =	vst.idx.msk $0xffff, v12  }
0x2b7: {  	v12 =	vld.idx.msk [tilespmem:v14+s2+$0x0], $0xffff  }
0x2b8: {  	v13 =	vor.u32 s26, v9  }
0x2b9: {  	v11 =	vadd.s32 v7, v11;
	_ =	sdelay $0x3  }
0x2ba: {  	[tilespmem:v13+s3+$0x0] =	vst.idx.msk $0xffff, v12  }
0x2bb: {  	v11 =	vld.idx.msk [tilespmem:v11+s2+$0x0], $0xffff  }
.Ltmp16:
0x2bc: {  	v12 =	vor.u32 s26, v10;
	(pc) =	sbr.rel @p2 .LBB2_20-.Ltmp16, $3  }
0x2bd: {  	_ =	sdelay $0x1  }
0x2be: {  	s0 =	sadd.s32 $0x1, s0  }
0x2bf: {  	s24 =	sand.u32 $0x3FFFFF80, s4;
	s25 =	sadd.s32 $0x1F300, s26;
	s26 =	sadd.s32 s7, s23  }
0x2c0: {  	s23 =	smov.u32 s4  }
.LBB2_22:
0x2c1: {  	_ =	sdelay $0x3  }
0x2c2: {  	s0 =	sadd.s32 s24, s0;
	[tilespmem:v12+s3+$0x0] =	vst.idx.msk @p1 $0xffff, v11  }
0x2c3: {  	[hbm4b:s26+s5] =	stream.linear.scatter @p1 [tilespmem:s25], [sflag:$0x2], $0x80, $0x38;
	[tilespmem:$0x1FB00] =	vst v63  }
0x2c4: {  	v11 =	vld [tilespmem:s0+$0x0];
	_ =	sdelay $0x4  }
0x2c5: {  	(v2sf) =	vpush v11, $0x0;
	_ =	sdelay $0xe  }
0x2c6: {  	s25 =	spop (v2sf)  }
0x2c7: {  	v11 =	vld [tilespmem:s25+$0x0];
	_ =	sdelay $0x4  }
0x2c8: {  	(v2sf) =	vpush v11, $0x0;
	_ =	sdelay $0xe  }
0x2c9: {  	s4 =	spop (v2sf)  }
0x2ca: {  	s4 =	sadd.s32 $0xFFF0C300, s4  }
0x2cb: {  	v11 =	vmov s4  }
0x2cc: {  	v59 =	vshll.u32 v11, $0x3  }
0x2cd: {  	v11 =	vand.u32 $0x7F, v11;
	v12 =	vand.u32 $0xFFFFFC00, v59  }
0x2ce: {  	s26 =	sadd.s32 s23, s19;
	v11 =	vor.u32 v11, v12  }
0x2cf: {  	p1 =	slt.s32 s26, $0x10;
	v12 =	vadd.s32 v4, v11  }
0x2d0: {  	s21 =	simm.s32 @!p1 $0x2  }
0x2d1: {  	_ =	swait.ge @!p1 [sflag:s21], $0x80  }
0x2d2: {  	s4 =	sand.u32 $0xF, s26;
	[sflag:s21] =	ssyncset.done @!p1 $0x0  }
0x2d3: {  	s4 =	sshll.u32 s4, $0x7;
	[sflag:s21] =	ssyncadd.s32 @!p1 $0xFFFFFF80  }
0x2d4: {  	v13 =	vor.u32 s4, v3;
	v12 =	vld.idx.msk [tilespmem:v12+s2+$0x0], $0xffff  }
0x2d5: {  	v14 =	vadd.s32 v5, v11;
	_ =	sdelay $0x3  }
0x2d6: {  	[tilespmem:v13+s3+$0x0] =	vst.idx.msk $0xffff, v12  }
0x2d7: {  	v60 =	vor.u32 s4, v8;
	v12 =	vld.idx.msk [tilespmem:v14+s2+$0x0], $0xffff  }
0x2d8: {  	v61 =	vadd.s32 v6, v11;
	_ =	sdelay $0x3  }
0x2d9: {  	[tilespmem:v60+s3+$0x0] =	vst.idx.msk $0xffff, v12  }
0x2da: {  	v62 =	vor.u32 s4, v9;
	v12 =	vld.idx.msk [tilespmem:v61+s2+$0x0], $0xffff  }
0x2db: {  	v11 =	vadd.s32 v7, v11;
	_ =	sdelay $0x3  }
0x2dc: {  	[tilespmem:v62+s3+$0x0] =	vst.idx.msk $0xffff, v12  }
0x2dd: {  	v63 =	vor.u32 s4, v10;
	v11 =	vld.idx.msk [tilespmem:v11+s2+$0x0], $0xffff;
	_ =	sdelay $0x2  }
0x2de: {  	s0 =	sshll.u32 s25, $0x4  }
0x2df: {  	s0 =	sand.u32 $0x1FFFFFF0, s0  }
0x2e0: {  	s19 =	sadd.s32 s20, s19;
	s0 =	sadd.s32 s7, s0;
	s4 =	sadd.s32 $0x1F300, s4;
	[tilespmem:v63+s3+$0x0] =	vst.idx.msk $0xffff, v11  }
0x2e1: {  	[hbm4b:s0+s5] =	stream.linear.scatter [tilespmem:s4], [sflag:$0x2], $0x80, $0x38;
	[tilespmem:$0x1FB00] =	vst v63  }
.LBB2_23:
0x2e2: {  	p1 =	slt.s32 s19, $0x1  }
.Ltmp17:
0x2e3: {  	_ = 	snop;
	(pc) =	sbr.rel @p1 .LBB2_27-.Ltmp17, $2  }
0x2e4: {  	_ =	sdelay $0x2  }
0x2e5: {  	s24 =	simm.s32 $0xAD00;
	s25 =	simm.s32 $0xD900  }
0x2e6: {  	p1 =	slt.s32 s19, $0x10  }
0x2e7: {  	s19 =	simm.s32 @!p1 $0x10  }
0x2e8: {  	p1 =	sne.s32 s19, $0x1  }
.Ltmp18:
0x2e9: {  	_ = 	snop;
	(pc) =	sbr.rel @!p1 .LBB2_26-.Ltmp18, $3  }
0x2ea: {  	_ =	sdelay $0x1  }
0x2eb: {  	_ =	swait.ge [sflag:s14], $0x80  }
0x2ec: {  	[sflag:s14] =	ssyncset.done $0x0;
	s0 =	sadd.s32 $0xFFFFFFFF, s19  }
.LBB2_25:
0x2ed: {  	p1 =	sne.s32 s0, $0x1;
	s0 =	sadd.s32 $0xFFFFFFFF, s0;
	[sflag:s14] =	ssyncadd.s32 $0xFFFFFF80  }
.Ltmp19:
0x2ee: {  	(pc) =	sbr.rel @p1 .LBB2_25-.Ltmp19, $3  }
0x2ef: {  	_ =	sdelay $0x1  }
0x2f0: {  	_ =	swait.ge [sflag:s14], $0x80  }
0x2f1: {  	[sflag:s14] =	ssyncset.done $0x0  }
.LBB2_26:
0x2f2: {  	[sflag:s14] =	ssyncadd.s32 $0xFFFFFF80  }
.LBB2_27:
.Ltmp20:
0x2f3: {  	(pc) =	sbr.rel @!p0 .LBB2_32-.Ltmp20, $1  }
0x2f4: {  	_ =	sdelay $0x3  }
.Ltmp21:
0x2f5: {  	(pc) =	sbr.rel .LBB2_29-.Ltmp21, $2  }
0x2f6: {  	_ =	sdelay $0x2  }
0x2f7: {  	s0 =	simm.s32 $0x0;
	s4 =	simm.s32 $0x4080  }
.LBB2_31:
0x2f8: {  	s0 =	sadd.s32 $0x1, s0  }
0x2f9: {  	p0 =	slt.s32 s0, s18  }
.Ltmp22:
0x2fa: {  	_ = 	snop;
	(pc) =	sbr.rel @!p0 .LBB2_32-.Ltmp22, $2  }
0x2fb: {  	_ =	sdelay $0x2  }
0x2fc: {  	s4 =	sadd.s32 $0x1, s4  }
.LBB2_29:
0x2fd: {  	v11 =	vld [tilespmem:s4+$0x0];
	_ =	sdelay $0x4  }
0x2fe: {  	(v2sf) =	vpush v11, $0x0;
	_ =	sdelay $0xe  }
0x2ff: {  	s19 =	spop (v2sf)  }
0x300: {  	v11 =	vld [tilespmem:s19+$0x0];
	_ =	sdelay $0x4  }
0x301: {  	(v2sf) =	vpush v11, $0x0;
	_ =	sdelay $0xe  }
0x302: {  	s20 =	spop (v2sf)  }
0x303: {  	s21 =	ssub.s32 s20, s6  }
0x304: {  	s21 =	sshra.s32 s21, $0x8  }
0x305: {  	v11 =	vld [tilespmem:s21+$0x1F200];
	_ =	sdelay $0x4  }
0x306: {  	(v2sf) =	vpush v11, $0x0;
	_ =	sdelay $0xe  }
0x307: {  	s26 =	spop (v2sf)  }
0x308: {  	v11 =	vmov s21;
	p0 =	slt.s32 s26, $0x20  }
.Ltmp23:
0x309: {  	_ = 	snop;
	(pc) =	sbr.rel @p0 .LBB2_31-.Ltmp23, $4  }
0x30a: {  	_ = 	snop  }
0x30b: {  	s23 =	sadd.s32 $0x1, s26  }
0x30c: {  	v12 =	vmov s23  }
0x30d: {  	[tilespmem:v11+s15+$0x0] =	vst.idx.msk $0x1, v12  }
0x30e: {  	s21 =	sshra.s32 s20, $0x7  }
0x30f: {  	p0 =	slt.s32 s21, $0x1E83  }
0x310: {  	s21 =	simm.s32 @!p0 $0x1E83  }
0x311: {  	s21 =	sshll.u32 s21, $0x7  }
0x312: {  	s21 =	sand.u32 $0x1FFFFF80, s21  }
0x313: {  	s21 =	sadd.s32 s1, s21  }
0x314: {  	[tilespmem:s2], [sflag:$0x4] =	stream.linear.gather [hbm4b:s21+s5], $0x400, $0x38;
	[tilespmem:$0x1FB00] =	vst v63  }
0x315: {  	s23 =	sadd.s32 $0xF4280, s21  }
0x316: {  	[tilespmem:s24], [sflag:$0x4] =	stream.linear.gather [hbm4b:s23+s5], $0x400, $0x38;
	[tilespmem:$0x1FB00] =	vst v63  }
0x317: {  	s26 =	sadd.s32 $0x1E8500, s21  }
0x318: {  	[tilespmem:s25], [sflag:$0x4] =	stream.linear.gather [hbm4b:s26+s5], $0x400, $0x38;
	[tilespmem:$0x1FB00] =	vst v63  }
0x319: {  	s23 =	sadd.s32 $0x2DC780, s21;
	s26 =	simm.s32 $0x10500  }
0x31a: {  	[tilespmem:s26], [sflag:$0x4] =	stream.linear.gather [hbm4b:s23+s5], $0x400, $0x38;
	[tilespmem:$0x1FB00] =	vst v63  }
0x31b: {  	s23 =	sadd.s32 $0x3D0A00, s21;
	s26 =	simm.s32 $0x13100  }
0x31c: {  	[tilespmem:s26], [sflag:$0x4] =	stream.linear.gather [hbm4b:s23+s5], $0x400, $0x38;
	[tilespmem:$0x1FB00] =	vst v63  }
0x31d: {  	p0 =	sgt.s32 s20, $0xF41FF;
	s23 =	sadd.s32 $0xFFF0C300, s20;
	s20 =	sand.u32 $0x7F, s20  }
0x31e: {  	s20 =	smov.u32 @p0 s23  }
0x31f: {  	s26 =	simm.s32 $0x15D00;
	s23 =	sadd.s32 $0x4C4C80, s21;
	v11 =	vmov s20  }
0x320: {  	[tilespmem:s26], [sflag:$0x4] =	stream.linear.gather [hbm4b:s23+s5], $0x400, $0x38;
	v12 =	vshll.u32 v11, $0x3;
	[tilespmem:$0x1FB00] =	vst v63  }
0x321: {  	s23 =	sadd.s32 $0x5B8F00, s21;
	s26 =	simm.s32 $0x18900;
	v11 =	vand.u32 $0x7F, v11;
	v12 =	vand.u32 $0xFFFFFC00, v12  }
0x322: {  	[tilespmem:s26], [sflag:$0x4] =	stream.linear.gather [hbm4b:s23+s5], $0x400, $0x38;
	v11 =	vor.u32 v11, v12;
	[tilespmem:$0x1FB00] =	vst v63  }
0x323: {  	s26 =	sadd.s32 $0x6AD180, s21;
	v12 =	vadd.s32 v4, v11  }
0x324: {  	[tilespmem:s28], [sflag:$0x4] =	stream.linear.gather [hbm4b:s26+s5], $0x400, $0x38;
	[tilespmem:$0x1FB00] =	vst v63  }
0x325: {  	_ =	swait.ge [sflag:s16], $0x2000  }
0x326: {  	[sflag:s16] =	ssyncset.done $0x0  }
0x327: {  	[sflag:s16] =	ssyncadd.s32 $0xFFFFE000  }
0x328: {  	v12 =	vld.idx.msk [tilespmem:v12+s2+$0x0], $0xffff  }
0x329: {  	v13 =	vadd.s32 v5, v11;
	_ =	sdelay $0x3  }
0x32a: {  	[tilespmem:v3+s3+$0x0] =	vst.idx.msk $0xffff, v12  }
0x32b: {  	v12 =	vld.idx.msk [tilespmem:v13+s2+$0x0], $0xffff  }
0x32c: {  	v63 =	vadd.s32 v6, v11;
	_ =	sdelay $0x3  }
0x32d: {  	[tilespmem:v8+s3+$0x0] =	vst.idx.msk $0xffff, v12  }
0x32e: {  	v12 =	vld.idx.msk [tilespmem:v63+s2+$0x0], $0xffff  }
0x32f: {  	v11 =	vadd.s32 v7, v11;
	_ =	sdelay $0x3  }
0x330: {  	[tilespmem:v9+s3+$0x0] =	vst.idx.msk $0xffff, v12  }
0x331: {  	v11 =	vld.idx.msk [tilespmem:v11+s2+$0x0], $0xffff;
	_ =	sdelay $0x2  }
0x332: {  	s19 =	sshll.u32 s19, $0x4  }
0x333: {  	s19 =	sand.u32 $0x1FFFFFF0, s19  }
.Ltmp24:
0x334: {  	s19 =	sadd.s32 s7, s19;
	[tilespmem:v10+s3+$0x0] =	vst.idx.msk $0xffff, v11;
	(pc) =	sbr.rel .LBB2_31-.Ltmp24, $4  }
0x335: {  	[hbm4b:s19+s5] =	stream.linear.scatter [tilespmem:s3], [sflag:$0x3], $0x80, $0x38;
	[tilespmem:$0x1FB00] =	vst v63  }
0x336: {  	_ =	swait.ge [sflag:s22], $0x80  }
0x337: {  	[sflag:s22] =	ssyncset.done $0x0  }
0x338: {  	[sflag:s22] =	ssyncadd.s32 $0xFFFFFF80  }
.LBB2_14:
.Ltmp25:
0x339: {  	(pc) =	sbr.rel .LBB2_22-.Ltmp25, $2  }
0x33a: {  	_ =	sdelay $0x2  }
0x33b: {  	s20 =	simm.s32 $0x1  }
.LBB2_19:
.Ltmp26:
0x33c: {  	(pc) =	sbr.rel .LBB2_22-.Ltmp26, $2  }
0x33d: {  	_ =	sdelay $0x2  }
0x33e: {  	s23 =	simm.s32 $0x1  }
.LBB2_33:
0x33f: {  	_ =	sfence.sel $0x180000  }
0x340: {  	[bflag:$0x0] =	sbarrier.arrive $0xFFFF  }
0x341: {  	_ =	strace $0x90000047  }
0x342: {  	s0 =	stileid.u32;
	[bflag:$0x2] =	sbarrier.arrive $0xFFFF  }
0x343: {  	p0 =	sne.s32 s0, $0x0;
	s0 =	rddreg [dreg:$0x4]  }
0x344: {  	s0 =	sadd.s32 @!p0 $0x100000, s0  }
0x345: {  	[sflag:s0] =	ssyncadd.tile.s32 @!p0 $0x1;
	_ =	shalt  }
.Lfunc_end2:
_tile_overlayer_lowered:
.L_overlay_start_2:
0x346: {  	(tag) =	ssettag $0x2  }
0x347: {  	s0 =	rddreg [dreg:$0x0];
	s2 =	stileid.u32  }
0x348: {  	s1 =	rddreg [dreg:$0x1];
	p0 =	sne.s32 s2, $0x0  }
0x349: {  	s3 =	rddreg [dreg:$0x2];
	[bflag:$0x3] =	sbarrier.arrive $0xFFFF;
	s2 =	simm.s32 @!p0 $0x1C03  }
0x34a: {  	[timem:s3], [sflag:s2] =	dma.local @!p0 [hbm:s0], s1  }
0x34b: {  	s0 =	simm.s32 @!p0 $0x3  }
0x34c: {  	_ =	swait.ge @!p0 [sflag:s0], s1  }
0x34d: {  	s1 =	ssub.s32 @!p0 $0x0, s1;
	[sflag:s0] =	ssyncset.done @!p0 $0x0  }
0x34e: {  	[sflag:s0] =	ssyncadd.s32 @!p0 s1  }
0x34f: {  	[bflag:$0x3] =	sbarrier.arrive $0xFFFF  }
0x350: {  	_ =	shalt  }

</sc_bundles>
